<compile_context>
chip_gen: v7x
topology: tpu7x:2x2x1
jax: 0.10.2.dev20260603
libtpu: 0.0.44.dev20260713+nightly
codegen_flags: <defaults>
</compile_context>

<pallas_src>
import jax
import jax.numpy as jnp
from jax import lax
from jax.experimental import pallas as pl
from jax.experimental.pallas import tpu as pltpu
from jax.experimental.pallas import tpu_sc as plsc

N = 10000
E = 320000
D_IN = 128
D_H = 128
D_OUT = 64

NC = 2
NS = 16
NW = NC * NS

CHUNK = 128
N_PAD = 10240
ROWS_PER_TILE = N_PAD // NS
CHUNKS_PER_TILE = 80
EDGES_PER_TILE = CHUNKS_PER_TILE * CHUNK
E_PAD = NW * EDGES_PER_TILE
NBUF = 4
WCHUNKS = 16
WINDOWS = CHUNKS_PER_TILE // WCHUNKS

_MESH = plsc.VectorSubcoreMesh(
    core_axis_name="c", subcore_axis_name="s", num_cores=NC, num_subcores=NS)
_PARAMS = pltpu.CompilerParams(use_tc_tiling_on_sc=False)


_HROWS = N_PAD // 16


def _deg_body(src_ref, dst_ref, zeros_ref, iota_ref, do_out, di_out,
              sidx, didx, iota_v, do_hist, di_hist, do_acc, di_acc):
    c = lax.axis_index("c")
    s = lax.axis_index("s")
    wid = c * NS + s
    hrow0 = s * (_HROWS // NS)
    pltpu.sync_copy(zeros_ref.at[pl.ds(hrow0, _HROWS // NS)],
                    do_acc.at[pl.ds(hrow0, _HROWS // NS)])
    pltpu.sync_copy(zeros_ref.at[pl.ds(hrow0, _HROWS // NS)],
                    di_acc.at[pl.ds(hrow0, _HROWS // NS)])
    pltpu.sync_copy(src_ref.at[pl.ds(wid * CHUNKS_PER_TILE, CHUNKS_PER_TILE)], sidx)
    pltpu.sync_copy(dst_ref.at[pl.ds(wid * CHUNKS_PER_TILE, CHUNKS_PER_TILE)], didx)
    pltpu.sync_copy(iota_ref, iota_v)
    z = jnp.zeros((16,), jnp.float32)

    def zero(r, carry):
        do_hist[r, :] = z
        di_hist[r, :] = z
        return carry

    lax.fori_loop(0, _HROWS, zero, 0)
    ones = jnp.ones((16,), jnp.float32)

    def step(i, carry):
        for k in range(CHUNK // 16):
            v = sidx[i, pl.ds(k * 16, 16)]
            plsc.addupdate_scatter(do_hist, [v >> 4, v & 15], ones)
            w = didx[i, pl.ds(k * 16, 16)]
            plsc.addupdate_scatter(di_hist, [w >> 4, w & 15], ones)
        return carry

    lax.fori_loop(0, CHUNKS_PER_TILE, step, 0)
    plsc.subcore_barrier()
    for j in range(_HROWS // CHUNK):
        pltpu.sync_copy(do_hist.at[pl.ds(j * CHUNK, CHUNK)],
                        do_acc.at[iota_v.at[j]], add=True)
        pltpu.sync_copy(di_hist.at[pl.ds(j * CHUNK, CHUNK)],
                        di_acc.at[iota_v.at[j]], add=True)
    plsc.subcore_barrier()
    pltpu.sync_copy(do_acc.at[pl.ds(hrow0, _HROWS // NS)],
                    do_out.at[c, pl.ds(hrow0, _HROWS // NS)])
    pltpu.sync_copy(di_acc.at[pl.ds(hrow0, _HROWS // NS)],
                    di_out.at[c, pl.ds(hrow0, _HROWS // NS)])


def _make_deg_kernel():
    return pl.kernel(
        _deg_body,
        out_type=(jax.ShapeDtypeStruct((NC, _HROWS, 16), jnp.float32),
                  jax.ShapeDtypeStruct((NC, _HROWS, 16), jnp.float32)),
        mesh=_MESH,
        compiler_params=pltpu.CompilerParams(use_tc_tiling_on_sc=False,
                                             needs_layout_passes=False),
        scratch_types=[
            pltpu.VMEM((CHUNKS_PER_TILE, CHUNK), jnp.int32),
            pltpu.VMEM((CHUNKS_PER_TILE, CHUNK), jnp.int32),
            pltpu.VMEM((_HROWS // CHUNK, CHUNK), jnp.int32),
            pltpu.VMEM((_HROWS, 16), jnp.float32),
            pltpu.VMEM((_HROWS, 16), jnp.float32),
            pltpu.VMEM_SHARED((_HROWS, 16), jnp.float32),
            pltpu.VMEM_SHARED((_HROWS, 16), jnp.float32),
        ],
    )


def _run_edge_windows(src_ref, dst_ref, table_sp, acc, sidx, didx, rows, gsem,
                      chunk_base, n_windows):

    def gather(i, b):
        pltpu.async_copy(table_sp.at[sidx.at[i]], rows.at[b], gsem.at[b])

    def window(w, carry):
        base = chunk_base + w * WCHUNKS
        pltpu.sync_copy(src_ref.at[pl.ds(base, WCHUNKS)], sidx)
        pltpu.sync_copy(dst_ref.at[pl.ds(base, WCHUNKS)], didx)
        for b in range(NBUF):
            gather(b, b)

        def group(g, carry2):
            for b in range(NBUF):
                i = g * NBUF + b
                pltpu.make_async_copy(table_sp.at[sidx.at[i]], rows.at[b],
                                      gsem.at[b]).wait()
                pltpu.sync_copy(rows.at[b], acc.at[didx.at[i]], add=True)
                j = i + NBUF

                @pl.when(j < WCHUNKS)
                def _():
                    gather(j, b)
            return carry2

        lax.fori_loop(0, WCHUNKS // NBUF, group, 0)
        return carry

    lax.fori_loop(0, n_windows, window, 0)


def _prop_split_body(table_ref, src_ref, dst_ref, zeros_ref, out_ref,
                     sidx, didx, rows, gsem, table_sp, acc):
    c = lax.axis_index("c")
    s = lax.axis_index("s")
    row0 = s * ROWS_PER_TILE
    pltpu.sync_copy(table_ref.at[c, pl.ds(row0, ROWS_PER_TILE)],
                    table_sp.at[pl.ds(row0, ROWS_PER_TILE)])
    pltpu.sync_copy(zeros_ref.at[pl.ds(row0, ROWS_PER_TILE)],
                    acc.at[pl.ds(row0, ROWS_PER_TILE)])
    plsc.subcore_barrier()
    _run_edge_windows(src_ref, dst_ref, table_sp, acc, sidx, didx, rows, gsem,
                      s * (2 * CHUNKS_PER_TILE), 2 * WINDOWS)
    plsc.subcore_barrier()
    pltpu.sync_copy(acc.at[pl.ds(row0, ROWS_PER_TILE)],
                    out_ref.at[c, pl.ds(row0, ROWS_PER_TILE)])


def _prop_full_body(table_ref, src_ref, dst_ref, zeros_ref, out_ref,
                    sidx, didx, rows, gsem, table_sp, acc):
    c = lax.axis_index("c")
    s = lax.axis_index("s")
    wid = c * NS + s
    row0 = s * ROWS_PER_TILE
    pltpu.sync_copy(table_ref.at[pl.ds(row0, ROWS_PER_TILE)],
                    table_sp.at[pl.ds(row0, ROWS_PER_TILE)])
    pltpu.sync_copy(zeros_ref.at[pl.ds(row0, ROWS_PER_TILE)],
                    acc.at[pl.ds(row0, ROWS_PER_TILE)])
    plsc.subcore_barrier()
    _run_edge_windows(src_ref, dst_ref, table_sp, acc, sidx, didx, rows, gsem,
                      wid * CHUNKS_PER_TILE, WINDOWS)
    plsc.subcore_barrier()
    pltpu.sync_copy(acc.at[pl.ds(row0, ROWS_PER_TILE)],
                    out_ref.at[c, pl.ds(row0, ROWS_PER_TILE)])


def _make_prop_kernel(body, d, dtype):
    return pl.kernel(
        body,
        out_type=jax.ShapeDtypeStruct((NC, N_PAD, d), dtype),
        mesh=_MESH,
        compiler_params=_PARAMS,
        scratch_types=[
            pltpu.VMEM((WCHUNKS, CHUNK), jnp.int32),
            pltpu.VMEM((WCHUNKS, CHUNK), jnp.int32),
            pltpu.VMEM((NBUF, CHUNK, d), dtype),
            pltpu.SemaphoreType.DMA((NBUF,)),
            pltpu.VMEM_SHARED((N_PAD, d), dtype),
            pltpu.VMEM_SHARED((N_PAD, d), dtype),
        ],
    )


def _norm_from(parts_ref):
    deg = parts_ref[0] + parts_ref[1]
    return jnp.where(deg > 0.0, lax.rsqrt(jnp.maximum(deg, 1.0)), 0.0)


def _tc1_body(do_ref, feat_ref, w1_ref, y1_ref):
    nsrc = _norm_from(do_ref)
    y = jnp.dot(feat_ref[...] * nsrc, w1_ref[...],
                preferred_element_type=jnp.float32).astype(jnp.bfloat16)
    y1_ref[0] = y[:, :D_H // 2]
    y1_ref[1] = y[:, D_H // 2:]


def _tc2_body(p_ref, do_ref, di_ref, b1_ref, w2_ref, y2_ref):
    nsrc = _norm_from(do_ref)
    ndst = _norm_from(di_ref)
    agg = jnp.concatenate([p_ref[0], p_ref[1]],
                          axis=-1).astype(jnp.float32) * ndst + b1_ref[...]
    h = jnp.maximum(agg, 0.0)
    y2_ref[...] = jnp.dot(h * nsrc, w2_ref[...],
                          preferred_element_type=jnp.float32).astype(jnp.bfloat16)


def _tc3_body(p_ref, di_ref, b2_ref, o_ref):
    ndst = _norm_from(di_ref)
    p = p_ref[0].astype(jnp.float32) + p_ref[1].astype(jnp.float32)
    o_ref[...] = p * ndst + b2_ref[...]


_R = 1024
_GRID = N_PAD // _R


def _deg_spec():
    return pl.BlockSpec((NC, _R, 1), lambda i: (0, i, 0))


def kernel(features, edge_index, W1, b1, W2, b2):
    src = edge_index[0]
    dst = edge_index[1]
    pad_idx = jnp.full((E_PAD - E,), N, dtype=jnp.int32)
    src_p = jnp.concatenate([src, pad_idx]).reshape(NW * CHUNKS_PER_TILE, CHUNK)
    dst_p = jnp.concatenate([dst, pad_idx]).reshape(NW * CHUNKS_PER_TILE, CHUNK)
    feat_p = jnp.zeros((N_PAD, D_IN), jnp.float32).at[:N].set(features)
    zeros_deg = jnp.zeros((_HROWS, 16), jnp.float32)
    iota_deg = jnp.arange(_HROWS, dtype=jnp.int32).reshape(_HROWS // CHUNK, CHUNK)

    do_lin, di_lin = _make_deg_kernel()(src_p, dst_p, zeros_deg, iota_deg)
    do_part = do_lin.reshape(NC, N_PAD, 1)
    di_part = di_lin.reshape(NC, N_PAD, 1)

    y1 = pl.pallas_call(
        _tc1_body,
        grid=(_GRID,),
        in_specs=[
            _deg_spec(),
            pl.BlockSpec((_R, D_IN), lambda i: (i, 0)),
            pl.BlockSpec((D_IN, D_H), lambda i: (0, 0)),
        ],
        out_specs=pl.BlockSpec((NC, _R, D_H // 2), lambda i: (0, i, 0)),
        out_shape=jax.ShapeDtypeStruct((NC, N_PAD, D_H // 2), jnp.bfloat16),
    )(do_part, feat_p, W1)

    zeros_bf = jnp.zeros((N_PAD, D_H // 2), jnp.bfloat16)
    p1 = _make_prop_kernel(_prop_split_body, D_H // 2, jnp.bfloat16)(
        y1, src_p, dst_p, zeros_bf)

    y2 = pl.pallas_call(
        _tc2_body,
        grid=(_GRID,),
        in_specs=[
            pl.BlockSpec((NC, _R, D_H // 2), lambda i: (0, i, 0)),
            _deg_spec(),
            _deg_spec(),
            pl.BlockSpec((1, D_H), lambda i: (0, 0)),
            pl.BlockSpec((D_H, D_OUT), lambda i: (0, 0)),
        ],
        out_specs=pl.BlockSpec((_R, D_OUT), lambda i: (i, 0)),
        out_shape=jax.ShapeDtypeStruct((N_PAD, D_OUT), jnp.bfloat16),
    )(p1, do_part, di_part, b1.reshape(1, D_H), W2)

    zeros_obf = jnp.zeros((N_PAD, D_OUT), jnp.bfloat16)
    p2 = _make_prop_kernel(_prop_full_body, D_OUT, jnp.bfloat16)(
        y2, src_p, dst_p, zeros_obf)

    out = pl.pallas_call(
        _tc3_body,
        grid=(_GRID,),
        in_specs=[
            pl.BlockSpec((NC, _R, D_OUT), lambda i: (0, i, 0)),
            _deg_spec(),
            pl.BlockSpec((1, D_OUT), lambda i: (0, 0)),
        ],
        out_specs=pl.BlockSpec((_R, D_OUT), lambda i: (i, 0)),
        out_shape=jax.ShapeDtypeStruct((N_PAD, D_OUT), jnp.float32),
    )(p2, di_part, b2.reshape(1, D_OUT))

    return out[:N]

# --- scband reference (transcript-rebuilt; emitter-appended) ---
"""Pipeline reference for scband-gnn-31851477467287 (READ-ONLY COPY).

The authoritative reference and input builder live on the scoring server;
editing this copy changes nothing except your own understanding.
"""

import jax, jax.numpy as jnp
import numpy as np

N = 10000
E = 320000
D_IN = 128
D_H = 128
D_OUT = 64


def setup_inputs(seed: int = 0) -> dict:
    key = jax.random.key(seed)
    k1, k2, k3, k4, k5, k6 = jax.random.split(key, 6)
    features = jax.random.normal(k1, (N, D_IN), dtype=jnp.float32)
    edge_index = jax.random.randint(k2, (2, E), 0, N, dtype=jnp.int32)
    # GraphConv weights (glorot-ish init) and biases
    W1 = jax.random.normal(k3, (D_IN, D_H), dtype=jnp.float32) * (1.0 / np.sqrt(D_IN))
    b1 = jnp.zeros((D_H,), dtype=jnp.float32)
    W2 = jax.random.normal(k4, (D_H, D_OUT), dtype=jnp.float32) * (1.0 / np.sqrt(D_H))
    b2 = jnp.zeros((D_OUT,), dtype=jnp.float32)
    return {"features": features, "edge_index": edge_index, "W1": W1, "b1": b1, "W2": W2, "b2": b2}


def _graph_conv(x, W, b, src, dst, norm_src, norm_dst):
    # DGL GraphConv with norm='both': h = D_dst^{-1/2} A D_src^{-1/2} x W + b
    h = x * norm_src[:, None]
    msg = jnp.take(h, src, axis=0)                      # gather on src nodes
    agg = jax.ops.segment_sum(msg, dst, num_segments=N)  # scatter-add to dst nodes
    agg = agg * norm_dst[:, None]
    return agg @ W + b


def reference(features, edge_index, W1, b1, W2, b2):
    src = edge_index[0]
    dst = edge_index[1]
    ones = jnp.ones((E,), dtype=jnp.float32)
    deg_out = jax.ops.segment_sum(ones, src, num_segments=N)
    deg_in = jax.ops.segment_sum(ones, dst, num_segments=N)
    norm_src = jnp.where(deg_out > 0, jax.lax.rsqrt(jnp.maximum(deg_out, 1.0)), 0.0)
    norm_dst = jnp.where(deg_in > 0, jax.lax.rsqrt(jnp.maximum(deg_in, 1.0)), 0.0)

    x = _graph_conv(features, W1, b1, src, dst, norm_src, norm_dst)
    x = jax.nn.relu(x)
    x = _graph_conv(x, W2, b2, src, dst, norm_src, norm_dst)
    return x

if __name__ == "__main__":
    import jax
    _d = setup_inputs()
    print(jax.jit(kernel)(*tuple(_d.values())))

</pallas_src>

<mosaic_0001>
#map = affine_map<(d0, d1) -> (0, 0)>
#map1 = affine_map<(d0, d1) -> (0, 0, 0)>
module attributes {stable_mosaic.version = 14 : i64} {
  func.func @_deg_body(%arg0: i32, %arg1: i32, %arg2: memref<2560x128xi32, #tpu.memory_space<hbm>>, %arg3: memref<2560x128xi32, #tpu.memory_space<hbm>>, %arg4: memref<640x16xf32, #tpu.memory_space<hbm>>, %arg5: memref<5x128xi32, #tpu.memory_space<hbm>>, %arg6: memref<2x640x16xf32, #tpu.memory_space<hbm>>, %arg7: memref<2x640x16xf32, #tpu.memory_space<hbm>>, %arg8: memref<80x128xi32, #tpu.memory_space<vmem>>, %arg9: memref<80x128xi32, #tpu.memory_space<vmem>>, %arg10: memref<5x128xi32, #tpu.memory_space<vmem>>, %arg11: memref<640x16xf32, #tpu.memory_space<vmem>>, %arg12: memref<640x16xf32, #tpu.memory_space<vmem>>, %arg13: memref<640x16xf32, #tpu.memory_space<vmem_shared>>, %arg14: memref<640x16xf32, #tpu.memory_space<vmem_shared>>) attributes {dimension_semantics = [#tpu.dimension_semantics<core_parallel>, #tpu.dimension_semantics<subcore_parallel>], iteration_bounds = array<i64: 2, 16>, scalar_prefetch = 0 : i64, scratch_operands = 7 : i64, tpu.core_type = #tpu.core_type<sc_vector_subcore>, window_params = [{transform_indices = #map}, {transform_indices = #map}, {transform_indices = #map}, {transform_indices = #map}, {transform_indices = #map1}, {transform_indices = #map1}]} {
    %mul3A = arith.constant 16 : i32
    %mul3A_0 = arith.muli %arg0, %mul3A : i32
    %add3A = arith.addi %mul3A_0, %arg1 : i32
    %mul3A_1 = arith.constant 40 : i32
    %mul3A_2 = arith.muli %arg1, %mul3A_1 : i32
    "tpu.region"() ({
      %run_scoped3A_31 = tpu.sem_alloc : memref<!tpu.dma_semaphore, #tpu.memory_space<semaphore_mem>>
      %dma_start3A = arith.constant 0 : i32
      %dma_start3A_32 = tpu.memref_slice %arg13[%mul3A_2, %dma_start3A] : memref<640x16xf32, #tpu.memory_space<vmem_shared>> -> memref<40x16xf32, #tpu.memory_space<vmem_shared>>
      %dma_start3A_33 = arith.constant 0 : i32
      %dma_start3A_34 = tpu.memref_slice %arg4[%mul3A_2, %dma_start3A_33] : memref<640x16xf32, #tpu.memory_space<hbm>> -> memref<40x16xf32, #tpu.memory_space<hbm>>
      tpu.enqueue_dma source(%dma_start3A_34 : memref<40x16xf32, #tpu.memory_space<hbm>>) target(%dma_start3A_32 : memref<40x16xf32, #tpu.memory_space<vmem_shared>>) target_semaphore(%run_scoped3A_31 : memref<!tpu.dma_semaphore, #tpu.memory_space<semaphore_mem>>)
      %dma_wait3A = arith.constant 0 : i32
      %dma_wait3A_35 = tpu.memref_slice %arg13[%mul3A_2, %dma_wait3A] : memref<640x16xf32, #tpu.memory_space<vmem_shared>> -> memref<40x16xf32, #tpu.memory_space<vmem_shared>>
      %dma_wait3A_36 = arith.constant 0 : i32
      %dma_wait3A_37 = tpu.memref_slice %arg4[%mul3A_2, %dma_wait3A_36] : memref<640x16xf32, #tpu.memory_space<hbm>> -> memref<40x16xf32, #tpu.memory_space<hbm>>
      tpu.wait_dma2 semaphore(%run_scoped3A_31 : memref<!tpu.dma_semaphore, #tpu.memory_space<semaphore_mem>>) src(%dma_wait3A_37 : memref<40x16xf32, #tpu.memory_space<hbm>>) dst(%dma_wait3A_35 : memref<40x16xf32, #tpu.memory_space<vmem_shared>>)
      tpu.yield
    }) : () -> ()
    "tpu.region"() ({
      %run_scoped3A_31 = tpu.sem_alloc : memref<!tpu.dma_semaphore, #tpu.memory_space<semaphore_mem>>
      %dma_start3A = arith.constant 0 : i32
      %dma_start3A_32 = tpu.memref_slice %arg14[%mul3A_2, %dma_start3A] : memref<640x16xf32, #tpu.memory_space<vmem_shared>> -> memref<40x16xf32, #tpu.memory_space<vmem_shared>>
      %dma_start3A_33 = arith.constant 0 : i32
      %dma_start3A_34 = tpu.memref_slice %arg4[%mul3A_2, %dma_start3A_33] : memref<640x16xf32, #tpu.memory_space<hbm>> -> memref<40x16xf32, #tpu.memory_space<hbm>>
      tpu.enqueue_dma source(%dma_start3A_34 : memref<40x16xf32, #tpu.memory_space<hbm>>) target(%dma_start3A_32 : memref<40x16xf32, #tpu.memory_space<vmem_shared>>) target_semaphore(%run_scoped3A_31 : memref<!tpu.dma_semaphore, #tpu.memory_space<semaphore_mem>>)
      %dma_wait3A = arith.constant 0 : i32
      %dma_wait3A_35 = tpu.memref_slice %arg14[%mul3A_2, %dma_wait3A] : memref<640x16xf32, #tpu.memory_space<vmem_shared>> -> memref<40x16xf32, #tpu.memory_space<vmem_shared>>
      %dma_wait3A_36 = arith.constant 0 : i32
      %dma_wait3A_37 = tpu.memref_slice %arg4[%mul3A_2, %dma_wait3A_36] : memref<640x16xf32, #tpu.memory_space<hbm>> -> memref<40x16xf32, #tpu.memory_space<hbm>>
      tpu.wait_dma2 semaphore(%run_scoped3A_31 : memref<!tpu.dma_semaphore, #tpu.memory_space<semaphore_mem>>) src(%dma_wait3A_37 : memref<40x16xf32, #tpu.memory_space<hbm>>) dst(%dma_wait3A_35 : memref<40x16xf32, #tpu.memory_space<vmem_shared>>)
      tpu.yield
    }) : () -> ()
    %mul3A_3 = arith.constant 80 : i32
    %mul3A_4 = arith.muli %add3A, %mul3A_3 : i32
    "tpu.region"() ({
      %run_scoped3A_31 = tpu.sem_alloc : memref<!tpu.dma_semaphore, #tpu.memory_space<semaphore_mem>>
      %dma_start3A = arith.constant 0 : i32
      %dma_start3A_32 = tpu.memref_slice %arg2[%mul3A_4, %dma_start3A] : memref<2560x128xi32, #tpu.memory_space<hbm>> -> memref<80x128xi32, #tpu.memory_space<hbm>>
      %dma_start3A_33 = arith.constant 0 : i32
      %dma_start3A_34 = tpu.memref_slice %arg2[%mul3A_4, %dma_start3A_33] : memref<2560x128xi32, #tpu.memory_space<hbm>> -> memref<80x128xi32, #tpu.memory_space<hbm>>
      tpu.enqueue_dma source(%dma_start3A_34 : memref<80x128xi32, #tpu.memory_space<hbm>>) target(%arg8 : memref<80x128xi32, #tpu.memory_space<vmem>>) target_semaphore(%run_scoped3A_31 : memref<!tpu.dma_semaphore, #tpu.memory_space<semaphore_mem>>)
      %dma_wait3A = arith.constant 0 : i32
      %dma_wait3A_35 = tpu.memref_slice %arg2[%mul3A_4, %dma_wait3A] : memref<2560x128xi32, #tpu.memory_space<hbm>> -> memref<80x128xi32, #tpu.memory_space<hbm>>
      %dma_wait3A_36 = arith.constant 0 : i32
      %dma_wait3A_37 = tpu.memref_slice %arg2[%mul3A_4, %dma_wait3A_36] : memref<2560x128xi32, #tpu.memory_space<hbm>> -> memref<80x128xi32, #tpu.memory_space<hbm>>
      tpu.wait_dma2 semaphore(%run_scoped3A_31 : memref<!tpu.dma_semaphore, #tpu.memory_space<semaphore_mem>>) src(%dma_wait3A_37 : memref<80x128xi32, #tpu.memory_space<hbm>>) dst(%arg8 : memref<80x128xi32, #tpu.memory_space<vmem>>)
      tpu.yield
    }) : () -> ()
    %mul3A_5 = arith.constant 80 : i32
    %mul3A_6 = arith.muli %add3A, %mul3A_5 : i32
    "tpu.region"() ({
      %run_scoped3A_31 = tpu.sem_alloc : memref<!tpu.dma_semaphore, #tpu.memory_space<semaphore_mem>>
      %dma_start3A = arith.constant 0 : i32
      %dma_start3A_32 = tpu.memref_slice %arg3[%mul3A_6, %dma_start3A] : memref<2560x128xi32, #tpu.memory_space<hbm>> -> memref<80x128xi32, #tpu.memory_space<hbm>>
      %dma_start3A_33 = arith.constant 0 : i32
      %dma_start3A_34 = tpu.memref_slice %arg3[%mul3A_6, %dma_start3A_33] : memref<2560x128xi32, #tpu.memory_space<hbm>> -> memref<80x128xi32, #tpu.memory_space<hbm>>
      tpu.enqueue_dma source(%dma_start3A_34 : memref<80x128xi32, #tpu.memory_space<hbm>>) target(%arg9 : memref<80x128xi32, #tpu.memory_space<vmem>>) target_semaphore(%run_scoped3A_31 : memref<!tpu.dma_semaphore, #tpu.memory_space<semaphore_mem>>)
      %dma_wait3A = arith.constant 0 : i32
      %dma_wait3A_35 = tpu.memref_slice %arg3[%mul3A_6, %dma_wait3A] : memref<2560x128xi32, #tpu.memory_space<hbm>> -> memref<80x128xi32, #tpu.memory_space<hbm>>
      %dma_wait3A_36 = arith.constant 0 : i32
      %dma_wait3A_37 = tpu.memref_slice %arg3[%mul3A_6, %dma_wait3A_36] : memref<2560x128xi32, #tpu.memory_space<hbm>> -> memref<80x128xi32, #tpu.memory_space<hbm>>
      tpu.wait_dma2 semaphore(%run_scoped3A_31 : memref<!tpu.dma_semaphore, #tpu.memory_space<semaphore_mem>>) src(%dma_wait3A_37 : memref<80x128xi32, #tpu.memory_space<hbm>>) dst(%arg9 : memref<80x128xi32, #tpu.memory_space<vmem>>)
      tpu.yield
    }) : () -> ()
    "tpu.region"() ({
      %run_scoped3A_31 = tpu.sem_alloc : memref<!tpu.dma_semaphore, #tpu.memory_space<semaphore_mem>>
      tpu.enqueue_dma source(%arg5 : memref<5x128xi32, #tpu.memory_space<hbm>>) target(%arg10 : memref<5x128xi32, #tpu.memory_space<vmem>>) target_semaphore(%run_scoped3A_31 : memref<!tpu.dma_semaphore, #tpu.memory_space<semaphore_mem>>)
      tpu.wait_dma2 semaphore(%run_scoped3A_31 : memref<!tpu.dma_semaphore, #tpu.memory_space<semaphore_mem>>) src(%arg5 : memref<5x128xi32, #tpu.memory_space<hbm>>) dst(%arg10 : memref<5x128xi32, #tpu.memory_space<vmem>>)
      tpu.yield
    }) : () -> ()
    %broadcast_in_dim3A = arith.constant 0.000000e+00 : f32
    %broadcast_in_dim3A_7 = vector.broadcast %broadcast_in_dim3A : f32 to vector<16xf32>
    %scan3A = arith.constant 0 : i32
    %scan3A_8 = arith.constant 0 : i32
    %scan3A_9 = arith.constant 640 : i32
    %scan3A_10 = arith.addi %scan3A_8, %scan3A_9 : i32
    %scan3A_11 = arith.constant 1 : i32
    scf.for %scan3A_31 = %scan3A_8 to %scan3A_10 step %scan3A_11  : i32 {
      %swap3A = arith.index_cast %scan3A_31 : i32 to index
      %swap3A_32 = arith.constant 0 : index
      %swap3A_33 = tpu.vector_load %arg11[%swap3A, %swap3A_32] {strides = array<i32>} : memref<640x16xf32, #tpu.memory_space<vmem>>, vector<16xf32>,
      tpu.vector_store %arg11[%swap3A, %swap3A_32], %broadcast_in_dim3A_7 {strides = array<i32>} : memref<640x16xf32, #tpu.memory_space<vmem>>, vector<16xf32>,
      %swap3A_34 = arith.index_cast %scan3A_31 : i32 to index
      %swap3A_35 = arith.constant 0 : index
      %swap3A_36 = tpu.vector_load %arg12[%swap3A_34, %swap3A_35] {strides = array<i32>} : memref<640x16xf32, #tpu.memory_space<vmem>>, vector<16xf32>,
      tpu.vector_store %arg12[%swap3A_34, %swap3A_35], %broadcast_in_dim3A_7 {strides = array<i32>} : memref<640x16xf32, #tpu.memory_space<vmem>>, vector<16xf32>,
    }
    %scan3A_12 = arith.constant 640 : i32
    %broadcast_in_dim3A_13 = arith.constant 1.000000e+00 : f32
    %broadcast_in_dim3A_14 = vector.broadcast %broadcast_in_dim3A_13 : f32 to vector<16xf32>
    %scan3A_15 = arith.constant 0 : i32
    %scan3A_16 = arith.constant 0 : i32
    %scan3A_17 = arith.constant 80 : i32
    %scan3A_18 = arith.addi %scan3A_16, %scan3A_17 : i32
    %scan3A_19 = arith.constant 1 : i32
    scf.for %scan3A_31 = %scan3A_16 to %scan3A_18 step %scan3A_19  : i32 {
      %get3A = arith.index_cast %scan3A_31 : i32 to index
      %get3A_32 = arith.constant 0 : index
      %get3A_33 = tpu.vector_load %arg8[%get3A, %get3A_32] {strides = array<i32>} : memref<80x128xi32, #tpu.memory_space<vmem>>, vector<16xi32>,
      %shift_right_arithmetic3A = arith.constant 4 : i32
      %shift_right_arithmetic3A_34 = vector.broadcast %shift_right_arithmetic3A : i32 to vector<16xi32>
      %shift_right_arithmetic3A_35 = arith.shrsi %get3A_33, %shift_right_arithmetic3A_34 : vector<16xi32>
      %and3A = arith.constant 15 : i32
      %and3A_36 = vector.broadcast %and3A : i32 to vector<16xi32>
      %and3A_37 = arith.andi %get3A_33, %and3A_36 : vector<16xi32>
      tpu.vector_store_idx %arg11[%shift_right_arithmetic3A_35, %and3A_37], %broadcast_in_dim3A_14 {add = true} : memref<640x16xf32, #tpu.memory_space<vmem>>[vector<16xi32>, vector<16xi32>], vector<16xf32>,
      %get3A_38 = arith.index_cast %scan3A_31 : i32 to index
      %get3A_39 = arith.constant 0 : index
      %get3A_40 = tpu.vector_load %arg9[%get3A_38, %get3A_39] {strides = array<i32>} : memref<80x128xi32, #tpu.memory_space<vmem>>, vector<16xi32>,
      %shift_right_arithmetic3A_41 = arith.constant 4 : i32
      %shift_right_arithmetic3A_42 = vector.broadcast %shift_right_arithmetic3A_41 : i32 to vector<16xi32>
      %shift_right_arithmetic3A_43 = arith.shrsi %get3A_40, %shift_right_arithmetic3A_42 : vector<16xi32>
      %and3A_44 = arith.constant 15 : i32
      %and3A_45 = vector.broadcast %and3A_44 : i32 to vector<16xi32>
      %and3A_46 = arith.andi %get3A_40, %and3A_45 : vector<16xi32>
      tpu.vector_store_idx %arg12[%shift_right_arithmetic3A_43, %and3A_46], %broadcast_in_dim3A_14 {add = true} : memref<640x16xf32, #tpu.memory_space<vmem>>[vector<16xi32>, vector<16xi32>], vector<16xf32>,
      %get3A_47 = arith.index_cast %scan3A_31 : i32 to index
      %get3A_48 = arith.constant 16 : index
      %get3A_49 = tpu.vector_load %arg8[%get3A_47, %get3A_48] {strides = array<i32>} : memref<80x128xi32, #tpu.memory_space<vmem>>, vector<16xi32>,
      %shift_right_arithmetic3A_50 = arith.constant 4 : i32
      %shift_right_arithmetic3A_51 = vector.broadcast %shift_right_arithmetic3A_50 : i32 to vector<16xi32>
      %shift_right_arithmetic3A_52 = arith.shrsi %get3A_49, %shift_right_arithmetic3A_51 : vector<16xi32>
      %and3A_53 = arith.constant 15 : i32
      %and3A_54 = vector.broadcast %and3A_53 : i32 to vector<16xi32>
      %and3A_55 = arith.andi %get3A_49, %and3A_54 : vector<16xi32>
      tpu.vector_store_idx %arg11[%shift_right_arithmetic3A_52, %and3A_55], %broadcast_in_dim3A_14 {add = true} : memref<640x16xf32, #tpu.memory_space<vmem>>[vector<16xi32>, vector<16xi32>], vector<16xf32>,
      %get3A_56 = arith.index_cast %scan3A_31 : i32 to index
      %get3A_57 = arith.constant 16 : index
      %get3A_58 = tpu.vector_load %arg9[%get3A_56, %get3A_57] {strides = array<i32>} : memref<80x128xi32, #tpu.memory_space<vmem>>, vector<16xi32>,
      %shift_right_arithmetic3A_59 = arith.constant 4 : i32
      %shift_right_arithmetic3A_60 = vector.broadcast %shift_right_arithmetic3A_59 : i32 to vector<16xi32>
      %shift_right_arithmetic3A_61 = arith.shrsi %get3A_58, %shift_right_arithmetic3A_60 : vector<16xi32>
      %and3A_62 = arith.constant 15 : i32
      %and3A_63 = vector.broadcast %and3A_62 : i32 to vector<16xi32>
      %and3A_64 = arith.andi %get3A_58, %and3A_63 : vector<16xi32>
      tpu.vector_store_idx %arg12[%shift_right_arithmetic3A_61, %and3A_64], %broadcast_in_dim3A_14 {add = true} : memref<640x16xf32, #tpu.memory_space<vmem>>[vector<16xi32>, vector<16xi32>], vector<16xf32>,
      %get3A_65 = arith.index_cast %scan3A_31 : i32 to index
      %get3A_66 = arith.constant 32 : index
      %get3A_67 = tpu.vector_load %arg8[%get3A_65, %get3A_66] {strides = array<i32>} : memref<80x128xi32, #tpu.memory_space<vmem>>, vector<16xi32>,
      %shift_right_arithmetic3A_68 = arith.constant 4 : i32
      %shift_right_arithmetic3A_69 = vector.broadcast %shift_right_arithmetic3A_68 : i32 to vector<16xi32>
      %shift_right_arithmetic3A_70 = arith.shrsi %get3A_67, %shift_right_arithmetic3A_69 : vector<16xi32>
      %and3A_71 = arith.constant 15 : i32
      %and3A_72 = vector.broadcast %and3A_71 : i32 to vector<16xi32>
      %and3A_73 = arith.andi %get3A_67, %and3A_72 : vector<16xi32>
      tpu.vector_store_idx %arg11[%shift_right_arithmetic3A_70, %and3A_73], %broadcast_in_dim3A_14 {add = true} : memref<640x16xf32, #tpu.memory_space<vmem>>[vector<16xi32>, vector<16xi32>], vector<16xf32>,
      %get3A_74 = arith.index_cast %scan3A_31 : i32 to index
      %get3A_75 = arith.constant 32 : index
      %get3A_76 = tpu.vector_load %arg9[%get3A_74, %get3A_75] {strides = array<i32>} : memref<80x128xi32, #tpu.memory_space<vmem>>, vector<16xi32>,
      %shift_right_arithmetic3A_77 = arith.constant 4 : i32
      %shift_right_arithmetic3A_78 = vector.broadcast %shift_right_arithmetic3A_77 : i32 to vector<16xi32>
      %shift_right_arithmetic3A_79 = arith.shrsi %get3A_76, %shift_right_arithmetic3A_78 : vector<16xi32>
      %and3A_80 = arith.constant 15 : i32
      %and3A_81 = vector.broadcast %and3A_80 : i32 to vector<16xi32>
      %and3A_82 = arith.andi %get3A_76, %and3A_81 : vector<16xi32>
      tpu.vector_store_idx %arg12[%shift_right_arithmetic3A_79, %and3A_82], %broadcast_in_dim3A_14 {add = true} : memref<640x16xf32, #tpu.memory_space<vmem>>[vector<16xi32>, vector<16xi32>], vector<16xf32>,
      %get3A_83 = arith.index_cast %scan3A_31 : i32 to index
      %get3A_84 = arith.constant 48 : index
      %get3A_85 = tpu.vector_load %arg8[%get3A_83, %get3A_84] {strides = array<i32>} : memref<80x128xi32, #tpu.memory_space<vmem>>, vector<16xi32>,
      %shift_right_arithmetic3A_86 = arith.constant 4 : i32
      %shift_right_arithmetic3A_87 = vector.broadcast %shift_right_arithmetic3A_86 : i32 to vector<16xi32>
      %shift_right_arithmetic3A_88 = arith.shrsi %get3A_85, %shift_right_arithmetic3A_87 : vector<16xi32>
      %and3A_89 = arith.constant 15 : i32
      %and3A_90 = vector.broadcast %and3A_89 : i32 to vector<16xi32>
      %and3A_91 = arith.andi %get3A_85, %and3A_90 : vector<16xi32>
      tpu.vector_store_idx %arg11[%shift_right_arithmetic3A_88, %and3A_91], %broadcast_in_dim3A_14 {add = true} : memref<640x16xf32, #tpu.memory_space<vmem>>[vector<16xi32>, vector<16xi32>], vector<16xf32>,
      %get3A_92 = arith.index_cast %scan3A_31 : i32 to index
      %get3A_93 = arith.constant 48 : index
      %get3A_94 = tpu.vector_load %arg9[%get3A_92, %get3A_93] {strides = array<i32>} : memref<80x128xi32, #tpu.memory_space<vmem>>, vector<16xi32>,
      %shift_right_arithmetic3A_95 = arith.constant 4 : i32
      %shift_right_arithmetic3A_96 = vector.broadcast %shift_right_arithmetic3A_95 : i32 to vector<16xi32>
      %shift_right_arithmetic3A_97 = arith.shrsi %get3A_94, %shift_right_arithmetic3A_96 : vector<16xi32>
      %and3A_98 = arith.constant 15 : i32
      %and3A_99 = vector.broadcast %and3A_98 : i32 to vector<16xi32>
      %and3A_100 = arith.andi %get3A_94, %and3A_99 : vector<16xi32>
      tpu.vector_store_idx %arg12[%shift_right_arithmetic3A_97, %and3A_100], %broadcast_in_dim3A_14 {add = true} : memref<640x16xf32, #tpu.memory_space<vmem>>[vector<16xi32>, vector<16xi32>], vector<16xf32>,
      %get3A_101 = arith.index_cast %scan3A_31 : i32 to index
      %get3A_102 = arith.constant 64 : index
      %get3A_103 = tpu.vector_load %arg8[%get3A_101, %get3A_102] {strides = array<i32>} : memref<80x128xi32, #tpu.memory_space<vmem>>, vector<16xi32>,
      %shift_right_arithmetic3A_104 = arith.constant 4 : i32
      %shift_right_arithmetic3A_105 = vector.broadcast %shift_right_arithmetic3A_104 : i32 to vector<16xi32>
      %shift_right_arithmetic3A_106 = arith.shrsi %get3A_103, %shift_right_arithmetic3A_105 : vector<16xi32>
      %and3A_107 = arith.constant 15 : i32
      %and3A_108 = vector.broadcast %and3A_107 : i32 to vector<16xi32>
      %and3A_109 = arith.andi %get3A_103, %and3A_108 : vector<16xi32>
      tpu.vector_store_idx %arg11[%shift_right_arithmetic3A_106, %and3A_109], %broadcast_in_dim3A_14 {add = true} : memref<640x16xf32, #tpu.memory_space<vmem>>[vector<16xi32>, vector<16xi32>], vector<16xf32>,
      %get3A_110 = arith.index_cast %scan3A_31 : i32 to index
      %get3A_111 = arith.constant 64 : index
      %get3A_112 = tpu.vector_load %arg9[%get3A_110, %get3A_111] {strides = array<i32>} : memref<80x128xi32, #tpu.memory_space<vmem>>, vector<16xi32>,
      %shift_right_arithmetic3A_113 = arith.constant 4 : i32
      %shift_right_arithmetic3A_114 = vector.broadcast %shift_right_arithmetic3A_113 : i32 to vector<16xi32>
      %shift_right_arithmetic3A_115 = arith.shrsi %get3A_112, %shift_right_arithmetic3A_114 : vector<16xi32>
      %and3A_116 = arith.constant 15 : i32
      %and3A_117 = vector.broadcast %and3A_116 : i32 to vector<16xi32>
      %and3A_118 = arith.andi %get3A_112, %and3A_117 : vector<16xi32>
      tpu.vector_store_idx %arg12[%shift_right_arithmetic3A_115, %and3A_118], %broadcast_in_dim3A_14 {add = true} : memref<640x16xf32, #tpu.memory_space<vmem>>[vector<16xi32>, vector<16xi32>], vector<16xf32>,
      %get3A_119 = arith.index_cast %scan3A_31 : i32 to index
      %get3A_120 = arith.constant 80 : index
      %get3A_121 = tpu.vector_load %arg8[%get3A_119, %get3A_120] {strides = array<i32>} : memref<80x128xi32, #tpu.memory_space<vmem>>, vector<16xi32>,
      %shift_right_arithmetic3A_122 = arith.constant 4 : i32
      %shift_right_arithmetic3A_123 = vector.broadcast %shift_right_arithmetic3A_122 : i32 to vector<16xi32>
      %shift_right_arithmetic3A_124 = arith.shrsi %get3A_121, %shift_right_arithmetic3A_123 : vector<16xi32>
      %and3A_125 = arith.constant 15 : i32
      %and3A_126 = vector.broadcast %and3A_125 : i32 to vector<16xi32>
      %and3A_127 = arith.andi %get3A_121, %and3A_126 : vector<16xi32>
      tpu.vector_store_idx %arg11[%shift_right_arithmetic3A_124, %and3A_127], %broadcast_in_dim3A_14 {add = true} : memref<640x16xf32, #tpu.memory_space<vmem>>[vector<16xi32>, vector<16xi32>], vector<16xf32>,
      %get3A_128 = arith.index_cast %scan3A_31 : i32 to index
      %get3A_129 = arith.constant 80 : index
      %get3A_130 = tpu.vector_load %arg9[%get3A_128, %get3A_129] {strides = array<i32>} : memref<80x128xi32, #tpu.memory_space<vmem>>, vector<16xi32>,
      %shift_right_arithmetic3A_131 = arith.constant 4 : i32
      %shift_right_arithmetic3A_132 = vector.broadcast %shift_right_arithmetic3A_131 : i32 to vector<16xi32>
      %shift_right_arithmetic3A_133 = arith.shrsi %get3A_130, %shift_right_arithmetic3A_132 : vector<16xi32>
      %and3A_134 = arith.constant 15 : i32
      %and3A_135 = vector.broadcast %and3A_134 : i32 to vector<16xi32>
      %and3A_136 = arith.andi %get3A_130, %and3A_135 : vector<16xi32>
      tpu.vector_store_idx %arg12[%shift_right_arithmetic3A_133, %and3A_136], %broadcast_in_dim3A_14 {add = true} : memref<640x16xf32, #tpu.memory_space<vmem>>[vector<16xi32>, vector<16xi32>], vector<16xf32>,
      %get3A_137 = arith.index_cast %scan3A_31 : i32 to index
      %get3A_138 = arith.constant 96 : index
      %get3A_139 = tpu.vector_load %arg8[%get3A_137, %get3A_138] {strides = array<i32>} : memref<80x128xi32, #tpu.memory_space<vmem>>, vector<16xi32>,
      %shift_right_arithmetic3A_140 = arith.constant 4 : i32
      %shift_right_arithmetic3A_141 = vector.broadcast %shift_right_arithmetic3A_140 : i32 to vector<16xi32>
      %shift_right_arithmetic3A_142 = arith.shrsi %get3A_139, %shift_right_arithmetic3A_141 : vector<16xi32>
      %and3A_143 = arith.constant 15 : i32
      %and3A_144 = vector.broadcast %and3A_143 : i32 to vector<16xi32>
      %and3A_145 = arith.andi %get3A_139, %and3A_144 : vector<16xi32>
      tpu.vector_store_idx %arg11[%shift_right_arithmetic3A_142, %and3A_145], %broadcast_in_dim3A_14 {add = true} : memref<640x16xf32, #tpu.memory_space<vmem>>[vector<16xi32>, vector<16xi32>], vector<16xf32>,
      %get3A_146 = arith.index_cast %scan3A_31 : i32 to index
      %get3A_147 = arith.constant 96 : index
      %get3A_148 = tpu.vector_load %arg9[%get3A_146, %get3A_147] {strides = array<i32>} : memref<80x128xi32, #tpu.memory_space<vmem>>, vector<16xi32>,
      %shift_right_arithmetic3A_149 = arith.constant 4 : i32
      %shift_right_arithmetic3A_150 = vector.broadcast %shift_right_arithmetic3A_149 : i32 to vector<16xi32>
      %shift_right_arithmetic3A_151 = arith.shrsi %get3A_148, %shift_right_arithmetic3A_150 : vector<16xi32>
      %and3A_152 = arith.constant 15 : i32
      %and3A_153 = vector.broadcast %and3A_152 : i32 to vector<16xi32>
      %and3A_154 = arith.andi %get3A_148, %and3A_153 : vector<16xi32>
      tpu.vector_store_idx %arg12[%shift_right_arithmetic3A_151, %and3A_154], %broadcast_in_dim3A_14 {add = true} : memref<640x16xf32, #tpu.memory_space<vmem>>[vector<16xi32>, vector<16xi32>], vector<16xf32>,
      %get3A_155 = arith.index_cast %scan3A_31 : i32 to index
      %get3A_156 = arith.constant 112 : index
      %get3A_157 = tpu.vector_load %arg8[%get3A_155, %get3A_156] {strides = array<i32>} : memref<80x128xi32, #tpu.memory_space<vmem>>, vector<16xi32>,
      %shift_right_arithmetic3A_158 = arith.constant 4 : i32
      %shift_right_arithmetic3A_159 = vector.broadcast %shift_right_arithmetic3A_158 : i32 to vector<16xi32>
      %shift_right_arithmetic3A_160 = arith.shrsi %get3A_157, %shift_right_arithmetic3A_159 : vector<16xi32>
      %and3A_161 = arith.constant 15 : i32
      %and3A_162 = vector.broadcast %and3A_161 : i32 to vector<16xi32>
      %and3A_163 = arith.andi %get3A_157, %and3A_162 : vector<16xi32>
      tpu.vector_store_idx %arg11[%shift_right_arithmetic3A_160, %and3A_163], %broadcast_in_dim3A_14 {add = true} : memref<640x16xf32, #tpu.memory_space<vmem>>[vector<16xi32>, vector<16xi32>], vector<16xf32>,
      %get3A_164 = arith.index_cast %scan3A_31 : i32 to index
      %get3A_165 = arith.constant 112 : index
      %get3A_166 = tpu.vector_load %arg9[%get3A_164, %get3A_165] {strides = array<i32>} : memref<80x128xi32, #tpu.memory_space<vmem>>, vector<16xi32>,
      %shift_right_arithmetic3A_167 = arith.constant 4 : i32
      %shift_right_arithmetic3A_168 = vector.broadcast %shift_right_arithmetic3A_167 : i32 to vector<16xi32>
      %shift_right_arithmetic3A_169 = arith.shrsi %get3A_166, %shift_right_arithmetic3A_168 : vector<16xi32>
      %and3A_170 = arith.constant 15 : i32
      %and3A_171 = vector.broadcast %and3A_170 : i32 to vector<16xi32>
      %and3A_172 = arith.andi %get3A_166, %and3A_171 : vector<16xi32>
      tpu.vector_store_idx %arg12[%shift_right_arithmetic3A_169, %and3A_172], %broadcast_in_dim3A_14 {add = true} : memref<640x16xf32, #tpu.memory_space<vmem>>[vector<16xi32>, vector<16xi32>], vector<16xf32>,
    }
    %scan3A_20 = arith.constant 80 : i32
    %barrier3A = arith.constant 0 : index
    tpu.barrier barrier_id(%barrier3A)
    %run_scoped3A = arith.constant 0 : i32
    "tpu.region"() ({
      %run_scoped3A_31 = tpu.sem_alloc : memref<!tpu.dma_semaphore, #tpu.memory_space<semaphore_mem>>
      %dma_start3A = arith.constant 0 : i32
      %dma_start3A_32 = arith.constant 0 : i32
      %dma_start3A_33 = tpu.memref_slice %arg11[%dma_start3A, %dma_start3A_32] : memref<640x16xf32, #tpu.memory_space<vmem>> -> memref<128x16xf32, #tpu.memory_space<vmem>>
      %dma_start3A_34 = arith.constant 0 : i32
      %dma_start3A_35 = tpu.memref_slice %arg10[%run_scoped3A, %dma_start3A_34] : memref<5x128xi32, #tpu.memory_space<vmem>> -> memref<1x128xi32, #tpu.memory_space<vmem>>
      %dma_start3A_36 = tpu.memref_squeeze %dma_start3A_35 : memref<1x128xi32, #tpu.memory_space<vmem>> -> memref<128xi32, #tpu.memory_space<vmem>>
      %dma_start3A_37 = arith.constant 0 : i32
      %dma_start3A_38 = arith.constant 0 : i32
      %dma_start3A_39 = tpu.memref_slice %arg13[%dma_start3A_37, %dma_start3A_38] : memref<640x16xf32, #tpu.memory_space<vmem_shared>> -> memref<640x16xf32, #tpu.memory_space<vmem_shared>>
      tpu.enqueue_indirect_dma source(%dma_start3A_33 : memref<128x16xf32, #tpu.memory_space<vmem>>) target(%dma_start3A_39 : memref<640x16xf32, #tpu.memory_space<vmem_shared>>) offsets(%dma_start3A_36 : memref<128xi32, #tpu.memory_space<vmem>>) semaphore(%run_scoped3A_31 : memref<!tpu.dma_semaphore, #tpu.memory_space<semaphore_mem>>) {add = true}
      %dma_wait3A = arith.constant 0 : i32
      %dma_wait3A_40 = arith.constant 0 : i32
      %dma_wait3A_41 = tpu.memref_slice %arg11[%dma_wait3A, %dma_wait3A_40] : memref<640x16xf32, #tpu.memory_space<vmem>> -> memref<128x16xf32, #tpu.memory_space<vmem>>
      %dma_wait3A_42 = arith.constant 0 : i32
      %dma_wait3A_43 = tpu.memref_slice %arg10[%run_scoped3A, %dma_wait3A_42] : memref<5x128xi32, #tpu.memory_space<vmem>> -> memref<1x128xi32, #tpu.memory_space<vmem>>
      %dma_wait3A_44 = tpu.memref_squeeze %dma_wait3A_43 : memref<1x128xi32, #tpu.memory_space<vmem>> -> memref<128xi32, #tpu.memory_space<vmem>>
      %dma_wait3A_45 = arith.constant 0 : i32
      %dma_wait3A_46 = arith.constant 0 : i32
      %dma_wait3A_47 = tpu.memref_slice %arg13[%dma_wait3A_45, %dma_wait3A_46] : memref<640x16xf32, #tpu.memory_space<vmem_shared>> -> memref<640x16xf32, #tpu.memory_space<vmem_shared>>
      tpu.wait_indirect_dma semaphore(%run_scoped3A_31 : memref<!tpu.dma_semaphore, #tpu.memory_space<semaphore_mem>>) src(%dma_wait3A_41 : memref<128x16xf32, #tpu.memory_space<vmem>>) dst(%dma_wait3A_47 : memref<640x16xf32, #tpu.memory_space<vmem_shared>>)
      tpu.yield
    }) : () -> ()
    %run_scoped3A_21 = arith.constant 0 : i32
    "tpu.region"() ({
      %run_scoped3A_31 = tpu.sem_alloc : memref<!tpu.dma_semaphore, #tpu.memory_space<semaphore_mem>>
      %dma_start3A = arith.constant 0 : i32
      %dma_start3A_32 = arith.constant 0 : i32
      %dma_start3A_33 = tpu.memref_slice %arg12[%dma_start3A, %dma_start3A_32] : memref<640x16xf32, #tpu.memory_space<vmem>> -> memref<128x16xf32, #tpu.memory_space<vmem>>
      %dma_start3A_34 = arith.constant 0 : i32
      %dma_start3A_35 = tpu.memref_slice %arg10[%run_scoped3A_21, %dma_start3A_34] : memref<5x128xi32, #tpu.memory_space<vmem>> -> memref<1x128xi32, #tpu.memory_space<vmem>>
      %dma_start3A_36 = tpu.memref_squeeze %dma_start3A_35 : memref<1x128xi32, #tpu.memory_space<vmem>> -> memref<128xi32, #tpu.memory_space<vmem>>
      %dma_start3A_37 = arith.constant 0 : i32
      %dma_start3A_38 = arith.constant 0 : i32
      %dma_start3A_39 = tpu.memref_slice %arg14[%dma_start3A_37, %dma_start3A_38] : memref<640x16xf32, #tpu.memory_space<vmem_shared>> -> memref<640x16xf32, #tpu.memory_space<vmem_shared>>
      tpu.enqueue_indirect_dma source(%dma_start3A_33 : memref<128x16xf32, #tpu.memory_space<vmem>>) target(%dma_start3A_39 : memref<640x16xf32, #tpu.memory_space<vmem_shared>>) offsets(%dma_start3A_36 : memref<128xi32, #tpu.memory_space<vmem>>) semaphore(%run_scoped3A_31 : memref<!tpu.dma_semaphore, #tpu.memory_space<semaphore_mem>>) {add = true}
      %dma_wait3A = arith.constant 0 : i32
      %dma_wait3A_40 = arith.constant 0 : i32
      %dma_wait3A_41 = tpu.memref_slice %arg12[%dma_wait3A, %dma_wait3A_40] : memref<640x16xf32, #tpu.memory_space<vmem>> -> memref<128x16xf32, #tpu.memory_space<vmem>>
      %dma_wait3A_42 = arith.constant 0 : i32
      %dma_wait3A_43 = tpu.memref_slice %arg10[%run_scoped3A_21, %dma_wait3A_42] : memref<5x128xi32, #tpu.memory_space<vmem>> -> memref<1x128xi32, #tpu.memory_space<vmem>>
      %dma_wait3A_44 = tpu.memref_squeeze %dma_wait3A_43 : memref<1x128xi32, #tpu.memory_space<vmem>> -> memref<128xi32, #tpu.memory_space<vmem>>
      %dma_wait3A_45 = arith.constant 0 : i32
      %dma_wait3A_46 = arith.constant 0 : i32
      %dma_wait3A_47 = tpu.memref_slice %arg14[%dma_wait3A_45, %dma_wait3A_46] : memref<640x16xf32, #tpu.memory_space<vmem_shared>> -> memref<640x16xf32, #tpu.memory_space<vmem_shared>>
      tpu.wait_indirect_dma semaphore(%run_scoped3A_31 : memref<!tpu.dma_semaphore, #tpu.memory_space<semaphore_mem>>) src(%dma_wait3A_41 : memref<128x16xf32, #tpu.memory_space<vmem>>) dst(%dma_wait3A_47 : memref<640x16xf32, #tpu.memory_space<vmem_shared>>)
      tpu.yield
    }) : () -> ()
    %run_scoped3A_22 = arith.constant 1 : i32
    "tpu.region"() ({
      %run_scoped3A_31 = tpu.sem_alloc : memref<!tpu.dma_semaphore, #tpu.memory_space<semaphore_mem>>
      %dma_start3A = arith.constant 128 : i32
      %dma_start3A_32 = arith.constant 0 : i32
      %dma_start3A_33 = tpu.memref_slice %arg11[%dma_start3A, %dma_start3A_32] : memref<640x16xf32, #tpu.memory_space<vmem>> -> memref<128x16xf32, #tpu.memory_space<vmem>>
      %dma_start3A_34 = arith.constant 0 : i32
      %dma_start3A_35 = tpu.memref_slice %arg10[%run_scoped3A_22, %dma_start3A_34] : memref<5x128xi32, #tpu.memory_space<vmem>> -> memref<1x128xi32, #tpu.memory_space<vmem>>
      %dma_start3A_36 = tpu.memref_squeeze %dma_start3A_35 : memref<1x128xi32, #tpu.memory_space<vmem>> -> memref<128xi32, #tpu.memory_space<vmem>>
      %dma_start3A_37 = arith.constant 0 : i32
      %dma_start3A_38 = arith.constant 0 : i32
      %dma_start3A_39 = tpu.memref_slice %arg13[%dma_start3A_37, %dma_start3A_38] : memref<640x16xf32, #tpu.memory_space<vmem_shared>> -> memref<640x16xf32, #tpu.memory_space<vmem_shared>>
      tpu.enqueue_indirect_dma source(%dma_start3A_33 : memref<128x16xf32, #tpu.memory_space<vmem>>) target(%dma_start3A_39 : memref<640x16xf32, #tpu.memory_space<vmem_shared>>) offsets(%dma_start3A_36 : memref<128xi32, #tpu.memory_space<vmem>>) semaphore(%run_scoped3A_31 : memref<!tpu.dma_semaphore, #tpu.memory_space<semaphore_mem>>) {add = true}
      %dma_wait3A = arith.constant 128 : i32
      %dma_wait3A_40 = arith.constant 0 : i32
      %dma_wait3A_41 = tpu.memref_slice %arg11[%dma_wait3A, %dma_wait3A_40] : memref<640x16xf32, #tpu.memory_space<vmem>> -> memref<128x16xf32, #tpu.memory_space<vmem>>
      %dma_wait3A_42 = arith.constant 0 : i32
      %dma_wait3A_43 = tpu.memref_slice %arg10[%run_scoped3A_22, %dma_wait3A_42] : memref<5x128xi32, #tpu.memory_space<vmem>> -> memref<1x128xi32, #tpu.memory_space<vmem>>
      %dma_wait3A_44 = tpu.memref_squeeze %dma_wait3A_43 : memref<1x128xi32, #tpu.memory_space<vmem>> -> memref<128xi32, #tpu.memory_space<vmem>>
      %dma_wait3A_45 = arith.constant 0 : i32
      %dma_wait3A_46 = arith.constant 0 : i32
      %dma_wait3A_47 = tpu.memref_slice %arg13[%dma_wait3A_45, %dma_wait3A_46] : memref<640x16xf32, #tpu.memory_space<vmem_shared>> -> memref<640x16xf32, #tpu.memory_space<vmem_shared>>
      tpu.wait_indirect_dma semaphore(%run_scoped3A_31 : memref<!tpu.dma_semaphore, #tpu.memory_space<semaphore_mem>>) src(%dma_wait3A_41 : memref<128x16xf32, #tpu.memory_space<vmem>>) dst(%dma_wait3A_47 : memref<640x16xf32, #tpu.memory_space<vmem_shared>>)
      tpu.yield
    }) : () -> ()
    %run_scoped3A_23 = arith.constant 1 : i32
    "tpu.region"() ({
      %run_scoped3A_31 = tpu.sem_alloc : memref<!tpu.dma_semaphore, #tpu.memory_space<semaphore_mem>>
      %dma_start3A = arith.constant 128 : i32
      %dma_start3A_32 = arith.constant 0 : i32
      %dma_start3A_33 = tpu.memref_slice %arg12[%dma_start3A, %dma_start3A_32] : memref<640x16xf32, #tpu.memory_space<vmem>> -> memref<128x16xf32, #tpu.memory_space<vmem>>
      %dma_start3A_34 = arith.constant 0 : i32
      %dma_start3A_35 = tpu.memref_slice %arg10[%run_scoped3A_23, %dma_start3A_34] : memref<5x128xi32, #tpu.memory_space<vmem>> -> memref<1x128xi32, #tpu.memory_space<vmem>>
      %dma_start3A_36 = tpu.memref_squeeze %dma_start3A_35 : memref<1x128xi32, #tpu.memory_space<vmem>> -> memref<128xi32, #tpu.memory_space<vmem>>
      %dma_start3A_37 = arith.constant 0 : i32
      %dma_start3A_38 = arith.constant 0 : i32
      %dma_start3A_39 = tpu.memref_slice %arg14[%dma_start3A_37, %dma_start3A_38] : memref<640x16xf32, #tpu.memory_space<vmem_shared>> -> memref<640x16xf32, #tpu.memory_space<vmem_shared>>
      tpu.enqueue_indirect_dma source(%dma_start3A_33 : memref<128x16xf32, #tpu.memory_space<vmem>>) target(%dma_start3A_39 : memref<640x16xf32, #tpu.memory_space<vmem_shared>>) offsets(%dma_start3A_36 : memref<128xi32, #tpu.memory_space<vmem>>) semaphore(%run_scoped3A_31 : memref<!tpu.dma_semaphore, #tpu.memory_space<semaphore_mem>>) {add = true}
      %dma_wait3A = arith.constant 128 : i32
      %dma_wait3A_40 = arith.constant 0 : i32
      %dma_wait3A_41 = tpu.memref_slice %arg12[%dma_wait3A, %dma_wait3A_40] : memref<640x16xf32, #tpu.memory_space<vmem>> -> memref<128x16xf32, #tpu.memory_space<vmem>>
      %dma_wait3A_42 = arith.constant 0 : i32
      %dma_wait3A_43 = tpu.memref_slice %arg10[%run_scoped3A_23, %dma_wait3A_42] : memref<5x128xi32, #tpu.memory_space<vmem>> -> memref<1x128xi32, #tpu.memory_space<vmem>>
      %dma_wait3A_44 = tpu.memref_squeeze %dma_wait3A_43 : memref<1x128xi32, #tpu.memory_space<vmem>> -> memref<128xi32, #tpu.memory_space<vmem>>
      %dma_wait3A_45 = arith.constant 0 : i32
      %dma_wait3A_46 = arith.constant 0 : i32
      %dma_wait3A_47 = tpu.memref_slice %arg14[%dma_wait3A_45, %dma_wait3A_46] : memref<640x16xf32, #tpu.memory_space<vmem_shared>> -> memref<640x16xf32, #tpu.memory_space<vmem_shared>>
      tpu.wait_indirect_dma semaphore(%run_scoped3A_31 : memref<!tpu.dma_semaphore, #tpu.memory_space<semaphore_mem>>) src(%dma_wait3A_41 : memref<128x16xf32, #tpu.memory_space<vmem>>) dst(%dma_wait3A_47 : memref<640x16xf32, #tpu.memory_space<vmem_shared>>)
      tpu.yield
    }) : () -> ()
    %run_scoped3A_24 = arith.constant 2 : i32
    "tpu.region"() ({
      %run_scoped3A_31 = tpu.sem_alloc : memref<!tpu.dma_semaphore, #tpu.memory_space<semaphore_mem>>
      %dma_start3A = arith.constant 256 : i32
      %dma_start3A_32 = arith.constant 0 : i32
      %dma_start3A_33 = tpu.memref_slice %arg11[%dma_start3A, %dma_start3A_32] : memref<640x16xf32, #tpu.memory_space<vmem>> -> memref<128x16xf32, #tpu.memory_space<vmem>>
      %dma_start3A_34 = arith.constant 0 : i32
      %dma_start3A_35 = tpu.memref_slice %arg10[%run_scoped3A_24, %dma_start3A_34] : memref<5x128xi32, #tpu.memory_space<vmem>> -> memref<1x128xi32, #tpu.memory_space<vmem>>
      %dma_start3A_36 = tpu.memref_squeeze %dma_start3A_35 : memref<1x128xi32, #tpu.memory_space<vmem>> -> memref<128xi32, #tpu.memory_space<vmem>>
      %dma_start3A_37 = arith.constant 0 : i32
      %dma_start3A_38 = arith.constant 0 : i32
      %dma_start3A_39 = tpu.memref_slice %arg13[%dma_start3A_37, %dma_start3A_38] : memref<640x16xf32, #tpu.memory_space<vmem_shared>> -> memref<640x16xf32, #tpu.memory_space<vmem_shared>>
      tpu.enqueue_indirect_dma source(%dma_start3A_33 : memref<128x16xf32, #tpu.memory_space<vmem>>) target(%dma_start3A_39 : memref<640x16xf32, #tpu.memory_space<vmem_shared>>) offsets(%dma_start3A_36 : memref<128xi32, #tpu.memory_space<vmem>>) semaphore(%run_scoped3A_31 : memref<!tpu.dma_semaphore, #tpu.memory_space<semaphore_mem>>) {add = true}
      %dma_wait3A = arith.constant 256 : i32
      %dma_wait3A_40 = arith.constant 0 : i32
      %dma_wait3A_41 = tpu.memref_slice %arg11[%dma_wait3A, %dma_wait3A_40] : memref<640x16xf32, #tpu.memory_space<vmem>> -> memref<128x16xf32, #tpu.memory_space<vmem>>
      %dma_wait3A_42 = arith.constant 0 : i32
      %dma_wait3A_43 = tpu.memref_slice %arg10[%run_scoped3A_24, %dma_wait3A_42] : memref<5x128xi32, #tpu.memory_space<vmem>> -> memref<1x128xi32, #tpu.memory_space<vmem>>
      %dma_wait3A_44 = tpu.memref_squeeze %dma_wait3A_43 : memref<1x128xi32, #tpu.memory_space<vmem>> -> memref<128xi32, #tpu.memory_space<vmem>>
      %dma_wait3A_45 = arith.constant 0 : i32
      %dma_wait3A_46 = arith.constant 0 : i32
      %dma_wait3A_47 = tpu.memref_slice %arg13[%dma_wait3A_45, %dma_wait3A_46] : memref<640x16xf32, #tpu.memory_space<vmem_shared>> -> memref<640x16xf32, #tpu.memory_space<vmem_shared>>
      tpu.wait_indirect_dma semaphore(%run_scoped3A_31 : memref<!tpu.dma_semaphore, #tpu.memory_space<semaphore_mem>>) src(%dma_wait3A_41 : memref<128x16xf32, #tpu.memory_space<vmem>>) dst(%dma_wait3A_47 : memref<640x16xf32, #tpu.memory_space<vmem_shared>>)
      tpu.yield
    }) : () -> ()
    %run_scoped3A_25 = arith.constant 2 : i32
    "tpu.region"() ({
      %run_scoped3A_31 = tpu.sem_alloc : memref<!tpu.dma_semaphore, #tpu.memory_space<semaphore_mem>>
      %dma_start3A = arith.constant 256 : i32
      %dma_start3A_32 = arith.constant 0 : i32
      %dma_start3A_33 = tpu.memref_slice %arg12[%dma_start3A, %dma_start3A_32] : memref<640x16xf32, #tpu.memory_space<vmem>> -> memref<128x16xf32, #tpu.memory_space<vmem>>
      %dma_start3A_34 = arith.constant 0 : i32
      %dma_start3A_35 = tpu.memref_slice %arg10[%run_scoped3A_25, %dma_start3A_34] : memref<5x128xi32, #tpu.memory_space<vmem>> -> memref<1x128xi32, #tpu.memory_space<vmem>>
      %dma_start3A_36 = tpu.memref_squeeze %dma_start3A_35 : memref<1x128xi32, #tpu.memory_space<vmem>> -> memref<128xi32, #tpu.memory_space<vmem>>
      %dma_start3A_37 = arith.constant 0 : i32
      %dma_start3A_38 = arith.constant 0 : i32
      %dma_start3A_39 = tpu.memref_slice %arg14[%dma_start3A_37, %dma_start3A_38] : memref<640x16xf32, #tpu.memory_space<vmem_shared>> -> memref<640x16xf32, #tpu.memory_space<vmem_shared>>
      tpu.enqueue_indirect_dma source(%dma_start3A_33 : memref<128x16xf32, #tpu.memory_space<vmem>>) target(%dma_start3A_39 : memref<640x16xf32, #tpu.memory_space<vmem_shared>>) offsets(%dma_start3A_36 : memref<128xi32, #tpu.memory_space<vmem>>) semaphore(%run_scoped3A_31 : memref<!tpu.dma_semaphore, #tpu.memory_space<semaphore_mem>>) {add = true}
      %dma_wait3A = arith.constant 256 : i32
      %dma_wait3A_40 = arith.constant 0 : i32
      %dma_wait3A_41 = tpu.memref_slice %arg12[%dma_wait3A, %dma_wait3A_40] : memref<640x16xf32, #tpu.memory_space<vmem>> -> memref<128x16xf32, #tpu.memory_space<vmem>>
      %dma_wait3A_42 = arith.constant 0 : i32
      %dma_wait3A_43 = tpu.memref_slice %arg10[%run_scoped3A_25, %dma_wait3A_42] : memref<5x128xi32, #tpu.memory_space<vmem>> -> memref<1x128xi32, #tpu.memory_space<vmem>>
      %dma_wait3A_44 = tpu.memref_squeeze %dma_wait3A_43 : memref<1x128xi32, #tpu.memory_space<vmem>> -> memref<128xi32, #tpu.memory_space<vmem>>
      %dma_wait3A_45 = arith.constant 0 : i32
      %dma_wait3A_46 = arith.constant 0 : i32
      %dma_wait3A_47 = tpu.memref_slice %arg14[%dma_wait3A_45, %dma_wait3A_46] : memref<640x16xf32, #tpu.memory_space<vmem_shared>> -> memref<640x16xf32, #tpu.memory_space<vmem_shared>>
      tpu.wait_indirect_dma semaphore(%run_scoped3A_31 : memref<!tpu.dma_semaphore, #tpu.memory_space<semaphore_mem>>) src(%dma_wait3A_41 : memref<128x16xf32, #tpu.memory_space<vmem>>) dst(%dma_wait3A_47 : memref<640x16xf32, #tpu.memory_space<vmem_shared>>)
      tpu.yield
    }) : () -> ()
    %run_scoped3A_26 = arith.constant 3 : i32
    "tpu.region"() ({
      %run_scoped3A_31 = tpu.sem_alloc : memref<!tpu.dma_semaphore, #tpu.memory_space<semaphore_mem>>
      %dma_start3A = arith.constant 384 : i32
      %dma_start3A_32 = arith.constant 0 : i32
      %dma_start3A_33 = tpu.memref_slice %arg11[%dma_start3A, %dma_start3A_32] : memref<640x16xf32, #tpu.memory_space<vmem>> -> memref<128x16xf32, #tpu.memory_space<vmem>>
      %dma_start3A_34 = arith.constant 0 : i32
      %dma_start3A_35 = tpu.memref_slice %arg10[%run_scoped3A_26, %dma_start3A_34] : memref<5x128xi32, #tpu.memory_space<vmem>> -> memref<1x128xi32, #tpu.memory_space<vmem>>
      %dma_start3A_36 = tpu.memref_squeeze %dma_start3A_35 : memref<1x128xi32, #tpu.memory_space<vmem>> -> memref<128xi32, #tpu.memory_space<vmem>>
      %dma_start3A_37 = arith.constant 0 : i32
      %dma_start3A_38 = arith.constant 0 : i32
      %dma_start3A_39 = tpu.memref_slice %arg13[%dma_start3A_37, %dma_start3A_38] : memref<640x16xf32, #tpu.memory_space<vmem_shared>> -> memref<640x16xf32, #tpu.memory_space<vmem_shared>>
      tpu.enqueue_indirect_dma source(%dma_start3A_33 : memref<128x16xf32, #tpu.memory_space<vmem>>) target(%dma_start3A_39 : memref<640x16xf32, #tpu.memory_space<vmem_shared>>) offsets(%dma_start3A_36 : memref<128xi32, #tpu.memory_space<vmem>>) semaphore(%run_scoped3A_31 : memref<!tpu.dma_semaphore, #tpu.memory_space<semaphore_mem>>) {add = true}
      %dma_wait3A = arith.constant 384 : i32
      %dma_wait3A_40 = arith.constant 0 : i32
      %dma_wait3A_41 = tpu.memref_slice %arg11[%dma_wait3A, %dma_wait3A_40] : memref<640x16xf32, #tpu.memory_space<vmem>> -> memref<128x16xf32, #tpu.memory_space<vmem>>
      %dma_wait3A_42 = arith.constant 0 : i32
      %dma_wait3A_43 = tpu.memref_slice %arg10[%run_scoped3A_26, %dma_wait3A_42] : memref<5x128xi32, #tpu.memory_space<vmem>> -> memref<1x128xi32, #tpu.memory_space<vmem>>
      %dma_wait3A_44 = tpu.memref_squeeze %dma_wait3A_43 : memref<1x128xi32, #tpu.memory_space<vmem>> -> memref<128xi32, #tpu.memory_space<vmem>>
      %dma_wait3A_45 = arith.constant 0 : i32
      %dma_wait3A_46 = arith.constant 0 : i32
      %dma_wait3A_47 = tpu.memref_slice %arg13[%dma_wait3A_45, %dma_wait3A_46] : memref<640x16xf32, #tpu.memory_space<vmem_shared>> -> memref<640x16xf32, #tpu.memory_space<vmem_shared>>
      tpu.wait_indirect_dma semaphore(%run_scoped3A_31 : memref<!tpu.dma_semaphore, #tpu.memory_space<semaphore_mem>>) src(%dma_wait3A_41 : memref<128x16xf32, #tpu.memory_space<vmem>>) dst(%dma_wait3A_47 : memref<640x16xf32, #tpu.memory_space<vmem_shared>>)
      tpu.yield
    }) : () -> ()
    %run_scoped3A_27 = arith.constant 3 : i32
    "tpu.region"() ({
      %run_scoped3A_31 = tpu.sem_alloc : memref<!tpu.dma_semaphore, #tpu.memory_space<semaphore_mem>>
      %dma_start3A = arith.constant 384 : i32
      %dma_start3A_32 = arith.constant 0 : i32
      %dma_start3A_33 = tpu.memref_slice %arg12[%dma_start3A, %dma_start3A_32] : memref<640x16xf32, #tpu.memory_space<vmem>> -> memref<128x16xf32, #tpu.memory_space<vmem>>
      %dma_start3A_34 = arith.constant 0 : i32
      %dma_start3A_35 = tpu.memref_slice %arg10[%run_scoped3A_27, %dma_start3A_34] : memref<5x128xi32, #tpu.memory_space<vmem>> -> memref<1x128xi32, #tpu.memory_space<vmem>>
      %dma_start3A_36 = tpu.memref_squeeze %dma_start3A_35 : memref<1x128xi32, #tpu.memory_space<vmem>> -> memref<128xi32, #tpu.memory_space<vmem>>
      %dma_start3A_37 = arith.constant 0 : i32
      %dma_start3A_38 = arith.constant 0 : i32
      %dma_start3A_39 = tpu.memref_slice %arg14[%dma_start3A_37, %dma_start3A_38] : memref<640x16xf32, #tpu.memory_space<vmem_shared>> -> memref<640x16xf32, #tpu.memory_space<vmem_shared>>
      tpu.enqueue_indirect_dma source(%dma_start3A_33 : memref<128x16xf32, #tpu.memory_space<vmem>>) target(%dma_start3A_39 : memref<640x16xf32, #tpu.memory_space<vmem_shared>>) offsets(%dma_start3A_36 : memref<128xi32, #tpu.memory_space<vmem>>) semaphore(%run_scoped3A_31 : memref<!tpu.dma_semaphore, #tpu.memory_space<semaphore_mem>>) {add = true}
      %dma_wait3A = arith.constant 384 : i32
      %dma_wait3A_40 = arith.constant 0 : i32
      %dma_wait3A_41 = tpu.memref_slice %arg12[%dma_wait3A, %dma_wait3A_40] : memref<640x16xf32, #tpu.memory_space<vmem>> -> memref<128x16xf32, #tpu.memory_space<vmem>>
      %dma_wait3A_42 = arith.constant 0 : i32
      %dma_wait3A_43 = tpu.memref_slice %arg10[%run_scoped3A_27, %dma_wait3A_42] : memref<5x128xi32, #tpu.memory_space<vmem>> -> memref<1x128xi32, #tpu.memory_space<vmem>>
      %dma_wait3A_44 = tpu.memref_squeeze %dma_wait3A_43 : memref<1x128xi32, #tpu.memory_space<vmem>> -> memref<128xi32, #tpu.memory_space<vmem>>
      %dma_wait3A_45 = arith.constant 0 : i32
      %dma_wait3A_46 = arith.constant 0 : i32
      %dma_wait3A_47 = tpu.memref_slice %arg14[%dma_wait3A_45, %dma_wait3A_46] : memref<640x16xf32, #tpu.memory_space<vmem_shared>> -> memref<640x16xf32, #tpu.memory_space<vmem_shared>>
      tpu.wait_indirect_dma semaphore(%run_scoped3A_31 : memref<!tpu.dma_semaphore, #tpu.memory_space<semaphore_mem>>) src(%dma_wait3A_41 : memref<128x16xf32, #tpu.memory_space<vmem>>) dst(%dma_wait3A_47 : memref<640x16xf32, #tpu.memory_space<vmem_shared>>)
      tpu.yield
    }) : () -> ()
    %run_scoped3A_28 = arith.constant 4 : i32
    "tpu.region"() ({
      %run_scoped3A_31 = tpu.sem_alloc : memref<!tpu.dma_semaphore, #tpu.memory_space<semaphore_mem>>
      %dma_start3A = arith.constant 512 : i32
      %dma_start3A_32 = arith.constant 0 : i32
      %dma_start3A_33 = tpu.memref_slice %arg11[%dma_start3A, %dma_start3A_32] : memref<640x16xf32, #tpu.memory_space<vmem>> -> memref<128x16xf32, #tpu.memory_space<vmem>>
      %dma_start3A_34 = arith.constant 0 : i32
      %dma_start3A_35 = tpu.memref_slice %arg10[%run_scoped3A_28, %dma_start3A_34] : memref<5x128xi32, #tpu.memory_space<vmem>> -> memref<1x128xi32, #tpu.memory_space<vmem>>
      %dma_start3A_36 = tpu.memref_squeeze %dma_start3A_35 : memref<1x128xi32, #tpu.memory_space<vmem>> -> memref<128xi32, #tpu.memory_space<vmem>>
      %dma_start3A_37 = arith.constant 0 : i32
      %dma_start3A_38 = arith.constant 0 : i32
      %dma_start3A_39 = tpu.memref_slice %arg13[%dma_start3A_37, %dma_start3A_38] : memref<640x16xf32, #tpu.memory_space<vmem_shared>> -> memref<640x16xf32, #tpu.memory_space<vmem_shared>>
      tpu.enqueue_indirect_dma source(%dma_start3A_33 : memref<128x16xf32, #tpu.memory_space<vmem>>) target(%dma_start3A_39 : memref<640x16xf32, #tpu.memory_space<vmem_shared>>) offsets(%dma_start3A_36 : memref<128xi32, #tpu.memory_space<vmem>>) semaphore(%run_scoped3A_31 : memref<!tpu.dma_semaphore, #tpu.memory_space<semaphore_mem>>) {add = true}
      %dma_wait3A = arith.constant 512 : i32
      %dma_wait3A_40 = arith.constant 0 : i32
      %dma_wait3A_41 = tpu.memref_slice %arg11[%dma_wait3A, %dma_wait3A_40] : memref<640x16xf32, #tpu.memory_space<vmem>> -> memref<128x16xf32, #tpu.memory_space<vmem>>
      %dma_wait3A_42 = arith.constant 0 : i32
      %dma_wait3A_43 = tpu.memref_slice %arg10[%run_scoped3A_28, %dma_wait3A_42] : memref<5x128xi32, #tpu.memory_space<vmem>> -> memref<1x128xi32, #tpu.memory_space<vmem>>
      %dma_wait3A_44 = tpu.memref_squeeze %dma_wait3A_43 : memref<1x128xi32, #tpu.memory_space<vmem>> -> memref<128xi32, #tpu.memory_space<vmem>>
      %dma_wait3A_45 = arith.constant 0 : i32
      %dma_wait3A_46 = arith.constant 0 : i32
      %dma_wait3A_47 = tpu.memref_slice %arg13[%dma_wait3A_45, %dma_wait3A_46] : memref<640x16xf32, #tpu.memory_space<vmem_shared>> -> memref<640x16xf32, #tpu.memory_space<vmem_shared>>
      tpu.wait_indirect_dma semaphore(%run_scoped3A_31 : memref<!tpu.dma_semaphore, #tpu.memory_space<semaphore_mem>>) src(%dma_wait3A_41 : memref<128x16xf32, #tpu.memory_space<vmem>>) dst(%dma_wait3A_47 : memref<640x16xf32, #tpu.memory_space<vmem_shared>>)
      tpu.yield
    }) : () -> ()
    %run_scoped3A_29 = arith.constant 4 : i32
    "tpu.region"() ({
      %run_scoped3A_31 = tpu.sem_alloc : memref<!tpu.dma_semaphore, #tpu.memory_space<semaphore_mem>>
      %dma_start3A = arith.constant 512 : i32
      %dma_start3A_32 = arith.constant 0 : i32
      %dma_start3A_33 = tpu.memref_slice %arg12[%dma_start3A, %dma_start3A_32] : memref<640x16xf32, #tpu.memory_space<vmem>> -> memref<128x16xf32, #tpu.memory_space<vmem>>
      %dma_start3A_34 = arith.constant 0 : i32
      %dma_start3A_35 = tpu.memref_slice %arg10[%run_scoped3A_29, %dma_start3A_34] : memref<5x128xi32, #tpu.memory_space<vmem>> -> memref<1x128xi32, #tpu.memory_space<vmem>>
      %dma_start3A_36 = tpu.memref_squeeze %dma_start3A_35 : memref<1x128xi32, #tpu.memory_space<vmem>> -> memref<128xi32, #tpu.memory_space<vmem>>
      %dma_start3A_37 = arith.constant 0 : i32
      %dma_start3A_38 = arith.constant 0 : i32
      %dma_start3A_39 = tpu.memref_slice %arg14[%dma_start3A_37, %dma_start3A_38] : memref<640x16xf32, #tpu.memory_space<vmem_shared>> -> memref<640x16xf32, #tpu.memory_space<vmem_shared>>
      tpu.enqueue_indirect_dma source(%dma_start3A_33 : memref<128x16xf32, #tpu.memory_space<vmem>>) target(%dma_start3A_39 : memref<640x16xf32, #tpu.memory_space<vmem_shared>>) offsets(%dma_start3A_36 : memref<128xi32, #tpu.memory_space<vmem>>) semaphore(%run_scoped3A_31 : memref<!tpu.dma_semaphore, #tpu.memory_space<semaphore_mem>>) {add = true}
      %dma_wait3A = arith.constant 512 : i32
      %dma_wait3A_40 = arith.constant 0 : i32
      %dma_wait3A_41 = tpu.memref_slice %arg12[%dma_wait3A, %dma_wait3A_40] : memref<640x16xf32, #tpu.memory_space<vmem>> -> memref<128x16xf32, #tpu.memory_space<vmem>>
      %dma_wait3A_42 = arith.constant 0 : i32
      %dma_wait3A_43 = tpu.memref_slice %arg10[%run_scoped3A_29, %dma_wait3A_42] : memref<5x128xi32, #tpu.memory_space<vmem>> -> memref<1x128xi32, #tpu.memory_space<vmem>>
      %dma_wait3A_44 = tpu.memref_squeeze %dma_wait3A_43 : memref<1x128xi32, #tpu.memory_space<vmem>> -> memref<128xi32, #tpu.memory_space<vmem>>
      %dma_wait3A_45 = arith.constant 0 : i32
      %dma_wait3A_46 = arith.constant 0 : i32
      %dma_wait3A_47 = tpu.memref_slice %arg14[%dma_wait3A_45, %dma_wait3A_46] : memref<640x16xf32, #tpu.memory_space<vmem_shared>> -> memref<640x16xf32, #tpu.memory_space<vmem_shared>>
      tpu.wait_indirect_dma semaphore(%run_scoped3A_31 : memref<!tpu.dma_semaphore, #tpu.memory_space<semaphore_mem>>) src(%dma_wait3A_41 : memref<128x16xf32, #tpu.memory_space<vmem>>) dst(%dma_wait3A_47 : memref<640x16xf32, #tpu.memory_space<vmem_shared>>)
      tpu.yield
    }) : () -> ()
    %barrier3A_30 = arith.constant 0 : index
    tpu.barrier barrier_id(%barrier3A_30)
    "tpu.region"() ({
      %run_scoped3A_31 = tpu.sem_alloc : memref<!tpu.dma_semaphore, #tpu.memory_space<semaphore_mem>>
      %dma_start3A = arith.constant 0 : i32
      %dma_start3A_32 = tpu.memref_slice %arg6[%arg0, %mul3A_2, %dma_start3A] : memref<2x640x16xf32, #tpu.memory_space<hbm>> -> memref<1x40x16xf32, #tpu.memory_space<hbm>>
      %dma_start3A_33 = tpu.memref_squeeze %dma_start3A_32 : memref<1x40x16xf32, #tpu.memory_space<hbm>> -> memref<40x16xf32, #tpu.memory_space<hbm>>
      %dma_start3A_34 = arith.constant 0 : i32
      %dma_start3A_35 = tpu.memref_slice %arg13[%mul3A_2, %dma_start3A_34] : memref<640x16xf32, #tpu.memory_space<vmem_shared>> -> memref<40x16xf32, #tpu.memory_space<vmem_shared>>
      tpu.enqueue_dma source(%dma_start3A_35 : memref<40x16xf32, #tpu.memory_space<vmem_shared>>) target(%dma_start3A_33 : memref<40x16xf32, #tpu.memory_space<hbm>>) target_semaphore(%run_scoped3A_31 : memref<!tpu.dma_semaphore, #tpu.memory_space<semaphore_mem>>)
      %dma_wait3A = arith.constant 0 : i32
      %dma_wait3A_36 = tpu.memref_slice %arg6[%arg0, %mul3A_2, %dma_wait3A] : memref<2x640x16xf32, #tpu.memory_space<hbm>> -> memref<1x40x16xf32, #tpu.memory_space<hbm>>
      %dma_wait3A_37 = tpu.memref_squeeze %dma_wait3A_36 : memref<1x40x16xf32, #tpu.memory_space<hbm>> -> memref<40x16xf32, #tpu.memory_space<hbm>>
      %dma_wait3A_38 = arith.constant 0 : i32
      %dma_wait3A_39 = tpu.memref_slice %arg13[%mul3A_2, %dma_wait3A_38] : memref<640x16xf32, #tpu.memory_space<vmem_shared>> -> memref<40x16xf32, #tpu.memory_space<vmem_shared>>
      tpu.wait_dma2 semaphore(%run_scoped3A_31 : memref<!tpu.dma_semaphore, #tpu.memory_space<semaphore_mem>>) src(%dma_wait3A_39 : memref<40x16xf32, #tpu.memory_space<vmem_shared>>) dst(%dma_wait3A_37 : memref<40x16xf32, #tpu.memory_space<hbm>>)
      tpu.yield
    }) : () -> ()
    "tpu.region"() ({
      %run_scoped3A_31 = tpu.sem_alloc : memref<!tpu.dma_semaphore, #tpu.memory_space<semaphore_mem>>
      %dma_start3A = arith.constant 0 : i32
      %dma_start3A_32 = tpu.memref_slice %arg7[%arg0, %mul3A_2, %dma_start3A] : memref<2x640x16xf32, #tpu.memory_space<hbm>> -> memref<1x40x16xf32, #tpu.memory_space<hbm>>
      %dma_start3A_33 = tpu.memref_squeeze %dma_start3A_32 : memref<1x40x16xf32, #tpu.memory_space<hbm>> -> memref<40x16xf32, #tpu.memory_space<hbm>>
      %dma_start3A_34 = arith.constant 0 : i32
      %dma_start3A_35 = tpu.memref_slice %arg14[%mul3A_2, %dma_start3A_34] : memref<640x16xf32, #tpu.memory_space<vmem_shared>> -> memref<40x16xf32, #tpu.memory_space<vmem_shared>>
      tpu.enqueue_dma source(%dma_start3A_35 : memref<40x16xf32, #tpu.memory_space<vmem_shared>>) target(%dma_start3A_33 : memref<40x16xf32, #tpu.memory_space<hbm>>) target_semaphore(%run_scoped3A_31 : memref<!tpu.dma_semaphore, #tpu.memory_space<semaphore_mem>>)
      %dma_wait3A = arith.constant 0 : i32
      %dma_wait3A_36 = tpu.memref_slice %arg7[%arg0, %mul3A_2, %dma_wait3A] : memref<2x640x16xf32, #tpu.memory_space<hbm>> -> memref<1x40x16xf32, #tpu.memory_space<hbm>>
      %dma_wait3A_37 = tpu.memref_squeeze %dma_wait3A_36 : memref<1x40x16xf32, #tpu.memory_space<hbm>> -> memref<40x16xf32, #tpu.memory_space<hbm>>
      %dma_wait3A_38 = arith.constant 0 : i32
      %dma_wait3A_39 = tpu.memref_slice %arg14[%mul3A_2, %dma_wait3A_38] : memref<640x16xf32, #tpu.memory_space<vmem_shared>> -> memref<40x16xf32, #tpu.memory_space<vmem_shared>>
      tpu.wait_dma2 semaphore(%run_scoped3A_31 : memref<!tpu.dma_semaphore, #tpu.memory_space<semaphore_mem>>) src(%dma_wait3A_39 : memref<40x16xf32, #tpu.memory_space<vmem_shared>>) dst(%dma_wait3A_37 : memref<40x16xf32, #tpu.memory_space<hbm>>)
      tpu.yield
    }) : () -> ()
    return
  }
}

#map = affine_map<(d0, d1) -> (0, 0)>
#map1 = affine_map<(d0, d1) -> (0, 0, 0)>
module attributes {stable_mosaic.version = 14 : i64} {
  func.func @_prop_full_body(%arg0: i32, %arg1: i32, %arg2: memref<10240x64xbf16, #tpu.memory_space<hbm>>, %arg3: memref<2560x128xi32, #tpu.memory_space<hbm>>, %arg4: memref<2560x128xi32, #tpu.memory_space<hbm>>, %arg5: memref<10240x64xbf16, #tpu.memory_space<hbm>>, %arg6: memref<2x10240x64xbf16, #tpu.memory_space<hbm>>, %arg7: memref<16x128xi32, #tpu.memory_space<vmem>>, %arg8: memref<16x128xi32, #tpu.memory_space<vmem>>, %arg9: memref<4x128x64xbf16, #tpu.memory_space<vmem>>, %arg10: memref<4x!tpu.dma_semaphore, #tpu.memory_space<semaphore_mem>>, %arg11: memref<10240x64xbf16, #tpu.memory_space<vmem_shared>>, %arg12: memref<10240x64xbf16, #tpu.memory_space<vmem_shared>>) attributes {dimension_semantics = [#tpu.dimension_semantics<core_parallel>, #tpu.dimension_semantics<subcore_parallel>], iteration_bounds = array<i64: 2, 16>, scalar_prefetch = 0 : i64, scratch_operands = 6 : i64, tpu.core_type = #tpu.core_type<sc_vector_subcore>, window_params = [{transform_indices = #map}, {transform_indices = #map}, {transform_indices = #map}, {transform_indices = #map}, {transform_indices = #map1}]} {
    %mul3A = arith.constant 16 : i32
    %mul3A_0 = arith.muli %arg0, %mul3A : i32
    %add3A = arith.addi %mul3A_0, %arg1 : i32
    %mul3A_1 = arith.constant 640 : i32
    %mul3A_2 = arith.muli %arg1, %mul3A_1 : i32
    "tpu.region"() ({
      %run_scoped3A = tpu.sem_alloc : memref<!tpu.dma_semaphore, #tpu.memory_space<semaphore_mem>>
      %dma_start3A = arith.constant 0 : i32
      %dma_start3A_11 = tpu.memref_slice %arg11[%mul3A_2, %dma_start3A] : memref<10240x64xbf16, #tpu.memory_space<vmem_shared>> -> memref<640x64xbf16, #tpu.memory_space<vmem_shared>>
      %dma_start3A_12 = arith.constant 0 : i32
      %dma_start3A_13 = tpu.memref_slice %arg2[%mul3A_2, %dma_start3A_12] : memref<10240x64xbf16, #tpu.memory_space<hbm>> -> memref<640x64xbf16, #tpu.memory_space<hbm>>
      tpu.enqueue_dma source(%dma_start3A_13 : memref<640x64xbf16, #tpu.memory_space<hbm>>) target(%dma_start3A_11 : memref<640x64xbf16, #tpu.memory_space<vmem_shared>>) target_semaphore(%run_scoped3A : memref<!tpu.dma_semaphore, #tpu.memory_space<semaphore_mem>>)
      %dma_wait3A = arith.constant 0 : i32
      %dma_wait3A_14 = tpu.memref_slice %arg11[%mul3A_2, %dma_wait3A] : memref<10240x64xbf16, #tpu.memory_space<vmem_shared>> -> memref<640x64xbf16, #tpu.memory_space<vmem_shared>>
      %dma_wait3A_15 = arith.constant 0 : i32
      %dma_wait3A_16 = tpu.memref_slice %arg2[%mul3A_2, %dma_wait3A_15] : memref<10240x64xbf16, #tpu.memory_space<hbm>> -> memref<640x64xbf16, #tpu.memory_space<hbm>>
      tpu.wait_dma2 semaphore(%run_scoped3A : memref<!tpu.dma_semaphore, #tpu.memory_space<semaphore_mem>>) src(%dma_wait3A_16 : memref<640x64xbf16, #tpu.memory_space<hbm>>) dst(%dma_wait3A_14 : memref<640x64xbf16, #tpu.memory_space<vmem_shared>>)
      tpu.yield
    }) : () -> ()
    "tpu.region"() ({
      %run_scoped3A = tpu.sem_alloc : memref<!tpu.dma_semaphore, #tpu.memory_space<semaphore_mem>>
      %dma_start3A = arith.constant 0 : i32
      %dma_start3A_11 = tpu.memref_slice %arg12[%mul3A_2, %dma_start3A] : memref<10240x64xbf16, #tpu.memory_space<vmem_shared>> -> memref<640x64xbf16, #tpu.memory_space<vmem_shared>>
      %dma_start3A_12 = arith.constant 0 : i32
      %dma_start3A_13 = tpu.memref_slice %arg5[%mul3A_2, %dma_start3A_12] : memref<10240x64xbf16, #tpu.memory_space<hbm>> -> memref<640x64xbf16, #tpu.memory_space<hbm>>
      tpu.enqueue_dma source(%dma_start3A_13 : memref<640x64xbf16, #tpu.memory_space<hbm>>) target(%dma_start3A_11 : memref<640x64xbf16, #tpu.memory_space<vmem_shared>>) target_semaphore(%run_scoped3A : memref<!tpu.dma_semaphore, #tpu.memory_space<semaphore_mem>>)
      %dma_wait3A = arith.constant 0 : i32
      %dma_wait3A_14 = tpu.memref_slice %arg12[%mul3A_2, %dma_wait3A] : memref<10240x64xbf16, #tpu.memory_space<vmem_shared>> -> memref<640x64xbf16, #tpu.memory_space<vmem_shared>>
      %dma_wait3A_15 = arith.constant 0 : i32
      %dma_wait3A_16 = tpu.memref_slice %arg5[%mul3A_2, %dma_wait3A_15] : memref<10240x64xbf16, #tpu.memory_space<hbm>> -> memref<640x64xbf16, #tpu.memory_space<hbm>>
      tpu.wait_dma2 semaphore(%run_scoped3A : memref<!tpu.dma_semaphore, #tpu.memory_space<semaphore_mem>>) src(%dma_wait3A_16 : memref<640x64xbf16, #tpu.memory_space<hbm>>) dst(%dma_wait3A_14 : memref<640x64xbf16, #tpu.memory_space<vmem_shared>>)
      tpu.yield
    }) : () -> ()
    %barrier3A = arith.constant 0 : index
    tpu.barrier barrier_id(%barrier3A)
    %mul3A_3 = arith.constant 80 : i32
    %mul3A_4 = arith.muli %add3A, %mul3A_3 : i32
    %scan3A = arith.constant 0 : i32
    %scan3A_5 = arith.constant 0 : i32
    %scan3A_6 = arith.constant 5 : i32
    %scan3A_7 = arith.addi %scan3A_5, %scan3A_6 : i32
    %scan3A_8 = arith.constant 1 : i32
    scf.for %scan3A_11 = %scan3A_5 to %scan3A_7 step %scan3A_8  : i32 {
      %mul3A_12 = arith.constant 16 : i32
      %mul3A_13 = arith.muli %scan3A_11, %mul3A_12 : i32
      %add3A_14 = arith.addi %mul3A_4, %mul3A_13 : i32
      "tpu.region"() ({
        %run_scoped3A = tpu.sem_alloc : memref<!tpu.dma_semaphore, #tpu.memory_space<semaphore_mem>>
        %dma_start3A_80 = arith.constant 0 : i32
        %dma_start3A_81 = tpu.memref_slice %arg3[%add3A_14, %dma_start3A_80] : memref<2560x128xi32, #tpu.memory_space<hbm>> -> memref<16x128xi32, #tpu.memory_space<hbm>>
        %dma_start3A_82 = arith.constant 0 : i32
        %dma_start3A_83 = tpu.memref_slice %arg3[%add3A_14, %dma_start3A_82] : memref<2560x128xi32, #tpu.memory_space<hbm>> -> memref<16x128xi32, #tpu.memory_space<hbm>>
        tpu.enqueue_dma source(%dma_start3A_83 : memref<16x128xi32, #tpu.memory_space<hbm>>) target(%arg7 : memref<16x128xi32, #tpu.memory_space<vmem>>) target_semaphore(%run_scoped3A : memref<!tpu.dma_semaphore, #tpu.memory_space<semaphore_mem>>)
        %dma_wait3A = arith.constant 0 : i32
        %dma_wait3A_84 = tpu.memref_slice %arg3[%add3A_14, %dma_wait3A] : memref<2560x128xi32, #tpu.memory_space<hbm>> -> memref<16x128xi32, #tpu.memory_space<hbm>>
        %dma_wait3A_85 = arith.constant 0 : i32
        %dma_wait3A_86 = tpu.memref_slice %arg3[%add3A_14, %dma_wait3A_85] : memref<2560x128xi32, #tpu.memory_space<hbm>> -> memref<16x128xi32, #tpu.memory_space<hbm>>
        tpu.wait_dma2 semaphore(%run_scoped3A : memref<!tpu.dma_semaphore, #tpu.memory_space<semaphore_mem>>) src(%dma_wait3A_86 : memref<16x128xi32, #tpu.memory_space<hbm>>) dst(%arg7 : memref<16x128xi32, #tpu.memory_space<vmem>>)
        tpu.yield
      }) : () -> ()
      "tpu.region"() ({
        %run_scoped3A = tpu.sem_alloc : memref<!tpu.dma_semaphore, #tpu.memory_space<semaphore_mem>>
        %dma_start3A_80 = arith.constant 0 : i32
        %dma_start3A_81 = tpu.memref_slice %arg4[%add3A_14, %dma_start3A_80] : memref<2560x128xi32, #tpu.memory_space<hbm>> -> memref<16x128xi32, #tpu.memory_space<hbm>>
        %dma_start3A_82 = arith.constant 0 : i32
        %dma_start3A_83 = tpu.memref_slice %arg4[%add3A_14, %dma_start3A_82] : memref<2560x128xi32, #tpu.memory_space<hbm>> -> memref<16x128xi32, #tpu.memory_space<hbm>>
        tpu.enqueue_dma source(%dma_start3A_83 : memref<16x128xi32, #tpu.memory_space<hbm>>) target(%arg8 : memref<16x128xi32, #tpu.memory_space<vmem>>) target_semaphore(%run_scoped3A : memref<!tpu.dma_semaphore, #tpu.memory_space<semaphore_mem>>)
        %dma_wait3A = arith.constant 0 : i32
        %dma_wait3A_84 = tpu.memref_slice %arg4[%add3A_14, %dma_wait3A] : memref<2560x128xi32, #tpu.memory_space<hbm>> -> memref<16x128xi32, #tpu.memory_space<hbm>>
        %dma_wait3A_85 = arith.constant 0 : i32
        %dma_wait3A_86 = tpu.memref_slice %arg4[%add3A_14, %dma_wait3A_85] : memref<2560x128xi32, #tpu.memory_space<hbm>> -> memref<16x128xi32, #tpu.memory_space<hbm>>
        tpu.wait_dma2 semaphore(%run_scoped3A : memref<!tpu.dma_semaphore, #tpu.memory_space<semaphore_mem>>) src(%dma_wait3A_86 : memref<16x128xi32, #tpu.memory_space<hbm>>) dst(%arg8 : memref<16x128xi32, #tpu.memory_space<vmem>>)
        tpu.yield
      }) : () -> ()
      %dma_start3A = arith.constant 0 : i32
      %dma_start3A_15 = arith.constant 0 : i32
      %dma_start3A_16 = arith.constant 0 : i32
      %dma_start3A_17 = arith.constant 0 : i32
      %dma_start3A_18 = arith.constant 0 : i32
      %dma_start3A_19 = tpu.memref_slice %arg9[%dma_start3A_15, %dma_start3A_17, %dma_start3A_18] : memref<4x128x64xbf16, #tpu.memory_space<vmem>> -> memref<1x128x64xbf16, #tpu.memory_space<vmem>>
      %dma_start3A_20 = tpu.memref_squeeze %dma_start3A_19 : memref<1x128x64xbf16, #tpu.memory_space<vmem>> -> memref<128x64xbf16, #tpu.memory_space<vmem>>
      %dma_start3A_21 = arith.constant 0 : i32
      %dma_start3A_22 = tpu.memref_slice %arg7[%dma_start3A, %dma_start3A_21] : memref<16x128xi32, #tpu.memory_space<vmem>> -> memref<1x128xi32, #tpu.memory_space<vmem>>
      %dma_start3A_23 = tpu.memref_squeeze %dma_start3A_22 : memref<1x128xi32, #tpu.memory_space<vmem>> -> memref<128xi32, #tpu.memory_space<vmem>>
      %dma_start3A_24 = arith.constant 0 : i32
      %dma_start3A_25 = arith.constant 0 : i32
      %dma_start3A_26 = tpu.memref_slice %arg11[%dma_start3A_24, %dma_start3A_25] : memref<10240x64xbf16, #tpu.memory_space<vmem_shared>> -> memref<10240x64xbf16, #tpu.memory_space<vmem_shared>>
      %dma_start3A_27 = tpu.memref_slice %arg10[%dma_start3A_16] : memref<4x!tpu.dma_semaphore, #tpu.memory_space<semaphore_mem>> -> memref<1x!tpu.dma_semaphore, #tpu.memory_space<semaphore_mem>>
      %dma_start3A_28 = tpu.memref_squeeze %dma_start3A_27 : memref<1x!tpu.dma_semaphore, #tpu.memory_space<semaphore_mem>> -> memref<!tpu.dma_semaphore, #tpu.memory_space<semaphore_mem>>
      tpu.enqueue_indirect_dma source(%dma_start3A_26 : memref<10240x64xbf16, #tpu.memory_space<vmem_shared>>) target(%dma_start3A_20 : memref<128x64xbf16, #tpu.memory_space<vmem>>) offsets(%dma_start3A_23 : memref<128xi32, #tpu.memory_space<vmem>>) semaphore(%dma_start3A_28 : memref<!tpu.dma_semaphore, #tpu.memory_space<semaphore_mem>>)
      %dma_start3A_29 = arith.constant 1 : i32
      %dma_start3A_30 = arith.constant 1 : i32
      %dma_start3A_31 = arith.constant 1 : i32
      %dma_start3A_32 = arith.constant 0 : i32
      %dma_start3A_33 = arith.constant 0 : i32
      %dma_start3A_34 = tpu.memref_slice %arg9[%dma_start3A_30, %dma_start3A_32, %dma_start3A_33] : memref<4x128x64xbf16, #tpu.memory_space<vmem>> -> memref<1x128x64xbf16, #tpu.memory_space<vmem>>
      %dma_start3A_35 = tpu.memref_squeeze %dma_start3A_34 : memref<1x128x64xbf16, #tpu.memory_space<vmem>> -> memref<128x64xbf16, #tpu.memory_space<vmem>>
      %dma_start3A_36 = arith.constant 0 : i32
      %dma_start3A_37 = tpu.memref_slice %arg7[%dma_start3A_29, %dma_start3A_36] : memref<16x128xi32, #tpu.memory_space<vmem>> -> memref<1x128xi32, #tpu.memory_space<vmem>>
      %dma_start3A_38 = tpu.memref_squeeze %dma_start3A_37 : memref<1x128xi32, #tpu.memory_space<vmem>> -> memref<128xi32, #tpu.memory_space<vmem>>
      %dma_start3A_39 = arith.constant 0 : i32
      %dma_start3A_40 = arith.constant 0 : i32
      %dma_start3A_41 = tpu.memref_slice %arg11[%dma_start3A_39, %dma_start3A_40] : memref<10240x64xbf16, #tpu.memory_space<vmem_shared>> -> memref<10240x64xbf16, #tpu.memory_space<vmem_shared>>
      %dma_start3A_42 = tpu.memref_slice %arg10[%dma_start3A_31] : memref<4x!tpu.dma_semaphore, #tpu.memory_space<semaphore_mem>> -> memref<1x!tpu.dma_semaphore, #tpu.memory_space<semaphore_mem>>
      %dma_start3A_43 = tpu.memref_squeeze %dma_start3A_42 : memref<1x!tpu.dma_semaphore, #tpu.memory_space<semaphore_mem>> -> memref<!tpu.dma_semaphore, #tpu.memory_space<semaphore_mem>>
      tpu.enqueue_indirect_dma source(%dma_start3A_41 : memref<10240x64xbf16, #tpu.memory_space<vmem_shared>>) target(%dma_start3A_35 : memref<128x64xbf16, #tpu.memory_space<vmem>>) offsets(%dma_start3A_38 : memref<128xi32, #tpu.memory_space<vmem>>) semaphore(%dma_start3A_43 : memref<!tpu.dma_semaphore, #tpu.memory_space<semaphore_mem>>)
      %dma_start3A_44 = arith.constant 2 : i32
      %dma_start3A_45 = arith.constant 2 : i32
      %dma_start3A_46 = arith.constant 2 : i32
      %dma_start3A_47 = arith.constant 0 : i32
      %dma_start3A_48 = arith.constant 0 : i32
      %dma_start3A_49 = tpu.memref_slice %arg9[%dma_start3A_45, %dma_start3A_47, %dma_start3A_48] : memref<4x128x64xbf16, #tpu.memory_space<vmem>> -> memref<1x128x64xbf16, #tpu.memory_space<vmem>>
      %dma_start3A_50 = tpu.memref_squeeze %dma_start3A_49 : memref<1x128x64xbf16, #tpu.memory_space<vmem>> -> memref<128x64xbf16, #tpu.memory_space<vmem>>
      %dma_start3A_51 = arith.constant 0 : i32
      %dma_start3A_52 = tpu.memref_slice %arg7[%dma_start3A_44, %dma_start3A_51] : memref<16x128xi32, #tpu.memory_space<vmem>> -> memref<1x128xi32, #tpu.memory_space<vmem>>
      %dma_start3A_53 = tpu.memref_squeeze %dma_start3A_52 : memref<1x128xi32, #tpu.memory_space<vmem>> -> memref<128xi32, #tpu.memory_space<vmem>>
      %dma_start3A_54 = arith.constant 0 : i32
      %dma_start3A_55 = arith.constant 0 : i32
      %dma_start3A_56 = tpu.memref_slice %arg11[%dma_start3A_54, %dma_start3A_55] : memref<10240x64xbf16, #tpu.memory_space<vmem_shared>> -> memref<10240x64xbf16, #tpu.memory_space<vmem_shared>>
      %dma_start3A_57 = tpu.memref_slice %arg10[%dma_start3A_46] : memref<4x!tpu.dma_semaphore, #tpu.memory_space<semaphore_mem>> -> memref<1x!tpu.dma_semaphore, #tpu.memory_space<semaphore_mem>>
      %dma_start3A_58 = tpu.memref_squeeze %dma_start3A_57 : memref<1x!tpu.dma_semaphore, #tpu.memory_space<semaphore_mem>> -> memref<!tpu.dma_semaphore, #tpu.memory_space<semaphore_mem>>
      tpu.enqueue_indirect_dma source(%dma_start3A_56 : memref<10240x64xbf16, #tpu.memory_space<vmem_shared>>) target(%dma_start3A_50 : memref<128x64xbf16, #tpu.memory_space<vmem>>) offsets(%dma_start3A_53 : memref<128xi32, #tpu.memory_space<vmem>>) semaphore(%dma_start3A_58 : memref<!tpu.dma_semaphore, #tpu.memory_space<semaphore_mem>>)
      %dma_start3A_59 = arith.constant 3 : i32
      %dma_start3A_60 = arith.constant 3 : i32
      %dma_start3A_61 = arith.constant 3 : i32
      %dma_start3A_62 = arith.constant 0 : i32
      %dma_start3A_63 = arith.constant 0 : i32
      %dma_start3A_64 = tpu.memref_slice %arg9[%dma_start3A_60, %dma_start3A_62, %dma_start3A_63] : memref<4x128x64xbf16, #tpu.memory_space<vmem>> -> memref<1x128x64xbf16, #tpu.memory_space<vmem>>
      %dma_start3A_65 = tpu.memref_squeeze %dma_start3A_64 : memref<1x128x64xbf16, #tpu.memory_space<vmem>> -> memref<128x64xbf16, #tpu.memory_space<vmem>>
      %dma_start3A_66 = arith.constant 0 : i32
      %dma_start3A_67 = tpu.memref_slice %arg7[%dma_start3A_59, %dma_start3A_66] : memref<16x128xi32, #tpu.memory_space<vmem>> -> memref<1x128xi32, #tpu.memory_space<vmem>>
      %dma_start3A_68 = tpu.memref_squeeze %dma_start3A_67 : memref<1x128xi32, #tpu.memory_space<vmem>> -> memref<128xi32, #tpu.memory_space<vmem>>
      %dma_start3A_69 = arith.constant 0 : i32
      %dma_start3A_70 = arith.constant 0 : i32
      %dma_start3A_71 = tpu.memref_slice %arg11[%dma_start3A_69, %dma_start3A_70] : memref<10240x64xbf16, #tpu.memory_space<vmem_shared>> -> memref<10240x64xbf16, #tpu.memory_space<vmem_shared>>
      %dma_start3A_72 = tpu.memref_slice %arg10[%dma_start3A_61] : memref<4x!tpu.dma_semaphore, #tpu.memory_space<semaphore_mem>> -> memref<1x!tpu.dma_semaphore, #tpu.memory_space<semaphore_mem>>
      %dma_start3A_73 = tpu.memref_squeeze %dma_start3A_72 : memref<1x!tpu.dma_semaphore, #tpu.memory_space<semaphore_mem>> -> memref<!tpu.dma_semaphore, #tpu.memory_space<semaphore_mem>>
      tpu.enqueue_indirect_dma source(%dma_start3A_71 : memref<10240x64xbf16, #tpu.memory_space<vmem_shared>>) target(%dma_start3A_65 : memref<128x64xbf16, #tpu.memory_space<vmem>>) offsets(%dma_start3A_68 : memref<128xi32, #tpu.memory_space<vmem>>) semaphore(%dma_start3A_73 : memref<!tpu.dma_semaphore, #tpu.memory_space<semaphore_mem>>)
      %scan3A_74 = arith.constant 0 : i32
      %scan3A_75 = arith.constant 0 : i32
      %scan3A_76 = arith.constant 4 : i32
      %scan3A_77 = arith.addi %scan3A_75, %scan3A_76 : i32
      %scan3A_78 = arith.constant 1 : i32
      scf.for %scan3A_80 = %scan3A_75 to %scan3A_77 step %scan3A_78  : i32 {
        %mul3A_81 = arith.constant 4 : i32
        %mul3A_82 = arith.muli %scan3A_80, %mul3A_81 : i32
        %add3A_83 = arith.constant 0 : i32
        %add3A_84 = arith.addi %mul3A_82, %add3A_83 : i32
        %dma_wait3A = arith.constant 0 : i32
        %dma_wait3A_85 = arith.constant 0 : i32
        %dma_wait3A_86 = arith.constant 0 : i32
        %dma_wait3A_87 = arith.constant 0 : i32
        %dma_wait3A_88 = tpu.memref_slice %arg9[%dma_wait3A, %dma_wait3A_86, %dma_wait3A_87] : memref<4x128x64xbf16, #tpu.memory_space<vmem>> -> memref<1x128x64xbf16, #tpu.memory_space<vmem>>
        %dma_wait3A_89 = tpu.memref_squeeze %dma_wait3A_88 : memref<1x128x64xbf16, #tpu.memory_space<vmem>> -> memref<128x64xbf16, #tpu.memory_space<vmem>>
        %dma_wait3A_90 = arith.constant 0 : i32
        %dma_wait3A_91 = tpu.memref_slice %arg7[%add3A_84, %dma_wait3A_90] : memref<16x128xi32, #tpu.memory_space<vmem>> -> memref<1x128xi32, #tpu.memory_space<vmem>>
        %dma_wait3A_92 = tpu.memref_squeeze %dma_wait3A_91 : memref<1x128xi32, #tpu.memory_space<vmem>> -> memref<128xi32, #tpu.memory_space<vmem>>
        %dma_wait3A_93 = arith.constant 0 : i32
        %dma_wait3A_94 = arith.constant 0 : i32
        %dma_wait3A_95 = tpu.memref_slice %arg11[%dma_wait3A_93, %dma_wait3A_94] : memref<10240x64xbf16, #tpu.memory_space<vmem_shared>> -> memref<10240x64xbf16, #tpu.memory_space<vmem_shared>>
        %dma_wait3A_96 = tpu.memref_slice %arg10[%dma_wait3A_85] : memref<4x!tpu.dma_semaphore, #tpu.memory_space<semaphore_mem>> -> memref<1x!tpu.dma_semaphore, #tpu.memory_space<semaphore_mem>>
        %dma_wait3A_97 = tpu.memref_squeeze %dma_wait3A_96 : memref<1x!tpu.dma_semaphore, #tpu.memory_space<semaphore_mem>> -> memref<!tpu.dma_semaphore, #tpu.memory_space<semaphore_mem>>
        tpu.wait_indirect_dma semaphore(%dma_wait3A_97 : memref<!tpu.dma_semaphore, #tpu.memory_space<semaphore_mem>>) src(%dma_wait3A_95 : memref<10240x64xbf16, #tpu.memory_space<vmem_shared>>) dst(%dma_wait3A_89 : memref<128x64xbf16, #tpu.memory_space<vmem>>)
        %run_scoped3A = arith.constant 0 : i32
        "tpu.region"() ({
          %run_scoped3A_180 = tpu.sem_alloc : memref<!tpu.dma_semaphore, #tpu.memory_space<semaphore_mem>>
          %dma_start3A_181 = arith.constant 0 : i32
          %dma_start3A_182 = arith.constant 0 : i32
          %dma_start3A_183 = tpu.memref_slice %arg9[%run_scoped3A, %dma_start3A_181, %dma_start3A_182] : memref<4x128x64xbf16, #tpu.memory_space<vmem>> -> memref<1x128x64xbf16, #tpu.memory_space<vmem>>
          %dma_start3A_184 = tpu.memref_squeeze %dma_start3A_183 : memref<1x128x64xbf16, #tpu.memory_space<vmem>> -> memref<128x64xbf16, #tpu.memory_space<vmem>>
          %dma_start3A_185 = arith.constant 0 : i32
          %dma_start3A_186 = tpu.memref_slice %arg8[%add3A_84, %dma_start3A_185] : memref<16x128xi32, #tpu.memory_space<vmem>> -> memref<1x128xi32, #tpu.memory_space<vmem>>
          %dma_start3A_187 = tpu.memref_squeeze %dma_start3A_186 : memref<1x128xi32, #tpu.memory_space<vmem>> -> memref<128xi32, #tpu.memory_space<vmem>>
          %dma_start3A_188 = arith.constant 0 : i32
          %dma_start3A_189 = arith.constant 0 : i32
          %dma_start3A_190 = tpu.memref_slice %arg12[%dma_start3A_188, %dma_start3A_189] : memref<10240x64xbf16, #tpu.memory_space<vmem_shared>> -> memref<10240x64xbf16, #tpu.memory_space<vmem_shared>>
          tpu.enqueue_indirect_dma source(%dma_start3A_184 : memref<128x64xbf16, #tpu.memory_space<vmem>>) target(%dma_start3A_190 : memref<10240x64xbf16, #tpu.memory_space<vmem_shared>>) offsets(%dma_start3A_187 : memref<128xi32, #tpu.memory_space<vmem>>) semaphore(%run_scoped3A_180 : memref<!tpu.dma_semaphore, #tpu.memory_space<semaphore_mem>>) {add = true}
          %dma_wait3A_191 = arith.constant 0 : i32
          %dma_wait3A_192 = arith.constant 0 : i32
          %dma_wait3A_193 = tpu.memref_slice %arg9[%run_scoped3A, %dma_wait3A_191, %dma_wait3A_192] : memref<4x128x64xbf16, #tpu.memory_space<vmem>> -> memref<1x128x64xbf16, #tpu.memory_space<vmem>>
          %dma_wait3A_194 = tpu.memref_squeeze %dma_wait3A_193 : memref<1x128x64xbf16, #tpu.memory_space<vmem>> -> memref<128x64xbf16, #tpu.memory_space<vmem>>
          %dma_wait3A_195 = arith.constant 0 : i32
          %dma_wait3A_196 = tpu.memref_slice %arg8[%add3A_84, %dma_wait3A_195] : memref<16x128xi32, #tpu.memory_space<vmem>> -> memref<1x128xi32, #tpu.memory_space<vmem>>
          %dma_wait3A_197 = tpu.memref_squeeze %dma_wait3A_196 : memref<1x128xi32, #tpu.memory_space<vmem>> -> memref<128xi32, #tpu.memory_space<vmem>>
          %dma_wait3A_198 = arith.constant 0 : i32
          %dma_wait3A_199 = arith.constant 0 : i32
          %dma_wait3A_200 = tpu.memref_slice %arg12[%dma_wait3A_198, %dma_wait3A_199] : memref<10240x64xbf16, #tpu.memory_space<vmem_shared>> -> memref<10240x64xbf16, #tpu.memory_space<vmem_shared>>
          tpu.wait_indirect_dma semaphore(%run_scoped3A_180 : memref<!tpu.dma_semaphore, #tpu.memory_space<semaphore_mem>>) src(%dma_wait3A_194 : memref<128x64xbf16, #tpu.memory_space<vmem>>) dst(%dma_wait3A_200 : memref<10240x64xbf16, #tpu.memory_space<vmem_shared>>)
          tpu.yield
        }) : () -> ()
        %add3A_98 = arith.constant 4 : i32
        %add3A_99 = arith.addi %add3A_84, %add3A_98 : i32
        %lt3A = arith.constant 16 : i32
        %lt3A_100 = arith.cmpi slt, %add3A_99, %lt3A : i32
        %convert_element_type3A = arith.extui %lt3A_100 : i1 to i32
        %cond3A = arith.constant 0 : i32
        %cond3A_101 = arith.cmpi ne, %convert_element_type3A, %cond3A : i32
        scf.if %cond3A_101 {
          %dma_start3A_180 = arith.constant 0 : i32
          %dma_start3A_181 = arith.constant 0 : i32
          %dma_start3A_182 = arith.constant 0 : i32
          %dma_start3A_183 = arith.constant 0 : i32
          %dma_start3A_184 = tpu.memref_slice %arg9[%dma_start3A_180, %dma_start3A_182, %dma_start3A_183] : memref<4x128x64xbf16, #tpu.memory_space<vmem>> -> memref<1x128x64xbf16, #tpu.memory_space<vmem>>
          %dma_start3A_185 = tpu.memref_squeeze %dma_start3A_184 : memref<1x128x64xbf16, #tpu.memory_space<vmem>> -> memref<128x64xbf16, #tpu.memory_space<vmem>>
          %dma_start3A_186 = arith.constant 0 : i32
          %dma_start3A_187 = tpu.memref_slice %arg7[%add3A_99, %dma_start3A_186] : memref<16x128xi32, #tpu.memory_space<vmem>> -> memref<1x128xi32, #tpu.memory_space<vmem>>
          %dma_start3A_188 = tpu.memref_squeeze %dma_start3A_187 : memref<1x128xi32, #tpu.memory_space<vmem>> -> memref<128xi32, #tpu.memory_space<vmem>>
          %dma_start3A_189 = arith.constant 0 : i32
          %dma_start3A_190 = arith.constant 0 : i32
          %dma_start3A_191 = tpu.memref_slice %arg11[%dma_start3A_189, %dma_start3A_190] : memref<10240x64xbf16, #tpu.memory_space<vmem_shared>> -> memref<10240x64xbf16, #tpu.memory_space<vmem_shared>>
          %dma_start3A_192 = tpu.memref_slice %arg10[%dma_start3A_181] : memref<4x!tpu.dma_semaphore, #tpu.memory_space<semaphore_mem>> -> memref<1x!tpu.dma_semaphore, #tpu.memory_space<semaphore_mem>>
          %dma_start3A_193 = tpu.memref_squeeze %dma_start3A_192 : memref<1x!tpu.dma_semaphore, #tpu.memory_space<semaphore_mem>> -> memref<!tpu.dma_semaphore, #tpu.memory_space<semaphore_mem>>
          tpu.enqueue_indirect_dma source(%dma_start3A_191 : memref<10240x64xbf16, #tpu.memory_space<vmem_shared>>) target(%dma_start3A_185 : memref<128x64xbf16, #tpu.memory_space<vmem>>) offsets(%dma_start3A_188 : memref<128xi32, #tpu.memory_space<vmem>>) semaphore(%dma_start3A_193 : memref<!tpu.dma_semaphore, #tpu.memory_space<semaphore_mem>>)
        } else {
        }
        %mul3A_102 = arith.constant 4 : i32
        %mul3A_103 = arith.muli %scan3A_80, %mul3A_102 : i32
        %add3A_104 = arith.constant 1 : i32
        %add3A_105 = arith.addi %mul3A_103, %add3A_104 : i32
        %dma_wait3A_106 = arith.constant 1 : i32
        %dma_wait3A_107 = arith.constant 1 : i32
        %dma_wait3A_108 = arith.constant 0 : i32
        %dma_wait3A_109 = arith.constant 0 : i32
        %dma_wait3A_110 = tpu.memref_slice %arg9[%dma_wait3A_106, %dma_wait3A_108, %dma_wait3A_109] : memref<4x128x64xbf16, #tpu.memory_space<vmem>> -> memref<1x128x64xbf16, #tpu.memory_space<vmem>>
        %dma_wait3A_111 = tpu.memref_squeeze %dma_wait3A_110 : memref<1x128x64xbf16, #tpu.memory_space<vmem>> -> memref<128x64xbf16, #tpu.memory_space<vmem>>
        %dma_wait3A_112 = arith.constant 0 : i32
        %dma_wait3A_113 = tpu.memref_slice %arg7[%add3A_105, %dma_wait3A_112] : memref<16x128xi32, #tpu.memory_space<vmem>> -> memref<1x128xi32, #tpu.memory_space<vmem>>
        %dma_wait3A_114 = tpu.memref_squeeze %dma_wait3A_113 : memref<1x128xi32, #tpu.memory_space<vmem>> -> memref<128xi32, #tpu.memory_space<vmem>>
        %dma_wait3A_115 = arith.constant 0 : i32
        %dma_wait3A_116 = arith.constant 0 : i32
        %dma_wait3A_117 = tpu.memref_slice %arg11[%dma_wait3A_115, %dma_wait3A_116] : memref<10240x64xbf16, #tpu.memory_space<vmem_shared>> -> memref<10240x64xbf16, #tpu.memory_space<vmem_shared>>
        %dma_wait3A_118 = tpu.memref_slice %arg10[%dma_wait3A_107] : memref<4x!tpu.dma_semaphore, #tpu.memory_space<semaphore_mem>> -> memref<1x!tpu.dma_semaphore, #tpu.memory_space<semaphore_mem>>
        %dma_wait3A_119 = tpu.memref_squeeze %dma_wait3A_118 : memref<1x!tpu.dma_semaphore, #tpu.memory_space<semaphore_mem>> -> memref<!tpu.dma_semaphore, #tpu.memory_space<semaphore_mem>>
        tpu.wait_indirect_dma semaphore(%dma_wait3A_119 : memref<!tpu.dma_semaphore, #tpu.memory_space<semaphore_mem>>) src(%dma_wait3A_117 : memref<10240x64xbf16, #tpu.memory_space<vmem_shared>>) dst(%dma_wait3A_111 : memref<128x64xbf16, #tpu.memory_space<vmem>>)
        %run_scoped3A_120 = arith.constant 1 : i32
        "tpu.region"() ({
          %run_scoped3A_180 = tpu.sem_alloc : memref<!tpu.dma_semaphore, #tpu.memory_space<semaphore_mem>>
          %dma_start3A_181 = arith.constant 0 : i32
          %dma_start3A_182 = arith.constant 0 : i32
          %dma_start3A_183 = tpu.memref_slice %arg9[%run_scoped3A_120, %dma_start3A_181, %dma_start3A_182] : memref<4x128x64xbf16, #tpu.memory_space<vmem>> -> memref<1x128x64xbf16, #tpu.memory_space<vmem>>
          %dma_start3A_184 = tpu.memref_squeeze %dma_start3A_183 : memref<1x128x64xbf16, #tpu.memory_space<vmem>> -> memref<128x64xbf16, #tpu.memory_space<vmem>>
          %dma_start3A_185 = arith.constant 0 : i32
          %dma_start3A_186 = tpu.memref_slice %arg8[%add3A_105, %dma_start3A_185] : memref<16x128xi32, #tpu.memory_space<vmem>> -> memref<1x128xi32, #tpu.memory_space<vmem>>
          %dma_start3A_187 = tpu.memref_squeeze %dma_start3A_186 : memref<1x128xi32, #tpu.memory_space<vmem>> -> memref<128xi32, #tpu.memory_space<vmem>>
          %dma_start3A_188 = arith.constant 0 : i32
          %dma_start3A_189 = arith.constant 0 : i32
          %dma_start3A_190 = tpu.memref_slice %arg12[%dma_start3A_188, %dma_start3A_189] : memref<10240x64xbf16, #tpu.memory_space<vmem_shared>> -> memref<10240x64xbf16, #tpu.memory_space<vmem_shared>>
          tpu.enqueue_indirect_dma source(%dma_start3A_184 : memref<128x64xbf16, #tpu.memory_space<vmem>>) target(%dma_start3A_190 : memref<10240x64xbf16, #tpu.memory_space<vmem_shared>>) offsets(%dma_start3A_187 : memref<128xi32, #tpu.memory_space<vmem>>) semaphore(%run_scoped3A_180 : memref<!tpu.dma_semaphore, #tpu.memory_space<semaphore_mem>>) {add = true}
          %dma_wait3A_191 = arith.constant 0 : i32
          %dma_wait3A_192 = arith.constant 0 : i32
          %dma_wait3A_193 = tpu.memref_slice %arg9[%run_scoped3A_120, %dma_wait3A_191, %dma_wait3A_192] : memref<4x128x64xbf16, #tpu.memory_space<vmem>> -> memref<1x128x64xbf16, #tpu.memory_space<vmem>>
          %dma_wait3A_194 = tpu.memref_squeeze %dma_wait3A_193 : memref<1x128x64xbf16, #tpu.memory_space<vmem>> -> memref<128x64xbf16, #tpu.memory_space<vmem>>
          %dma_wait3A_195 = arith.constant 0 : i32
          %dma_wait3A_196 = tpu.memref_slice %arg8[%add3A_105, %dma_wait3A_195] : memref<16x128xi32, #tpu.memory_space<vmem>> -> memref<1x128xi32, #tpu.memory_space<vmem>>
          %dma_wait3A_197 = tpu.memref_squeeze %dma_wait3A_196 : memref<1x128xi32, #tpu.memory_space<vmem>> -> memref<128xi32, #tpu.memory_space<vmem>>
          %dma_wait3A_198 = arith.constant 0 : i32
          %dma_wait3A_199 = arith.constant 0 : i32
          %dma_wait3A_200 = tpu.memref_slice %arg12[%dma_wait3A_198, %dma_wait3A_199] : memref<10240x64xbf16, #tpu.memory_space<vmem_shared>> -> memref<10240x64xbf16, #tpu.memory_space<vmem_shared>>
          tpu.wait_indirect_dma semaphore(%run_scoped3A_180 : memref<!tpu.dma_semaphore, #tpu.memory_space<semaphore_mem>>) src(%dma_wait3A_194 : memref<128x64xbf16, #tpu.memory_space<vmem>>) dst(%dma_wait3A_200 : memref<10240x64xbf16, #tpu.memory_space<vmem_shared>>)
          tpu.yield
        }) : () -> ()
        %add3A_121 = arith.constant 4 : i32
        %add3A_122 = arith.addi %add3A_105, %add3A_121 : i32
        %lt3A_123 = arith.constant 16 : i32
        %lt3A_124 = arith.cmpi slt, %add3A_122, %lt3A_123 : i32
        %convert_element_type3A_125 = arith.extui %lt3A_124 : i1 to i32
        %cond3A_126 = arith.constant 0 : i32
        %cond3A_127 = arith.cmpi ne, %convert_element_type3A_125, %cond3A_126 : i32
        scf.if %cond3A_127 {
          %dma_start3A_180 = arith.constant 1 : i32
          %dma_start3A_181 = arith.constant 1 : i32
          %dma_start3A_182 = arith.constant 0 : i32
          %dma_start3A_183 = arith.constant 0 : i32
          %dma_start3A_184 = tpu.memref_slice %arg9[%dma_start3A_180, %dma_start3A_182, %dma_start3A_183] : memref<4x128x64xbf16, #tpu.memory_space<vmem>> -> memref<1x128x64xbf16, #tpu.memory_space<vmem>>
          %dma_start3A_185 = tpu.memref_squeeze %dma_start3A_184 : memref<1x128x64xbf16, #tpu.memory_space<vmem>> -> memref<128x64xbf16, #tpu.memory_space<vmem>>
          %dma_start3A_186 = arith.constant 0 : i32
          %dma_start3A_187 = tpu.memref_slice %arg7[%add3A_122, %dma_start3A_186] : memref<16x128xi32, #tpu.memory_space<vmem>> -> memref<1x128xi32, #tpu.memory_space<vmem>>
          %dma_start3A_188 = tpu.memref_squeeze %dma_start3A_187 : memref<1x128xi32, #tpu.memory_space<vmem>> -> memref<128xi32, #tpu.memory_space<vmem>>
          %dma_start3A_189 = arith.constant 0 : i32
          %dma_start3A_190 = arith.constant 0 : i32
          %dma_start3A_191 = tpu.memref_slice %arg11[%dma_start3A_189, %dma_start3A_190] : memref<10240x64xbf16, #tpu.memory_space<vmem_shared>> -> memref<10240x64xbf16, #tpu.memory_space<vmem_shared>>
          %dma_start3A_192 = tpu.memref_slice %arg10[%dma_start3A_181] : memref<4x!tpu.dma_semaphore, #tpu.memory_space<semaphore_mem>> -> memref<1x!tpu.dma_semaphore, #tpu.memory_space<semaphore_mem>>
          %dma_start3A_193 = tpu.memref_squeeze %dma_start3A_192 : memref<1x!tpu.dma_semaphore, #tpu.memory_space<semaphore_mem>> -> memref<!tpu.dma_semaphore, #tpu.memory_space<semaphore_mem>>
          tpu.enqueue_indirect_dma source(%dma_start3A_191 : memref<10240x64xbf16, #tpu.memory_space<vmem_shared>>) target(%dma_start3A_185 : memref<128x64xbf16, #tpu.memory_space<vmem>>) offsets(%dma_start3A_188 : memref<128xi32, #tpu.memory_space<vmem>>) semaphore(%dma_start3A_193 : memref<!tpu.dma_semaphore, #tpu.memory_space<semaphore_mem>>)
        } else {
        }
        %mul3A_128 = arith.constant 4 : i32
        %mul3A_129 = arith.muli %scan3A_80, %mul3A_128 : i32
        %add3A_130 = arith.constant 2 : i32
        %add3A_131 = arith.addi %mul3A_129, %add3A_130 : i32
        %dma_wait3A_132 = arith.constant 2 : i32
        %dma_wait3A_133 = arith.constant 2 : i32
        %dma_wait3A_134 = arith.constant 0 : i32
        %dma_wait3A_135 = arith.constant 0 : i32
        %dma_wait3A_136 = tpu.memref_slice %arg9[%dma_wait3A_132, %dma_wait3A_134, %dma_wait3A_135] : memref<4x128x64xbf16, #tpu.memory_space<vmem>> -> memref<1x128x64xbf16, #tpu.memory_space<vmem>>
        %dma_wait3A_137 = tpu.memref_squeeze %dma_wait3A_136 : memref<1x128x64xbf16, #tpu.memory_space<vmem>> -> memref<128x64xbf16, #tpu.memory_space<vmem>>
        %dma_wait3A_138 = arith.constant 0 : i32
        %dma_wait3A_139 = tpu.memref_slice %arg7[%add3A_131, %dma_wait3A_138] : memref<16x128xi32, #tpu.memory_space<vmem>> -> memref<1x128xi32, #tpu.memory_space<vmem>>
        %dma_wait3A_140 = tpu.memref_squeeze %dma_wait3A_139 : memref<1x128xi32, #tpu.memory_space<vmem>> -> memref<128xi32, #tpu.memory_space<vmem>>
        %dma_wait3A_141 = arith.constant 0 : i32
        %dma_wait3A_142 = arith.constant 0 : i32
        %dma_wait3A_143 = tpu.memref_slice %arg11[%dma_wait3A_141, %dma_wait3A_142] : memref<10240x64xbf16, #tpu.memory_space<vmem_shared>> -> memref<10240x64xbf16, #tpu.memory_space<vmem_shared>>
        %dma_wait3A_144 = tpu.memref_slice %arg10[%dma_wait3A_133] : memref<4x!tpu.dma_semaphore, #tpu.memory_space<semaphore_mem>> -> memref<1x!tpu.dma_semaphore, #tpu.memory_space<semaphore_mem>>
        %dma_wait3A_145 = tpu.memref_squeeze %dma_wait3A_144 : memref<1x!tpu.dma_semaphore, #tpu.memory_space<semaphore_mem>> -> memref<!tpu.dma_semaphore, #tpu.memory_space<semaphore_mem>>
        tpu.wait_indirect_dma semaphore(%dma_wait3A_145 : memref<!tpu.dma_semaphore, #tpu.memory_space<semaphore_mem>>) src(%dma_wait3A_143 : memref<10240x64xbf16, #tpu.memory_space<vmem_shared>>) dst(%dma_wait3A_137 : memref<128x64xbf16, #tpu.memory_space<vmem>>)
        %run_scoped3A_146 = arith.constant 2 : i32
        "tpu.region"() ({
          %run_scoped3A_180 = tpu.sem_alloc : memref<!tpu.dma_semaphore, #tpu.memory_space<semaphore_mem>>
          %dma_start3A_181 = arith.constant 0 : i32
          %dma_start3A_182 = arith.constant 0 : i32
          %dma_start3A_183 = tpu.memref_slice %arg9[%run_scoped3A_146, %dma_start3A_181, %dma_start3A_182] : memref<4x128x64xbf16, #tpu.memory_space<vmem>> -> memref<1x128x64xbf16, #tpu.memory_space<vmem>>
          %dma_start3A_184 = tpu.memref_squeeze %dma_start3A_183 : memref<1x128x64xbf16, #tpu.memory_space<vmem>> -> memref<128x64xbf16, #tpu.memory_space<vmem>>
          %dma_start3A_185 = arith.constant 0 : i32
          %dma_start3A_186 = tpu.memref_slice %arg8[%add3A_131, %dma_start3A_185] : memref<16x128xi32, #tpu.memory_space<vmem>> -> memref<1x128xi32, #tpu.memory_space<vmem>>
          %dma_start3A_187 = tpu.memref_squeeze %dma_start3A_186 : memref<1x128xi32, #tpu.memory_space<vmem>> -> memref<128xi32, #tpu.memory_space<vmem>>
          %dma_start3A_188 = arith.constant 0 : i32
          %dma_start3A_189 = arith.constant 0 : i32
          %dma_start3A_190 = tpu.memref_slice %arg12[%dma_start3A_188, %dma_start3A_189] : memref<10240x64xbf16, #tpu.memory_space<vmem_shared>> -> memref<10240x64xbf16, #tpu.memory_space<vmem_shared>>
          tpu.enqueue_indirect_dma source(%dma_start3A_184 : memref<128x64xbf16, #tpu.memory_space<vmem>>) target(%dma_start3A_190 : memref<10240x64xbf16, #tpu.memory_space<vmem_shared>>) offsets(%dma_start3A_187 : memref<128xi32, #tpu.memory_space<vmem>>) semaphore(%run_scoped3A_180 : memref<!tpu.dma_semaphore, #tpu.memory_space<semaphore_mem>>) {add = true}
          %dma_wait3A_191 = arith.constant 0 : i32
          %dma_wait3A_192 = arith.constant 0 : i32
          %dma_wait3A_193 = tpu.memref_slice %arg9[%run_scoped3A_146, %dma_wait3A_191, %dma_wait3A_192] : memref<4x128x64xbf16, #tpu.memory_space<vmem>> -> memref<1x128x64xbf16, #tpu.memory_space<vmem>>
          %dma_wait3A_194 = tpu.memref_squeeze %dma_wait3A_193 : memref<1x128x64xbf16, #tpu.memory_space<vmem>> -> memref<128x64xbf16, #tpu.memory_space<vmem>>
          %dma_wait3A_195 = arith.constant 0 : i32
          %dma_wait3A_196 = tpu.memref_slice %arg8[%add3A_131, %dma_wait3A_195] : memref<16x128xi32, #tpu.memory_space<vmem>> -> memref<1x128xi32, #tpu.memory_space<vmem>>
          %dma_wait3A_197 = tpu.memref_squeeze %dma_wait3A_196 : memref<1x128xi32, #tpu.memory_space<vmem>> -> memref<128xi32, #tpu.memory_space<vmem>>
          %dma_wait3A_198 = arith.constant 0 : i32
          %dma_wait3A_199 = arith.constant 0 : i32
          %dma_wait3A_200 = tpu.memref_slice %arg12[%dma_wait3A_198, %dma_wait3A_199] : memref<10240x64xbf16, #tpu.memory_space<vmem_shared>> -> memref<10240x64xbf16, #tpu.memory_space<vmem_shared>>
          tpu.wait_indirect_dma semaphore(%run_scoped3A_180 : memref<!tpu.dma_semaphore, #tpu.memory_space<semaphore_mem>>) src(%dma_wait3A_194 : memref<128x64xbf16, #tpu.memory_space<vmem>>) dst(%dma_wait3A_200 : memref<10240x64xbf16, #tpu.memory_space<vmem_shared>>)
          tpu.yield
        }) : () -> ()
        %add3A_147 = arith.constant 4 : i32
        %add3A_148 = arith.addi %add3A_131, %add3A_147 : i32
        %lt3A_149 = arith.constant 16 : i32
        %lt3A_150 = arith.cmpi slt, %add3A_148, %lt3A_149 : i32
        %convert_element_type3A_151 = arith.extui %lt3A_150 : i1 to i32
        %cond3A_152 = arith.constant 0 : i32
        %cond3A_153 = arith.cmpi ne, %convert_element_type3A_151, %cond3A_152 : i32
        scf.if %cond3A_153 {
          %dma_start3A_180 = arith.constant 2 : i32
          %dma_start3A_181 = arith.constant 2 : i32
          %dma_start3A_182 = arith.constant 0 : i32
          %dma_start3A_183 = arith.constant 0 : i32
          %dma_start3A_184 = tpu.memref_slice %arg9[%dma_start3A_180, %dma_start3A_182, %dma_start3A_183] : memref<4x128x64xbf16, #tpu.memory_space<vmem>> -> memref<1x128x64xbf16, #tpu.memory_space<vmem>>
          %dma_start3A_185 = tpu.memref_squeeze %dma_start3A_184 : memref<1x128x64xbf16, #tpu.memory_space<vmem>> -> memref<128x64xbf16, #tpu.memory_space<vmem>>
          %dma_start3A_186 = arith.constant 0 : i32
          %dma_start3A_187 = tpu.memref_slice %arg7[%add3A_148, %dma_start3A_186] : memref<16x128xi32, #tpu.memory_space<vmem>> -> memref<1x128xi32, #tpu.memory_space<vmem>>
          %dma_start3A_188 = tpu.memref_squeeze %dma_start3A_187 : memref<1x128xi32, #tpu.memory_space<vmem>> -> memref<128xi32, #tpu.memory_space<vmem>>
          %dma_start3A_189 = arith.constant 0 : i32
          %dma_start3A_190 = arith.constant 0 : i32
          %dma_start3A_191 = tpu.memref_slice %arg11[%dma_start3A_189, %dma_start3A_190] : memref<10240x64xbf16, #tpu.memory_space<vmem_shared>> -> memref<10240x64xbf16, #tpu.memory_space<vmem_shared>>
          %dma_start3A_192 = tpu.memref_slice %arg10[%dma_start3A_181] : memref<4x!tpu.dma_semaphore, #tpu.memory_space<semaphore_mem>> -> memref<1x!tpu.dma_semaphore, #tpu.memory_space<semaphore_mem>>
          %dma_start3A_193 = tpu.memref_squeeze %dma_start3A_192 : memref<1x!tpu.dma_semaphore, #tpu.memory_space<semaphore_mem>> -> memref<!tpu.dma_semaphore, #tpu.memory_space<semaphore_mem>>
          tpu.enqueue_indirect_dma source(%dma_start3A_191 : memref<10240x64xbf16, #tpu.memory_space<vmem_shared>>) target(%dma_start3A_185 : memref<128x64xbf16, #tpu.memory_space<vmem>>) offsets(%dma_start3A_188 : memref<128xi32, #tpu.memory_space<vmem>>) semaphore(%dma_start3A_193 : memref<!tpu.dma_semaphore, #tpu.memory_space<semaphore_mem>>)
        } else {
        }
        %mul3A_154 = arith.constant 4 : i32
        %mul3A_155 = arith.muli %scan3A_80, %mul3A_154 : i32
        %add3A_156 = arith.constant 3 : i32
        %add3A_157 = arith.addi %mul3A_155, %add3A_156 : i32
        %dma_wait3A_158 = arith.constant 3 : i32
        %dma_wait3A_159 = arith.constant 3 : i32
        %dma_wait3A_160 = arith.constant 0 : i32
        %dma_wait3A_161 = arith.constant 0 : i32
        %dma_wait3A_162 = tpu.memref_slice %arg9[%dma_wait3A_158, %dma_wait3A_160, %dma_wait3A_161] : memref<4x128x64xbf16, #tpu.memory_space<vmem>> -> memref<1x128x64xbf16, #tpu.memory_space<vmem>>
        %dma_wait3A_163 = tpu.memref_squeeze %dma_wait3A_162 : memref<1x128x64xbf16, #tpu.memory_space<vmem>> -> memref<128x64xbf16, #tpu.memory_space<vmem>>
        %dma_wait3A_164 = arith.constant 0 : i32
        %dma_wait3A_165 = tpu.memref_slice %arg7[%add3A_157, %dma_wait3A_164] : memref<16x128xi32, #tpu.memory_space<vmem>> -> memref<1x128xi32, #tpu.memory_space<vmem>>
        %dma_wait3A_166 = tpu.memref_squeeze %dma_wait3A_165 : memref<1x128xi32, #tpu.memory_space<vmem>> -> memref<128xi32, #tpu.memory_space<vmem>>
        %dma_wait3A_167 = arith.constant 0 : i32
        %dma_wait3A_168 = arith.constant 0 : i32
        %dma_wait3A_169 = tpu.memref_slice %arg11[%dma_wait3A_167, %dma_wait3A_168] : memref<10240x64xbf16, #tpu.memory_space<vmem_shared>> -> memref<10240x64xbf16, #tpu.memory_space<vmem_shared>>
        %dma_wait3A_170 = tpu.memref_slice %arg10[%dma_wait3A_159] : memref<4x!tpu.dma_semaphore, #tpu.memory_space<semaphore_mem>> -> memref<1x!tpu.dma_semaphore, #tpu.memory_space<semaphore_mem>>
        %dma_wait3A_171 = tpu.memref_squeeze %dma_wait3A_170 : memref<1x!tpu.dma_semaphore, #tpu.memory_space<semaphore_mem>> -> memref<!tpu.dma_semaphore, #tpu.memory_space<semaphore_mem>>
        tpu.wait_indirect_dma semaphore(%dma_wait3A_171 : memref<!tpu.dma_semaphore, #tpu.memory_space<semaphore_mem>>) src(%dma_wait3A_169 : memref<10240x64xbf16, #tpu.memory_space<vmem_shared>>) dst(%dma_wait3A_163 : memref<128x64xbf16, #tpu.memory_space<vmem>>)
        %run_scoped3A_172 = arith.constant 3 : i32
        "tpu.region"() ({
          %run_scoped3A_180 = tpu.sem_alloc : memref<!tpu.dma_semaphore, #tpu.memory_space<semaphore_mem>>
          %dma_start3A_181 = arith.constant 0 : i32
          %dma_start3A_182 = arith.constant 0 : i32
          %dma_start3A_183 = tpu.memref_slice %arg9[%run_scoped3A_172, %dma_start3A_181, %dma_start3A_182] : memref<4x128x64xbf16, #tpu.memory_space<vmem>> -> memref<1x128x64xbf16, #tpu.memory_space<vmem>>
          %dma_start3A_184 = tpu.memref_squeeze %dma_start3A_183 : memref<1x128x64xbf16, #tpu.memory_space<vmem>> -> memref<128x64xbf16, #tpu.memory_space<vmem>>
          %dma_start3A_185 = arith.constant 0 : i32
          %dma_start3A_186 = tpu.memref_slice %arg8[%add3A_157, %dma_start3A_185] : memref<16x128xi32, #tpu.memory_space<vmem>> -> memref<1x128xi32, #tpu.memory_space<vmem>>
          %dma_start3A_187 = tpu.memref_squeeze %dma_start3A_186 : memref<1x128xi32, #tpu.memory_space<vmem>> -> memref<128xi32, #tpu.memory_space<vmem>>
          %dma_start3A_188 = arith.constant 0 : i32
          %dma_start3A_189 = arith.constant 0 : i32
          %dma_start3A_190 = tpu.memref_slice %arg12[%dma_start3A_188, %dma_start3A_189] : memref<10240x64xbf16, #tpu.memory_space<vmem_shared>> -> memref<10240x64xbf16, #tpu.memory_space<vmem_shared>>
          tpu.enqueue_indirect_dma source(%dma_start3A_184 : memref<128x64xbf16, #tpu.memory_space<vmem>>) target(%dma_start3A_190 : memref<10240x64xbf16, #tpu.memory_space<vmem_shared>>) offsets(%dma_start3A_187 : memref<128xi32, #tpu.memory_space<vmem>>) semaphore(%run_scoped3A_180 : memref<!tpu.dma_semaphore, #tpu.memory_space<semaphore_mem>>) {add = true}
          %dma_wait3A_191 = arith.constant 0 : i32
          %dma_wait3A_192 = arith.constant 0 : i32
          %dma_wait3A_193 = tpu.memref_slice %arg9[%run_scoped3A_172, %dma_wait3A_191, %dma_wait3A_192] : memref<4x128x64xbf16, #tpu.memory_space<vmem>> -> memref<1x128x64xbf16, #tpu.memory_space<vmem>>
          %dma_wait3A_194 = tpu.memref_squeeze %dma_wait3A_193 : memref<1x128x64xbf16, #tpu.memory_space<vmem>> -> memref<128x64xbf16, #tpu.memory_space<vmem>>
          %dma_wait3A_195 = arith.constant 0 : i32
          %dma_wait3A_196 = tpu.memref_slice %arg8[%add3A_157, %dma_wait3A_195] : memref<16x128xi32, #tpu.memory_space<vmem>> -> memref<1x128xi32, #tpu.memory_space<vmem>>
          %dma_wait3A_197 = tpu.memref_squeeze %dma_wait3A_196 : memref<1x128xi32, #tpu.memory_space<vmem>> -> memref<128xi32, #tpu.memory_space<vmem>>
          %dma_wait3A_198 = arith.constant 0 : i32
          %dma_wait3A_199 = arith.constant 0 : i32
          %dma_wait3A_200 = tpu.memref_slice %arg12[%dma_wait3A_198, %dma_wait3A_199] : memref<10240x64xbf16, #tpu.memory_space<vmem_shared>> -> memref<10240x64xbf16, #tpu.memory_space<vmem_shared>>
          tpu.wait_indirect_dma semaphore(%run_scoped3A_180 : memref<!tpu.dma_semaphore, #tpu.memory_space<semaphore_mem>>) src(%dma_wait3A_194 : memref<128x64xbf16, #tpu.memory_space<vmem>>) dst(%dma_wait3A_200 : memref<10240x64xbf16, #tpu.memory_space<vmem_shared>>)
          tpu.yield
        }) : () -> ()
        %add3A_173 = arith.constant 4 : i32
        %add3A_174 = arith.addi %add3A_157, %add3A_173 : i32
        %lt3A_175 = arith.constant 16 : i32
        %lt3A_176 = arith.cmpi slt, %add3A_174, %lt3A_175 : i32
        %convert_element_type3A_177 = arith.extui %lt3A_176 : i1 to i32
        %cond3A_178 = arith.constant 0 : i32
        %cond3A_179 = arith.cmpi ne, %convert_element_type3A_177, %cond3A_178 : i32
        scf.if %cond3A_179 {
          %dma_start3A_180 = arith.constant 3 : i32
          %dma_start3A_181 = arith.constant 3 : i32
          %dma_start3A_182 = arith.constant 0 : i32
          %dma_start3A_183 = arith.constant 0 : i32
          %dma_start3A_184 = tpu.memref_slice %arg9[%dma_start3A_180, %dma_start3A_182, %dma_start3A_183] : memref<4x128x64xbf16, #tpu.memory_space<vmem>> -> memref<1x128x64xbf16, #tpu.memory_space<vmem>>
          %dma_start3A_185 = tpu.memref_squeeze %dma_start3A_184 : memref<1x128x64xbf16, #tpu.memory_space<vmem>> -> memref<128x64xbf16, #tpu.memory_space<vmem>>
          %dma_start3A_186 = arith.constant 0 : i32
          %dma_start3A_187 = tpu.memref_slice %arg7[%add3A_174, %dma_start3A_186] : memref<16x128xi32, #tpu.memory_space<vmem>> -> memref<1x128xi32, #tpu.memory_space<vmem>>
          %dma_start3A_188 = tpu.memref_squeeze %dma_start3A_187 : memref<1x128xi32, #tpu.memory_space<vmem>> -> memref<128xi32, #tpu.memory_space<vmem>>
          %dma_start3A_189 = arith.constant 0 : i32
          %dma_start3A_190 = arith.constant 0 : i32
          %dma_start3A_191 = tpu.memref_slice %arg11[%dma_start3A_189, %dma_start3A_190] : memref<10240x64xbf16, #tpu.memory_space<vmem_shared>> -> memref<10240x64xbf16, #tpu.memory_space<vmem_shared>>
          %dma_start3A_192 = tpu.memref_slice %arg10[%dma_start3A_181] : memref<4x!tpu.dma_semaphore, #tpu.memory_space<semaphore_mem>> -> memref<1x!tpu.dma_semaphore, #tpu.memory_space<semaphore_mem>>
          %dma_start3A_193 = tpu.memref_squeeze %dma_start3A_192 : memref<1x!tpu.dma_semaphore, #tpu.memory_space<semaphore_mem>> -> memref<!tpu.dma_semaphore, #tpu.memory_space<semaphore_mem>>
          tpu.enqueue_indirect_dma source(%dma_start3A_191 : memref<10240x64xbf16, #tpu.memory_space<vmem_shared>>) target(%dma_start3A_185 : memref<128x64xbf16, #tpu.memory_space<vmem>>) offsets(%dma_start3A_188 : memref<128xi32, #tpu.memory_space<vmem>>) semaphore(%dma_start3A_193 : memref<!tpu.dma_semaphore, #tpu.memory_space<semaphore_mem>>)
        } else {
        }
      }
      %scan3A_79 = arith.constant 4 : i32
    }
    %scan3A_9 = arith.constant 5 : i32
    %barrier3A_10 = arith.constant 0 : index
    tpu.barrier barrier_id(%barrier3A_10)
    "tpu.region"() ({
      %run_scoped3A = tpu.sem_alloc : memref<!tpu.dma_semaphore, #tpu.memory_space<semaphore_mem>>
      %dma_start3A = arith.constant 0 : i32
      %dma_start3A_11 = tpu.memref_slice %arg6[%arg0, %mul3A_2, %dma_start3A] : memref<2x10240x64xbf16, #tpu.memory_space<hbm>> -> memref<1x640x64xbf16, #tpu.memory_space<hbm>>
      %dma_start3A_12 = tpu.memref_squeeze %dma_start3A_11 : memref<1x640x64xbf16, #tpu.memory_space<hbm>> -> memref<640x64xbf16, #tpu.memory_space<hbm>>
      %dma_start3A_13 = arith.constant 0 : i32
      %dma_start3A_14 = tpu.memref_slice %arg12[%mul3A_2, %dma_start3A_13] : memref<10240x64xbf16, #tpu.memory_space<vmem_shared>> -> memref<640x64xbf16, #tpu.memory_space<vmem_shared>>
      tpu.enqueue_dma source(%dma_start3A_14 : memref<640x64xbf16, #tpu.memory_space<vmem_shared>>) target(%dma_start3A_12 : memref<640x64xbf16, #tpu.memory_space<hbm>>) target_semaphore(%run_scoped3A : memref<!tpu.dma_semaphore, #tpu.memory_space<semaphore_mem>>)
      %dma_wait3A = arith.constant 0 : i32
      %dma_wait3A_15 = tpu.memref_slice %arg6[%arg0, %mul3A_2, %dma_wait3A] : memref<2x10240x64xbf16, #tpu.memory_space<hbm>> -> memref<1x640x64xbf16, #tpu.memory_space<hbm>>
      %dma_wait3A_16 = tpu.memref_squeeze %dma_wait3A_15 : memref<1x640x64xbf16, #tpu.memory_space<hbm>> -> memref<640x64xbf16, #tpu.memory_space<hbm>>
      %dma_wait3A_17 = arith.constant 0 : i32
      %dma_wait3A_18 = tpu.memref_slice %arg12[%mul3A_2, %dma_wait3A_17] : memref<10240x64xbf16, #tpu.memory_space<vmem_shared>> -> memref<640x64xbf16, #tpu.memory_space<vmem_shared>>
      tpu.wait_dma2 semaphore(%run_scoped3A : memref<!tpu.dma_semaphore, #tpu.memory_space<semaphore_mem>>) src(%dma_wait3A_18 : memref<640x64xbf16, #tpu.memory_space<vmem_shared>>) dst(%dma_wait3A_16 : memref<640x64xbf16, #tpu.memory_space<hbm>>)
      tpu.yield
    }) : () -> ()
    return
  }
}

#map = affine_map<(d0, d1) -> (0, 0, 0)>
#map1 = affine_map<(d0, d1) -> (0, 0)>
module attributes {stable_mosaic.version = 14 : i64} {
  func.func @_prop_split_body(%arg0: i32, %arg1: i32, %arg2: memref<2x10240x64xbf16, #tpu.memory_space<hbm>>, %arg3: memref<2560x128xi32, #tpu.memory_space<hbm>>, %arg4: memref<2560x128xi32, #tpu.memory_space<hbm>>, %arg5: memref<10240x64xbf16, #tpu.memory_space<hbm>>, %arg6: memref<2x10240x64xbf16, #tpu.memory_space<hbm>>, %arg7: memref<16x128xi32, #tpu.memory_space<vmem>>, %arg8: memref<16x128xi32, #tpu.memory_space<vmem>>, %arg9: memref<4x128x64xbf16, #tpu.memory_space<vmem>>, %arg10: memref<4x!tpu.dma_semaphore, #tpu.memory_space<semaphore_mem>>, %arg11: memref<10240x64xbf16, #tpu.memory_space<vmem_shared>>, %arg12: memref<10240x64xbf16, #tpu.memory_space<vmem_shared>>) attributes {dimension_semantics = [#tpu.dimension_semantics<core_parallel>, #tpu.dimension_semantics<subcore_parallel>], iteration_bounds = array<i64: 2, 16>, scalar_prefetch = 0 : i64, scratch_operands = 6 : i64, tpu.core_type = #tpu.core_type<sc_vector_subcore>, window_params = [{transform_indices = #map}, {transform_indices = #map1}, {transform_indices = #map1}, {transform_indices = #map1}, {transform_indices = #map}]} {
    %mul3A = arith.constant 640 : i32
    %mul3A_0 = arith.muli %arg1, %mul3A : i32
    "tpu.region"() ({
      %run_scoped3A = tpu.sem_alloc : memref<!tpu.dma_semaphore, #tpu.memory_space<semaphore_mem>>
      %dma_start3A = arith.constant 0 : i32
      %dma_start3A_9 = tpu.memref_slice %arg11[%mul3A_0, %dma_start3A] : memref<10240x64xbf16, #tpu.memory_space<vmem_shared>> -> memref<640x64xbf16, #tpu.memory_space<vmem_shared>>
      %dma_start3A_10 = arith.constant 0 : i32
      %dma_start3A_11 = tpu.memref_slice %arg2[%arg0, %mul3A_0, %dma_start3A_10] : memref<2x10240x64xbf16, #tpu.memory_space<hbm>> -> memref<1x640x64xbf16, #tpu.memory_space<hbm>>
      %dma_start3A_12 = tpu.memref_squeeze %dma_start3A_11 : memref<1x640x64xbf16, #tpu.memory_space<hbm>> -> memref<640x64xbf16, #tpu.memory_space<hbm>>
      tpu.enqueue_dma source(%dma_start3A_12 : memref<640x64xbf16, #tpu.memory_space<hbm>>) target(%dma_start3A_9 : memref<640x64xbf16, #tpu.memory_space<vmem_shared>>) target_semaphore(%run_scoped3A : memref<!tpu.dma_semaphore, #tpu.memory_space<semaphore_mem>>)
      %dma_wait3A = arith.constant 0 : i32
      %dma_wait3A_13 = tpu.memref_slice %arg11[%mul3A_0, %dma_wait3A] : memref<10240x64xbf16, #tpu.memory_space<vmem_shared>> -> memref<640x64xbf16, #tpu.memory_space<vmem_shared>>
      %dma_wait3A_14 = arith.constant 0 : i32
      %dma_wait3A_15 = tpu.memref_slice %arg2[%arg0, %mul3A_0, %dma_wait3A_14] : memref<2x10240x64xbf16, #tpu.memory_space<hbm>> -> memref<1x640x64xbf16, #tpu.memory_space<hbm>>
      %dma_wait3A_16 = tpu.memref_squeeze %dma_wait3A_15 : memref<1x640x64xbf16, #tpu.memory_space<hbm>> -> memref<640x64xbf16, #tpu.memory_space<hbm>>
      tpu.wait_dma2 semaphore(%run_scoped3A : memref<!tpu.dma_semaphore, #tpu.memory_space<semaphore_mem>>) src(%dma_wait3A_16 : memref<640x64xbf16, #tpu.memory_space<hbm>>) dst(%dma_wait3A_13 : memref<640x64xbf16, #tpu.memory_space<vmem_shared>>)
      tpu.yield
    }) : () -> ()
    "tpu.region"() ({
      %run_scoped3A = tpu.sem_alloc : memref<!tpu.dma_semaphore, #tpu.memory_space<semaphore_mem>>
      %dma_start3A = arith.constant 0 : i32
      %dma_start3A_9 = tpu.memref_slice %arg12[%mul3A_0, %dma_start3A] : memref<10240x64xbf16, #tpu.memory_space<vmem_shared>> -> memref<640x64xbf16, #tpu.memory_space<vmem_shared>>
      %dma_start3A_10 = arith.constant 0 : i32
      %dma_start3A_11 = tpu.memref_slice %arg5[%mul3A_0, %dma_start3A_10] : memref<10240x64xbf16, #tpu.memory_space<hbm>> -> memref<640x64xbf16, #tpu.memory_space<hbm>>
      tpu.enqueue_dma source(%dma_start3A_11 : memref<640x64xbf16, #tpu.memory_space<hbm>>) target(%dma_start3A_9 : memref<640x64xbf16, #tpu.memory_space<vmem_shared>>) target_semaphore(%run_scoped3A : memref<!tpu.dma_semaphore, #tpu.memory_space<semaphore_mem>>)
      %dma_wait3A = arith.constant 0 : i32
      %dma_wait3A_12 = tpu.memref_slice %arg12[%mul3A_0, %dma_wait3A] : memref<10240x64xbf16, #tpu.memory_space<vmem_shared>> -> memref<640x64xbf16, #tpu.memory_space<vmem_shared>>
      %dma_wait3A_13 = arith.constant 0 : i32
      %dma_wait3A_14 = tpu.memref_slice %arg5[%mul3A_0, %dma_wait3A_13] : memref<10240x64xbf16, #tpu.memory_space<hbm>> -> memref<640x64xbf16, #tpu.memory_space<hbm>>
      tpu.wait_dma2 semaphore(%run_scoped3A : memref<!tpu.dma_semaphore, #tpu.memory_space<semaphore_mem>>) src(%dma_wait3A_14 : memref<640x64xbf16, #tpu.memory_space<hbm>>) dst(%dma_wait3A_12 : memref<640x64xbf16, #tpu.memory_space<vmem_shared>>)
      tpu.yield
    }) : () -> ()
    %barrier3A = arith.constant 0 : index
    tpu.barrier barrier_id(%barrier3A)
    %mul3A_1 = arith.constant 160 : i32
    %mul3A_2 = arith.muli %arg1, %mul3A_1 : i32
    %scan3A = arith.constant 0 : i32
    %scan3A_3 = arith.constant 0 : i32
    %scan3A_4 = arith.constant 10 : i32
    %scan3A_5 = arith.addi %scan3A_3, %scan3A_4 : i32
    %scan3A_6 = arith.constant 1 : i32
    scf.for %scan3A_9 = %scan3A_3 to %scan3A_5 step %scan3A_6  : i32 {
      %mul3A_10 = arith.constant 16 : i32
      %mul3A_11 = arith.muli %scan3A_9, %mul3A_10 : i32
      %add3A = arith.addi %mul3A_2, %mul3A_11 : i32
      "tpu.region"() ({
        %run_scoped3A = tpu.sem_alloc : memref<!tpu.dma_semaphore, #tpu.memory_space<semaphore_mem>>
        %dma_start3A_77 = arith.constant 0 : i32
        %dma_start3A_78 = tpu.memref_slice %arg3[%add3A, %dma_start3A_77] : memref<2560x128xi32, #tpu.memory_space<hbm>> -> memref<16x128xi32, #tpu.memory_space<hbm>>
        %dma_start3A_79 = arith.constant 0 : i32
        %dma_start3A_80 = tpu.memref_slice %arg3[%add3A, %dma_start3A_79] : memref<2560x128xi32, #tpu.memory_space<hbm>> -> memref<16x128xi32, #tpu.memory_space<hbm>>
        tpu.enqueue_dma source(%dma_start3A_80 : memref<16x128xi32, #tpu.memory_space<hbm>>) target(%arg7 : memref<16x128xi32, #tpu.memory_space<vmem>>) target_semaphore(%run_scoped3A : memref<!tpu.dma_semaphore, #tpu.memory_space<semaphore_mem>>)
        %dma_wait3A = arith.constant 0 : i32
        %dma_wait3A_81 = tpu.memref_slice %arg3[%add3A, %dma_wait3A] : memref<2560x128xi32, #tpu.memory_space<hbm>> -> memref<16x128xi32, #tpu.memory_space<hbm>>
        %dma_wait3A_82 = arith.constant 0 : i32
        %dma_wait3A_83 = tpu.memref_slice %arg3[%add3A, %dma_wait3A_82] : memref<2560x128xi32, #tpu.memory_space<hbm>> -> memref<16x128xi32, #tpu.memory_space<hbm>>
        tpu.wait_dma2 semaphore(%run_scoped3A : memref<!tpu.dma_semaphore, #tpu.memory_space<semaphore_mem>>) src(%dma_wait3A_83 : memref<16x128xi32, #tpu.memory_space<hbm>>) dst(%arg7 : memref<16x128xi32, #tpu.memory_space<vmem>>)
        tpu.yield
      }) : () -> ()
      "tpu.region"() ({
        %run_scoped3A = tpu.sem_alloc : memref<!tpu.dma_semaphore, #tpu.memory_space<semaphore_mem>>
        %dma_start3A_77 = arith.constant 0 : i32
        %dma_start3A_78 = tpu.memref_slice %arg4[%add3A, %dma_start3A_77] : memref<2560x128xi32, #tpu.memory_space<hbm>> -> memref<16x128xi32, #tpu.memory_space<hbm>>
        %dma_start3A_79 = arith.constant 0 : i32
        %dma_start3A_80 = tpu.memref_slice %arg4[%add3A, %dma_start3A_79] : memref<2560x128xi32, #tpu.memory_space<hbm>> -> memref<16x128xi32, #tpu.memory_space<hbm>>
        tpu.enqueue_dma source(%dma_start3A_80 : memref<16x128xi32, #tpu.memory_space<hbm>>) target(%arg8 : memref<16x128xi32, #tpu.memory_space<vmem>>) target_semaphore(%run_scoped3A : memref<!tpu.dma_semaphore, #tpu.memory_space<semaphore_mem>>)
        %dma_wait3A = arith.constant 0 : i32
        %dma_wait3A_81 = tpu.memref_slice %arg4[%add3A, %dma_wait3A] : memref<2560x128xi32, #tpu.memory_space<hbm>> -> memref<16x128xi32, #tpu.memory_space<hbm>>
        %dma_wait3A_82 = arith.constant 0 : i32
        %dma_wait3A_83 = tpu.memref_slice %arg4[%add3A, %dma_wait3A_82] : memref<2560x128xi32, #tpu.memory_space<hbm>> -> memref<16x128xi32, #tpu.memory_space<hbm>>
        tpu.wait_dma2 semaphore(%run_scoped3A : memref<!tpu.dma_semaphore, #tpu.memory_space<semaphore_mem>>) src(%dma_wait3A_83 : memref<16x128xi32, #tpu.memory_space<hbm>>) dst(%arg8 : memref<16x128xi32, #tpu.memory_space<vmem>>)
        tpu.yield
      }) : () -> ()
      %dma_start3A = arith.constant 0 : i32
      %dma_start3A_12 = arith.constant 0 : i32
      %dma_start3A_13 = arith.constant 0 : i32
      %dma_start3A_14 = arith.constant 0 : i32
      %dma_start3A_15 = arith.constant 0 : i32
      %dma_start3A_16 = tpu.memref_slice %arg9[%dma_start3A_12, %dma_start3A_14, %dma_start3A_15] : memref<4x128x64xbf16, #tpu.memory_space<vmem>> -> memref<1x128x64xbf16, #tpu.memory_space<vmem>>
      %dma_start3A_17 = tpu.memref_squeeze %dma_start3A_16 : memref<1x128x64xbf16, #tpu.memory_space<vmem>> -> memref<128x64xbf16, #tpu.memory_space<vmem>>
      %dma_start3A_18 = arith.constant 0 : i32
      %dma_start3A_19 = tpu.memref_slice %arg7[%dma_start3A, %dma_start3A_18] : memref<16x128xi32, #tpu.memory_space<vmem>> -> memref<1x128xi32, #tpu.memory_space<vmem>>
      %dma_start3A_20 = tpu.memref_squeeze %dma_start3A_19 : memref<1x128xi32, #tpu.memory_space<vmem>> -> memref<128xi32, #tpu.memory_space<vmem>>
      %dma_start3A_21 = arith.constant 0 : i32
      %dma_start3A_22 = arith.constant 0 : i32
      %dma_start3A_23 = tpu.memref_slice %arg11[%dma_start3A_21, %dma_start3A_22] : memref<10240x64xbf16, #tpu.memory_space<vmem_shared>> -> memref<10240x64xbf16, #tpu.memory_space<vmem_shared>>
      %dma_start3A_24 = tpu.memref_slice %arg10[%dma_start3A_13] : memref<4x!tpu.dma_semaphore, #tpu.memory_space<semaphore_mem>> -> memref<1x!tpu.dma_semaphore, #tpu.memory_space<semaphore_mem>>
      %dma_start3A_25 = tpu.memref_squeeze %dma_start3A_24 : memref<1x!tpu.dma_semaphore, #tpu.memory_space<semaphore_mem>> -> memref<!tpu.dma_semaphore, #tpu.memory_space<semaphore_mem>>
      tpu.enqueue_indirect_dma source(%dma_start3A_23 : memref<10240x64xbf16, #tpu.memory_space<vmem_shared>>) target(%dma_start3A_17 : memref<128x64xbf16, #tpu.memory_space<vmem>>) offsets(%dma_start3A_20 : memref<128xi32, #tpu.memory_space<vmem>>) semaphore(%dma_start3A_25 : memref<!tpu.dma_semaphore, #tpu.memory_space<semaphore_mem>>)
      %dma_start3A_26 = arith.constant 1 : i32
      %dma_start3A_27 = arith.constant 1 : i32
      %dma_start3A_28 = arith.constant 1 : i32
      %dma_start3A_29 = arith.constant 0 : i32
      %dma_start3A_30 = arith.constant 0 : i32
      %dma_start3A_31 = tpu.memref_slice %arg9[%dma_start3A_27, %dma_start3A_29, %dma_start3A_30] : memref<4x128x64xbf16, #tpu.memory_space<vmem>> -> memref<1x128x64xbf16, #tpu.memory_space<vmem>>
      %dma_start3A_32 = tpu.memref_squeeze %dma_start3A_31 : memref<1x128x64xbf16, #tpu.memory_space<vmem>> -> memref<128x64xbf16, #tpu.memory_space<vmem>>
      %dma_start3A_33 = arith.constant 0 : i32
      %dma_start3A_34 = tpu.memref_slice %arg7[%dma_start3A_26, %dma_start3A_33] : memref<16x128xi32, #tpu.memory_space<vmem>> -> memref<1x128xi32, #tpu.memory_space<vmem>>
      %dma_start3A_35 = tpu.memref_squeeze %dma_start3A_34 : memref<1x128xi32, #tpu.memory_space<vmem>> -> memref<128xi32, #tpu.memory_space<vmem>>
      %dma_start3A_36 = arith.constant 0 : i32
      %dma_start3A_37 = arith.constant 0 : i32
      %dma_start3A_38 = tpu.memref_slice %arg11[%dma_start3A_36, %dma_start3A_37] : memref<10240x64xbf16, #tpu.memory_space<vmem_shared>> -> memref<10240x64xbf16, #tpu.memory_space<vmem_shared>>
      %dma_start3A_39 = tpu.memref_slice %arg10[%dma_start3A_28] : memref<4x!tpu.dma_semaphore, #tpu.memory_space<semaphore_mem>> -> memref<1x!tpu.dma_semaphore, #tpu.memory_space<semaphore_mem>>
      %dma_start3A_40 = tpu.memref_squeeze %dma_start3A_39 : memref<1x!tpu.dma_semaphore, #tpu.memory_space<semaphore_mem>> -> memref<!tpu.dma_semaphore, #tpu.memory_space<semaphore_mem>>
      tpu.enqueue_indirect_dma source(%dma_start3A_38 : memref<10240x64xbf16, #tpu.memory_space<vmem_shared>>) target(%dma_start3A_32 : memref<128x64xbf16, #tpu.memory_space<vmem>>) offsets(%dma_start3A_35 : memref<128xi32, #tpu.memory_space<vmem>>) semaphore(%dma_start3A_40 : memref<!tpu.dma_semaphore, #tpu.memory_space<semaphore_mem>>)
      %dma_start3A_41 = arith.constant 2 : i32
      %dma_start3A_42 = arith.constant 2 : i32
      %dma_start3A_43 = arith.constant 2 : i32
      %dma_start3A_44 = arith.constant 0 : i32
      %dma_start3A_45 = arith.constant 0 : i32
      %dma_start3A_46 = tpu.memref_slice %arg9[%dma_start3A_42, %dma_start3A_44, %dma_start3A_45] : memref<4x128x64xbf16, #tpu.memory_space<vmem>> -> memref<1x128x64xbf16, #tpu.memory_space<vmem>>
      %dma_start3A_47 = tpu.memref_squeeze %dma_start3A_46 : memref<1x128x64xbf16, #tpu.memory_space<vmem>> -> memref<128x64xbf16, #tpu.memory_space<vmem>>
      %dma_start3A_48 = arith.constant 0 : i32
      %dma_start3A_49 = tpu.memref_slice %arg7[%dma_start3A_41, %dma_start3A_48] : memref<16x128xi32, #tpu.memory_space<vmem>> -> memref<1x128xi32, #tpu.memory_space<vmem>>
      %dma_start3A_50 = tpu.memref_squeeze %dma_start3A_49 : memref<1x128xi32, #tpu.memory_space<vmem>> -> memref<128xi32, #tpu.memory_space<vmem>>
      %dma_start3A_51 = arith.constant 0 : i32
      %dma_start3A_52 = arith.constant 0 : i32
      %dma_start3A_53 = tpu.memref_slice %arg11[%dma_start3A_51, %dma_start3A_52] : memref<10240x64xbf16, #tpu.memory_space<vmem_shared>> -> memref<10240x64xbf16, #tpu.memory_space<vmem_shared>>
      %dma_start3A_54 = tpu.memref_slice %arg10[%dma_start3A_43] : memref<4x!tpu.dma_semaphore, #tpu.memory_space<semaphore_mem>> -> memref<1x!tpu.dma_semaphore, #tpu.memory_space<semaphore_mem>>
      %dma_start3A_55 = tpu.memref_squeeze %dma_start3A_54 : memref<1x!tpu.dma_semaphore, #tpu.memory_space<semaphore_mem>> -> memref<!tpu.dma_semaphore, #tpu.memory_space<semaphore_mem>>
      tpu.enqueue_indirect_dma source(%dma_start3A_53 : memref<10240x64xbf16, #tpu.memory_space<vmem_shared>>) target(%dma_start3A_47 : memref<128x64xbf16, #tpu.memory_space<vmem>>) offsets(%dma_start3A_50 : memref<128xi32, #tpu.memory_space<vmem>>) semaphore(%dma_start3A_55 : memref<!tpu.dma_semaphore, #tpu.memory_space<semaphore_mem>>)
      %dma_start3A_56 = arith.constant 3 : i32
      %dma_start3A_57 = arith.constant 3 : i32
      %dma_start3A_58 = arith.constant 3 : i32
      %dma_start3A_59 = arith.constant 0 : i32
      %dma_start3A_60 = arith.constant 0 : i32
      %dma_start3A_61 = tpu.memref_slice %arg9[%dma_start3A_57, %dma_start3A_59, %dma_start3A_60] : memref<4x128x64xbf16, #tpu.memory_space<vmem>> -> memref<1x128x64xbf16, #tpu.memory_space<vmem>>
      %dma_start3A_62 = tpu.memref_squeeze %dma_start3A_61 : memref<1x128x64xbf16, #tpu.memory_space<vmem>> -> memref<128x64xbf16, #tpu.memory_space<vmem>>
      %dma_start3A_63 = arith.constant 0 : i32
      %dma_start3A_64 = tpu.memref_slice %arg7[%dma_start3A_56, %dma_start3A_63] : memref<16x128xi32, #tpu.memory_space<vmem>> -> memref<1x128xi32, #tpu.memory_space<vmem>>
      %dma_start3A_65 = tpu.memref_squeeze %dma_start3A_64 : memref<1x128xi32, #tpu.memory_space<vmem>> -> memref<128xi32, #tpu.memory_space<vmem>>
      %dma_start3A_66 = arith.constant 0 : i32
      %dma_start3A_67 = arith.constant 0 : i32
      %dma_start3A_68 = tpu.memref_slice %arg11[%dma_start3A_66, %dma_start3A_67] : memref<10240x64xbf16, #tpu.memory_space<vmem_shared>> -> memref<10240x64xbf16, #tpu.memory_space<vmem_shared>>
      %dma_start3A_69 = tpu.memref_slice %arg10[%dma_start3A_58] : memref<4x!tpu.dma_semaphore, #tpu.memory_space<semaphore_mem>> -> memref<1x!tpu.dma_semaphore, #tpu.memory_space<semaphore_mem>>
      %dma_start3A_70 = tpu.memref_squeeze %dma_start3A_69 : memref<1x!tpu.dma_semaphore, #tpu.memory_space<semaphore_mem>> -> memref<!tpu.dma_semaphore, #tpu.memory_space<semaphore_mem>>
      tpu.enqueue_indirect_dma source(%dma_start3A_68 : memref<10240x64xbf16, #tpu.memory_space<vmem_shared>>) target(%dma_start3A_62 : memref<128x64xbf16, #tpu.memory_space<vmem>>) offsets(%dma_start3A_65 : memref<128xi32, #tpu.memory_space<vmem>>) semaphore(%dma_start3A_70 : memref<!tpu.dma_semaphore, #tpu.memory_space<semaphore_mem>>)
      %scan3A_71 = arith.constant 0 : i32
      %scan3A_72 = arith.constant 0 : i32
      %scan3A_73 = arith.constant 4 : i32
      %scan3A_74 = arith.addi %scan3A_72, %scan3A_73 : i32
      %scan3A_75 = arith.constant 1 : i32
      scf.for %scan3A_77 = %scan3A_72 to %scan3A_74 step %scan3A_75  : i32 {
        %mul3A_78 = arith.constant 4 : i32
        %mul3A_79 = arith.muli %scan3A_77, %mul3A_78 : i32
        %add3A_80 = arith.constant 0 : i32
        %add3A_81 = arith.addi %mul3A_79, %add3A_80 : i32
        %dma_wait3A = arith.constant 0 : i32
        %dma_wait3A_82 = arith.constant 0 : i32
        %dma_wait3A_83 = arith.constant 0 : i32
        %dma_wait3A_84 = arith.constant 0 : i32
        %dma_wait3A_85 = tpu.memref_slice %arg9[%dma_wait3A, %dma_wait3A_83, %dma_wait3A_84] : memref<4x128x64xbf16, #tpu.memory_space<vmem>> -> memref<1x128x64xbf16, #tpu.memory_space<vmem>>
        %dma_wait3A_86 = tpu.memref_squeeze %dma_wait3A_85 : memref<1x128x64xbf16, #tpu.memory_space<vmem>> -> memref<128x64xbf16, #tpu.memory_space<vmem>>
        %dma_wait3A_87 = arith.constant 0 : i32
        %dma_wait3A_88 = tpu.memref_slice %arg7[%add3A_81, %dma_wait3A_87] : memref<16x128xi32, #tpu.memory_space<vmem>> -> memref<1x128xi32, #tpu.memory_space<vmem>>
        %dma_wait3A_89 = tpu.memref_squeeze %dma_wait3A_88 : memref<1x128xi32, #tpu.memory_space<vmem>> -> memref<128xi32, #tpu.memory_space<vmem>>
        %dma_wait3A_90 = arith.constant 0 : i32
        %dma_wait3A_91 = arith.constant 0 : i32
        %dma_wait3A_92 = tpu.memref_slice %arg11[%dma_wait3A_90, %dma_wait3A_91] : memref<10240x64xbf16, #tpu.memory_space<vmem_shared>> -> memref<10240x64xbf16, #tpu.memory_space<vmem_shared>>
        %dma_wait3A_93 = tpu.memref_slice %arg10[%dma_wait3A_82] : memref<4x!tpu.dma_semaphore, #tpu.memory_space<semaphore_mem>> -> memref<1x!tpu.dma_semaphore, #tpu.memory_space<semaphore_mem>>
        %dma_wait3A_94 = tpu.memref_squeeze %dma_wait3A_93 : memref<1x!tpu.dma_semaphore, #tpu.memory_space<semaphore_mem>> -> memref<!tpu.dma_semaphore, #tpu.memory_space<semaphore_mem>>
        tpu.wait_indirect_dma semaphore(%dma_wait3A_94 : memref<!tpu.dma_semaphore, #tpu.memory_space<semaphore_mem>>) src(%dma_wait3A_92 : memref<10240x64xbf16, #tpu.memory_space<vmem_shared>>) dst(%dma_wait3A_86 : memref<128x64xbf16, #tpu.memory_space<vmem>>)
        %run_scoped3A = arith.constant 0 : i32
        "tpu.region"() ({
          %run_scoped3A_177 = tpu.sem_alloc : memref<!tpu.dma_semaphore, #tpu.memory_space<semaphore_mem>>
          %dma_start3A_178 = arith.constant 0 : i32
          %dma_start3A_179 = arith.constant 0 : i32
          %dma_start3A_180 = tpu.memref_slice %arg9[%run_scoped3A, %dma_start3A_178, %dma_start3A_179] : memref<4x128x64xbf16, #tpu.memory_space<vmem>> -> memref<1x128x64xbf16, #tpu.memory_space<vmem>>
          %dma_start3A_181 = tpu.memref_squeeze %dma_start3A_180 : memref<1x128x64xbf16, #tpu.memory_space<vmem>> -> memref<128x64xbf16, #tpu.memory_space<vmem>>
          %dma_start3A_182 = arith.constant 0 : i32
          %dma_start3A_183 = tpu.memref_slice %arg8[%add3A_81, %dma_start3A_182] : memref<16x128xi32, #tpu.memory_space<vmem>> -> memref<1x128xi32, #tpu.memory_space<vmem>>
          %dma_start3A_184 = tpu.memref_squeeze %dma_start3A_183 : memref<1x128xi32, #tpu.memory_space<vmem>> -> memref<128xi32, #tpu.memory_space<vmem>>
          %dma_start3A_185 = arith.constant 0 : i32
          %dma_start3A_186 = arith.constant 0 : i32
          %dma_start3A_187 = tpu.memref_slice %arg12[%dma_start3A_185, %dma_start3A_186] : memref<10240x64xbf16, #tpu.memory_space<vmem_shared>> -> memref<10240x64xbf16, #tpu.memory_space<vmem_shared>>
          tpu.enqueue_indirect_dma source(%dma_start3A_181 : memref<128x64xbf16, #tpu.memory_space<vmem>>) target(%dma_start3A_187 : memref<10240x64xbf16, #tpu.memory_space<vmem_shared>>) offsets(%dma_start3A_184 : memref<128xi32, #tpu.memory_space<vmem>>) semaphore(%run_scoped3A_177 : memref<!tpu.dma_semaphore, #tpu.memory_space<semaphore_mem>>) {add = true}
          %dma_wait3A_188 = arith.constant 0 : i32
          %dma_wait3A_189 = arith.constant 0 : i32
          %dma_wait3A_190 = tpu.memref_slice %arg9[%run_scoped3A, %dma_wait3A_188, %dma_wait3A_189] : memref<4x128x64xbf16, #tpu.memory_space<vmem>> -> memref<1x128x64xbf16, #tpu.memory_space<vmem>>
          %dma_wait3A_191 = tpu.memref_squeeze %dma_wait3A_190 : memref<1x128x64xbf16, #tpu.memory_space<vmem>> -> memref<128x64xbf16, #tpu.memory_space<vmem>>
          %dma_wait3A_192 = arith.constant 0 : i32
          %dma_wait3A_193 = tpu.memref_slice %arg8[%add3A_81, %dma_wait3A_192] : memref<16x128xi32, #tpu.memory_space<vmem>> -> memref<1x128xi32, #tpu.memory_space<vmem>>
          %dma_wait3A_194 = tpu.memref_squeeze %dma_wait3A_193 : memref<1x128xi32, #tpu.memory_space<vmem>> -> memref<128xi32, #tpu.memory_space<vmem>>
          %dma_wait3A_195 = arith.constant 0 : i32
          %dma_wait3A_196 = arith.constant 0 : i32
          %dma_wait3A_197 = tpu.memref_slice %arg12[%dma_wait3A_195, %dma_wait3A_196] : memref<10240x64xbf16, #tpu.memory_space<vmem_shared>> -> memref<10240x64xbf16, #tpu.memory_space<vmem_shared>>
          tpu.wait_indirect_dma semaphore(%run_scoped3A_177 : memref<!tpu.dma_semaphore, #tpu.memory_space<semaphore_mem>>) src(%dma_wait3A_191 : memref<128x64xbf16, #tpu.memory_space<vmem>>) dst(%dma_wait3A_197 : memref<10240x64xbf16, #tpu.memory_space<vmem_shared>>)
          tpu.yield
        }) : () -> ()
        %add3A_95 = arith.constant 4 : i32
        %add3A_96 = arith.addi %add3A_81, %add3A_95 : i32
        %lt3A = arith.constant 16 : i32
        %lt3A_97 = arith.cmpi slt, %add3A_96, %lt3A : i32
        %convert_element_type3A = arith.extui %lt3A_97 : i1 to i32
        %cond3A = arith.constant 0 : i32
        %cond3A_98 = arith.cmpi ne, %convert_element_type3A, %cond3A : i32
        scf.if %cond3A_98 {
          %dma_start3A_177 = arith.constant 0 : i32
          %dma_start3A_178 = arith.constant 0 : i32
          %dma_start3A_179 = arith.constant 0 : i32
          %dma_start3A_180 = arith.constant 0 : i32
          %dma_start3A_181 = tpu.memref_slice %arg9[%dma_start3A_177, %dma_start3A_179, %dma_start3A_180] : memref<4x128x64xbf16, #tpu.memory_space<vmem>> -> memref<1x128x64xbf16, #tpu.memory_space<vmem>>
          %dma_start3A_182 = tpu.memref_squeeze %dma_start3A_181 : memref<1x128x64xbf16, #tpu.memory_space<vmem>> -> memref<128x64xbf16, #tpu.memory_space<vmem>>
          %dma_start3A_183 = arith.constant 0 : i32
          %dma_start3A_184 = tpu.memref_slice %arg7[%add3A_96, %dma_start3A_183] : memref<16x128xi32, #tpu.memory_space<vmem>> -> memref<1x128xi32, #tpu.memory_space<vmem>>
          %dma_start3A_185 = tpu.memref_squeeze %dma_start3A_184 : memref<1x128xi32, #tpu.memory_space<vmem>> -> memref<128xi32, #tpu.memory_space<vmem>>
          %dma_start3A_186 = arith.constant 0 : i32
          %dma_start3A_187 = arith.constant 0 : i32
          %dma_start3A_188 = tpu.memref_slice %arg11[%dma_start3A_186, %dma_start3A_187] : memref<10240x64xbf16, #tpu.memory_space<vmem_shared>> -> memref<10240x64xbf16, #tpu.memory_space<vmem_shared>>
          %dma_start3A_189 = tpu.memref_slice %arg10[%dma_start3A_178] : memref<4x!tpu.dma_semaphore, #tpu.memory_space<semaphore_mem>> -> memref<1x!tpu.dma_semaphore, #tpu.memory_space<semaphore_mem>>
          %dma_start3A_190 = tpu.memref_squeeze %dma_start3A_189 : memref<1x!tpu.dma_semaphore, #tpu.memory_space<semaphore_mem>> -> memref<!tpu.dma_semaphore, #tpu.memory_space<semaphore_mem>>
          tpu.enqueue_indirect_dma source(%dma_start3A_188 : memref<10240x64xbf16, #tpu.memory_space<vmem_shared>>) target(%dma_start3A_182 : memref<128x64xbf16, #tpu.memory_space<vmem>>) offsets(%dma_start3A_185 : memref<128xi32, #tpu.memory_space<vmem>>) semaphore(%dma_start3A_190 : memref<!tpu.dma_semaphore, #tpu.memory_space<semaphore_mem>>)
        } else {
        }
        %mul3A_99 = arith.constant 4 : i32
        %mul3A_100 = arith.muli %scan3A_77, %mul3A_99 : i32
        %add3A_101 = arith.constant 1 : i32
        %add3A_102 = arith.addi %mul3A_100, %add3A_101 : i32
        %dma_wait3A_103 = arith.constant 1 : i32
        %dma_wait3A_104 = arith.constant 1 : i32
        %dma_wait3A_105 = arith.constant 0 : i32
        %dma_wait3A_106 = arith.constant 0 : i32
        %dma_wait3A_107 = tpu.memref_slice %arg9[%dma_wait3A_103, %dma_wait3A_105, %dma_wait3A_106] : memref<4x128x64xbf16, #tpu.memory_space<vmem>> -> memref<1x128x64xbf16, #tpu.memory_space<vmem>>
        %dma_wait3A_108 = tpu.memref_squeeze %dma_wait3A_107 : memref<1x128x64xbf16, #tpu.memory_space<vmem>> -> memref<128x64xbf16, #tpu.memory_space<vmem>>
        %dma_wait3A_109 = arith.constant 0 : i32
        %dma_wait3A_110 = tpu.memref_slice %arg7[%add3A_102, %dma_wait3A_109] : memref<16x128xi32, #tpu.memory_space<vmem>> -> memref<1x128xi32, #tpu.memory_space<vmem>>
        %dma_wait3A_111 = tpu.memref_squeeze %dma_wait3A_110 : memref<1x128xi32, #tpu.memory_space<vmem>> -> memref<128xi32, #tpu.memory_space<vmem>>
        %dma_wait3A_112 = arith.constant 0 : i32
        %dma_wait3A_113 = arith.constant 0 : i32
        %dma_wait3A_114 = tpu.memref_slice %arg11[%dma_wait3A_112, %dma_wait3A_113] : memref<10240x64xbf16, #tpu.memory_space<vmem_shared>> -> memref<10240x64xbf16, #tpu.memory_space<vmem_shared>>
        %dma_wait3A_115 = tpu.memref_slice %arg10[%dma_wait3A_104] : memref<4x!tpu.dma_semaphore, #tpu.memory_space<semaphore_mem>> -> memref<1x!tpu.dma_semaphore, #tpu.memory_space<semaphore_mem>>
        %dma_wait3A_116 = tpu.memref_squeeze %dma_wait3A_115 : memref<1x!tpu.dma_semaphore, #tpu.memory_space<semaphore_mem>> -> memref<!tpu.dma_semaphore, #tpu.memory_space<semaphore_mem>>
        tpu.wait_indirect_dma semaphore(%dma_wait3A_116 : memref<!tpu.dma_semaphore, #tpu.memory_space<semaphore_mem>>) src(%dma_wait3A_114 : memref<10240x64xbf16, #tpu.memory_space<vmem_shared>>) dst(%dma_wait3A_108 : memref<128x64xbf16, #tpu.memory_space<vmem>>)
        %run_scoped3A_117 = arith.constant 1 : i32
        "tpu.region"() ({
          %run_scoped3A_177 = tpu.sem_alloc : memref<!tpu.dma_semaphore, #tpu.memory_space<semaphore_mem>>
          %dma_start3A_178 = arith.constant 0 : i32
          %dma_start3A_179 = arith.constant 0 : i32
          %dma_start3A_180 = tpu.memref_slice %arg9[%run_scoped3A_117, %dma_start3A_178, %dma_start3A_179] : memref<4x128x64xbf16, #tpu.memory_space<vmem>> -> memref<1x128x64xbf16, #tpu.memory_space<vmem>>
          %dma_start3A_181 = tpu.memref_squeeze %dma_start3A_180 : memref<1x128x64xbf16, #tpu.memory_space<vmem>> -> memref<128x64xbf16, #tpu.memory_space<vmem>>
          %dma_start3A_182 = arith.constant 0 : i32
          %dma_start3A_183 = tpu.memref_slice %arg8[%add3A_102, %dma_start3A_182] : memref<16x128xi32, #tpu.memory_space<vmem>> -> memref<1x128xi32, #tpu.memory_space<vmem>>
          %dma_start3A_184 = tpu.memref_squeeze %dma_start3A_183 : memref<1x128xi32, #tpu.memory_space<vmem>> -> memref<128xi32, #tpu.memory_space<vmem>>
          %dma_start3A_185 = arith.constant 0 : i32
          %dma_start3A_186 = arith.constant 0 : i32
          %dma_start3A_187 = tpu.memref_slice %arg12[%dma_start3A_185, %dma_start3A_186] : memref<10240x64xbf16, #tpu.memory_space<vmem_shared>> -> memref<10240x64xbf16, #tpu.memory_space<vmem_shared>>
          tpu.enqueue_indirect_dma source(%dma_start3A_181 : memref<128x64xbf16, #tpu.memory_space<vmem>>) target(%dma_start3A_187 : memref<10240x64xbf16, #tpu.memory_space<vmem_shared>>) offsets(%dma_start3A_184 : memref<128xi32, #tpu.memory_space<vmem>>) semaphore(%run_scoped3A_177 : memref<!tpu.dma_semaphore, #tpu.memory_space<semaphore_mem>>) {add = true}
          %dma_wait3A_188 = arith.constant 0 : i32
          %dma_wait3A_189 = arith.constant 0 : i32
          %dma_wait3A_190 = tpu.memref_slice %arg9[%run_scoped3A_117, %dma_wait3A_188, %dma_wait3A_189] : memref<4x128x64xbf16, #tpu.memory_space<vmem>> -> memref<1x128x64xbf16, #tpu.memory_space<vmem>>
          %dma_wait3A_191 = tpu.memref_squeeze %dma_wait3A_190 : memref<1x128x64xbf16, #tpu.memory_space<vmem>> -> memref<128x64xbf16, #tpu.memory_space<vmem>>
          %dma_wait3A_192 = arith.constant 0 : i32
          %dma_wait3A_193 = tpu.memref_slice %arg8[%add3A_102, %dma_wait3A_192] : memref<16x128xi32, #tpu.memory_space<vmem>> -> memref<1x128xi32, #tpu.memory_space<vmem>>
          %dma_wait3A_194 = tpu.memref_squeeze %dma_wait3A_193 : memref<1x128xi32, #tpu.memory_space<vmem>> -> memref<128xi32, #tpu.memory_space<vmem>>
          %dma_wait3A_195 = arith.constant 0 : i32
          %dma_wait3A_196 = arith.constant 0 : i32
          %dma_wait3A_197 = tpu.memref_slice %arg12[%dma_wait3A_195, %dma_wait3A_196] : memref<10240x64xbf16, #tpu.memory_space<vmem_shared>> -> memref<10240x64xbf16, #tpu.memory_space<vmem_shared>>
          tpu.wait_indirect_dma semaphore(%run_scoped3A_177 : memref<!tpu.dma_semaphore, #tpu.memory_space<semaphore_mem>>) src(%dma_wait3A_191 : memref<128x64xbf16, #tpu.memory_space<vmem>>) dst(%dma_wait3A_197 : memref<10240x64xbf16, #tpu.memory_space<vmem_shared>>)
          tpu.yield
        }) : () -> ()
        %add3A_118 = arith.constant 4 : i32
        %add3A_119 = arith.addi %add3A_102, %add3A_118 : i32
        %lt3A_120 = arith.constant 16 : i32
        %lt3A_121 = arith.cmpi slt, %add3A_119, %lt3A_120 : i32
        %convert_element_type3A_122 = arith.extui %lt3A_121 : i1 to i32
        %cond3A_123 = arith.constant 0 : i32
        %cond3A_124 = arith.cmpi ne, %convert_element_type3A_122, %cond3A_123 : i32
        scf.if %cond3A_124 {
          %dma_start3A_177 = arith.constant 1 : i32
          %dma_start3A_178 = arith.constant 1 : i32
          %dma_start3A_179 = arith.constant 0 : i32
          %dma_start3A_180 = arith.constant 0 : i32
          %dma_start3A_181 = tpu.memref_slice %arg9[%dma_start3A_177, %dma_start3A_179, %dma_start3A_180] : memref<4x128x64xbf16, #tpu.memory_space<vmem>> -> memref<1x128x64xbf16, #tpu.memory_space<vmem>>
          %dma_start3A_182 = tpu.memref_squeeze %dma_start3A_181 : memref<1x128x64xbf16, #tpu.memory_space<vmem>> -> memref<128x64xbf16, #tpu.memory_space<vmem>>
          %dma_start3A_183 = arith.constant 0 : i32
          %dma_start3A_184 = tpu.memref_slice %arg7[%add3A_119, %dma_start3A_183] : memref<16x128xi32, #tpu.memory_space<vmem>> -> memref<1x128xi32, #tpu.memory_space<vmem>>
          %dma_start3A_185 = tpu.memref_squeeze %dma_start3A_184 : memref<1x128xi32, #tpu.memory_space<vmem>> -> memref<128xi32, #tpu.memory_space<vmem>>
          %dma_start3A_186 = arith.constant 0 : i32
          %dma_start3A_187 = arith.constant 0 : i32
          %dma_start3A_188 = tpu.memref_slice %arg11[%dma_start3A_186, %dma_start3A_187] : memref<10240x64xbf16, #tpu.memory_space<vmem_shared>> -> memref<10240x64xbf16, #tpu.memory_space<vmem_shared>>
          %dma_start3A_189 = tpu.memref_slice %arg10[%dma_start3A_178] : memref<4x!tpu.dma_semaphore, #tpu.memory_space<semaphore_mem>> -> memref<1x!tpu.dma_semaphore, #tpu.memory_space<semaphore_mem>>
          %dma_start3A_190 = tpu.memref_squeeze %dma_start3A_189 : memref<1x!tpu.dma_semaphore, #tpu.memory_space<semaphore_mem>> -> memref<!tpu.dma_semaphore, #tpu.memory_space<semaphore_mem>>
          tpu.enqueue_indirect_dma source(%dma_start3A_188 : memref<10240x64xbf16, #tpu.memory_space<vmem_shared>>) target(%dma_start3A_182 : memref<128x64xbf16, #tpu.memory_space<vmem>>) offsets(%dma_start3A_185 : memref<128xi32, #tpu.memory_space<vmem>>) semaphore(%dma_start3A_190 : memref<!tpu.dma_semaphore, #tpu.memory_space<semaphore_mem>>)
        } else {
        }
        %mul3A_125 = arith.constant 4 : i32
        %mul3A_126 = arith.muli %scan3A_77, %mul3A_125 : i32
        %add3A_127 = arith.constant 2 : i32
        %add3A_128 = arith.addi %mul3A_126, %add3A_127 : i32
        %dma_wait3A_129 = arith.constant 2 : i32
        %dma_wait3A_130 = arith.constant 2 : i32
        %dma_wait3A_131 = arith.constant 0 : i32
        %dma_wait3A_132 = arith.constant 0 : i32
        %dma_wait3A_133 = tpu.memref_slice %arg9[%dma_wait3A_129, %dma_wait3A_131, %dma_wait3A_132] : memref<4x128x64xbf16, #tpu.memory_space<vmem>> -> memref<1x128x64xbf16, #tpu.memory_space<vmem>>
        %dma_wait3A_134 = tpu.memref_squeeze %dma_wait3A_133 : memref<1x128x64xbf16, #tpu.memory_space<vmem>> -> memref<128x64xbf16, #tpu.memory_space<vmem>>
        %dma_wait3A_135 = arith.constant 0 : i32
        %dma_wait3A_136 = tpu.memref_slice %arg7[%add3A_128, %dma_wait3A_135] : memref<16x128xi32, #tpu.memory_space<vmem>> -> memref<1x128xi32, #tpu.memory_space<vmem>>
        %dma_wait3A_137 = tpu.memref_squeeze %dma_wait3A_136 : memref<1x128xi32, #tpu.memory_space<vmem>> -> memref<128xi32, #tpu.memory_space<vmem>>
        %dma_wait3A_138 = arith.constant 0 : i32
        %dma_wait3A_139 = arith.constant 0 : i32
        %dma_wait3A_140 = tpu.memref_slice %arg11[%dma_wait3A_138, %dma_wait3A_139] : memref<10240x64xbf16, #tpu.memory_space<vmem_shared>> -> memref<10240x64xbf16, #tpu.memory_space<vmem_shared>>
        %dma_wait3A_141 = tpu.memref_slice %arg10[%dma_wait3A_130] : memref<4x!tpu.dma_semaphore, #tpu.memory_space<semaphore_mem>> -> memref<1x!tpu.dma_semaphore, #tpu.memory_space<semaphore_mem>>
        %dma_wait3A_142 = tpu.memref_squeeze %dma_wait3A_141 : memref<1x!tpu.dma_semaphore, #tpu.memory_space<semaphore_mem>> -> memref<!tpu.dma_semaphore, #tpu.memory_space<semaphore_mem>>
        tpu.wait_indirect_dma semaphore(%dma_wait3A_142 : memref<!tpu.dma_semaphore, #tpu.memory_space<semaphore_mem>>) src(%dma_wait3A_140 : memref<10240x64xbf16, #tpu.memory_space<vmem_shared>>) dst(%dma_wait3A_134 : memref<128x64xbf16, #tpu.memory_space<vmem>>)
        %run_scoped3A_143 = arith.constant 2 : i32
        "tpu.region"() ({
          %run_scoped3A_177 = tpu.sem_alloc : memref<!tpu.dma_semaphore, #tpu.memory_space<semaphore_mem>>
          %dma_start3A_178 = arith.constant 0 : i32
          %dma_start3A_179 = arith.constant 0 : i32
          %dma_start3A_180 = tpu.memref_slice %arg9[%run_scoped3A_143, %dma_start3A_178, %dma_start3A_179] : memref<4x128x64xbf16, #tpu.memory_space<vmem>> -> memref<1x128x64xbf16, #tpu.memory_space<vmem>>
          %dma_start3A_181 = tpu.memref_squeeze %dma_start3A_180 : memref<1x128x64xbf16, #tpu.memory_space<vmem>> -> memref<128x64xbf16, #tpu.memory_space<vmem>>
          %dma_start3A_182 = arith.constant 0 : i32
          %dma_start3A_183 = tpu.memref_slice %arg8[%add3A_128, %dma_start3A_182] : memref<16x128xi32, #tpu.memory_space<vmem>> -> memref<1x128xi32, #tpu.memory_space<vmem>>
          %dma_start3A_184 = tpu.memref_squeeze %dma_start3A_183 : memref<1x128xi32, #tpu.memory_space<vmem>> -> memref<128xi32, #tpu.memory_space<vmem>>
          %dma_start3A_185 = arith.constant 0 : i32
          %dma_start3A_186 = arith.constant 0 : i32
          %dma_start3A_187 = tpu.memref_slice %arg12[%dma_start3A_185, %dma_start3A_186] : memref<10240x64xbf16, #tpu.memory_space<vmem_shared>> -> memref<10240x64xbf16, #tpu.memory_space<vmem_shared>>
          tpu.enqueue_indirect_dma source(%dma_start3A_181 : memref<128x64xbf16, #tpu.memory_space<vmem>>) target(%dma_start3A_187 : memref<10240x64xbf16, #tpu.memory_space<vmem_shared>>) offsets(%dma_start3A_184 : memref<128xi32, #tpu.memory_space<vmem>>) semaphore(%run_scoped3A_177 : memref<!tpu.dma_semaphore, #tpu.memory_space<semaphore_mem>>) {add = true}
          %dma_wait3A_188 = arith.constant 0 : i32
          %dma_wait3A_189 = arith.constant 0 : i32
          %dma_wait3A_190 = tpu.memref_slice %arg9[%run_scoped3A_143, %dma_wait3A_188, %dma_wait3A_189] : memref<4x128x64xbf16, #tpu.memory_space<vmem>> -> memref<1x128x64xbf16, #tpu.memory_space<vmem>>
          %dma_wait3A_191 = tpu.memref_squeeze %dma_wait3A_190 : memref<1x128x64xbf16, #tpu.memory_space<vmem>> -> memref<128x64xbf16, #tpu.memory_space<vmem>>
          %dma_wait3A_192 = arith.constant 0 : i32
          %dma_wait3A_193 = tpu.memref_slice %arg8[%add3A_128, %dma_wait3A_192] : memref<16x128xi32, #tpu.memory_space<vmem>> -> memref<1x128xi32, #tpu.memory_space<vmem>>
          %dma_wait3A_194 = tpu.memref_squeeze %dma_wait3A_193 : memref<1x128xi32, #tpu.memory_space<vmem>> -> memref<128xi32, #tpu.memory_space<vmem>>
          %dma_wait3A_195 = arith.constant 0 : i32
          %dma_wait3A_196 = arith.constant 0 : i32
          %dma_wait3A_197 = tpu.memref_slice %arg12[%dma_wait3A_195, %dma_wait3A_196] : memref<10240x64xbf16, #tpu.memory_space<vmem_shared>> -> memref<10240x64xbf16, #tpu.memory_space<vmem_shared>>
          tpu.wait_indirect_dma semaphore(%run_scoped3A_177 : memref<!tpu.dma_semaphore, #tpu.memory_space<semaphore_mem>>) src(%dma_wait3A_191 : memref<128x64xbf16, #tpu.memory_space<vmem>>) dst(%dma_wait3A_197 : memref<10240x64xbf16, #tpu.memory_space<vmem_shared>>)
          tpu.yield
        }) : () -> ()
        %add3A_144 = arith.constant 4 : i32
        %add3A_145 = arith.addi %add3A_128, %add3A_144 : i32
        %lt3A_146 = arith.constant 16 : i32
        %lt3A_147 = arith.cmpi slt, %add3A_145, %lt3A_146 : i32
        %convert_element_type3A_148 = arith.extui %lt3A_147 : i1 to i32
        %cond3A_149 = arith.constant 0 : i32
        %cond3A_150 = arith.cmpi ne, %convert_element_type3A_148, %cond3A_149 : i32
        scf.if %cond3A_150 {
          %dma_start3A_177 = arith.constant 2 : i32
          %dma_start3A_178 = arith.constant 2 : i32
          %dma_start3A_179 = arith.constant 0 : i32
          %dma_start3A_180 = arith.constant 0 : i32
          %dma_start3A_181 = tpu.memref_slice %arg9[%dma_start3A_177, %dma_start3A_179, %dma_start3A_180] : memref<4x128x64xbf16, #tpu.memory_space<vmem>> -> memref<1x128x64xbf16, #tpu.memory_space<vmem>>
          %dma_start3A_182 = tpu.memref_squeeze %dma_start3A_181 : memref<1x128x64xbf16, #tpu.memory_space<vmem>> -> memref<128x64xbf16, #tpu.memory_space<vmem>>
          %dma_start3A_183 = arith.constant 0 : i32
          %dma_start3A_184 = tpu.memref_slice %arg7[%add3A_145, %dma_start3A_183] : memref<16x128xi32, #tpu.memory_space<vmem>> -> memref<1x128xi32, #tpu.memory_space<vmem>>
          %dma_start3A_185 = tpu.memref_squeeze %dma_start3A_184 : memref<1x128xi32, #tpu.memory_space<vmem>> -> memref<128xi32, #tpu.memory_space<vmem>>
          %dma_start3A_186 = arith.constant 0 : i32
          %dma_start3A_187 = arith.constant 0 : i32
          %dma_start3A_188 = tpu.memref_slice %arg11[%dma_start3A_186, %dma_start3A_187] : memref<10240x64xbf16, #tpu.memory_space<vmem_shared>> -> memref<10240x64xbf16, #tpu.memory_space<vmem_shared>>
          %dma_start3A_189 = tpu.memref_slice %arg10[%dma_start3A_178] : memref<4x!tpu.dma_semaphore, #tpu.memory_space<semaphore_mem>> -> memref<1x!tpu.dma_semaphore, #tpu.memory_space<semaphore_mem>>
          %dma_start3A_190 = tpu.memref_squeeze %dma_start3A_189 : memref<1x!tpu.dma_semaphore, #tpu.memory_space<semaphore_mem>> -> memref<!tpu.dma_semaphore, #tpu.memory_space<semaphore_mem>>
          tpu.enqueue_indirect_dma source(%dma_start3A_188 : memref<10240x64xbf16, #tpu.memory_space<vmem_shared>>) target(%dma_start3A_182 : memref<128x64xbf16, #tpu.memory_space<vmem>>) offsets(%dma_start3A_185 : memref<128xi32, #tpu.memory_space<vmem>>) semaphore(%dma_start3A_190 : memref<!tpu.dma_semaphore, #tpu.memory_space<semaphore_mem>>)
        } else {
        }
        %mul3A_151 = arith.constant 4 : i32
        %mul3A_152 = arith.muli %scan3A_77, %mul3A_151 : i32
        %add3A_153 = arith.constant 3 : i32
        %add3A_154 = arith.addi %mul3A_152, %add3A_153 : i32
        %dma_wait3A_155 = arith.constant 3 : i32
        %dma_wait3A_156 = arith.constant 3 : i32
        %dma_wait3A_157 = arith.constant 0 : i32
        %dma_wait3A_158 = arith.constant 0 : i32
        %dma_wait3A_159 = tpu.memref_slice %arg9[%dma_wait3A_155, %dma_wait3A_157, %dma_wait3A_158] : memref<4x128x64xbf16, #tpu.memory_space<vmem>> -> memref<1x128x64xbf16, #tpu.memory_space<vmem>>
        %dma_wait3A_160 = tpu.memref_squeeze %dma_wait3A_159 : memref<1x128x64xbf16, #tpu.memory_space<vmem>> -> memref<128x64xbf16, #tpu.memory_space<vmem>>
        %dma_wait3A_161 = arith.constant 0 : i32
        %dma_wait3A_162 = tpu.memref_slice %arg7[%add3A_154, %dma_wait3A_161] : memref<16x128xi32, #tpu.memory_space<vmem>> -> memref<1x128xi32, #tpu.memory_space<vmem>>
        %dma_wait3A_163 = tpu.memref_squeeze %dma_wait3A_162 : memref<1x128xi32, #tpu.memory_space<vmem>> -> memref<128xi32, #tpu.memory_space<vmem>>
        %dma_wait3A_164 = arith.constant 0 : i32
        %dma_wait3A_165 = arith.constant 0 : i32
        %dma_wait3A_166 = tpu.memref_slice %arg11[%dma_wait3A_164, %dma_wait3A_165] : memref<10240x64xbf16, #tpu.memory_space<vmem_shared>> -> memref<10240x64xbf16, #tpu.memory_space<vmem_shared>>
        %dma_wait3A_167 = tpu.memref_slice %arg10[%dma_wait3A_156] : memref<4x!tpu.dma_semaphore, #tpu.memory_space<semaphore_mem>> -> memref<1x!tpu.dma_semaphore, #tpu.memory_space<semaphore_mem>>
        %dma_wait3A_168 = tpu.memref_squeeze %dma_wait3A_167 : memref<1x!tpu.dma_semaphore, #tpu.memory_space<semaphore_mem>> -> memref<!tpu.dma_semaphore, #tpu.memory_space<semaphore_mem>>
        tpu.wait_indirect_dma semaphore(%dma_wait3A_168 : memref<!tpu.dma_semaphore, #tpu.memory_space<semaphore_mem>>) src(%dma_wait3A_166 : memref<10240x64xbf16, #tpu.memory_space<vmem_shared>>) dst(%dma_wait3A_160 : memref<128x64xbf16, #tpu.memory_space<vmem>>)
        %run_scoped3A_169 = arith.constant 3 : i32
        "tpu.region"() ({
          %run_scoped3A_177 = tpu.sem_alloc : memref<!tpu.dma_semaphore, #tpu.memory_space<semaphore_mem>>
          %dma_start3A_178 = arith.constant 0 : i32
          %dma_start3A_179 = arith.constant 0 : i32
          %dma_start3A_180 = tpu.memref_slice %arg9[%run_scoped3A_169, %dma_start3A_178, %dma_start3A_179] : memref<4x128x64xbf16, #tpu.memory_space<vmem>> -> memref<1x128x64xbf16, #tpu.memory_space<vmem>>
          %dma_start3A_181 = tpu.memref_squeeze %dma_start3A_180 : memref<1x128x64xbf16, #tpu.memory_space<vmem>> -> memref<128x64xbf16, #tpu.memory_space<vmem>>
          %dma_start3A_182 = arith.constant 0 : i32
          %dma_start3A_183 = tpu.memref_slice %arg8[%add3A_154, %dma_start3A_182] : memref<16x128xi32, #tpu.memory_space<vmem>> -> memref<1x128xi32, #tpu.memory_space<vmem>>
          %dma_start3A_184 = tpu.memref_squeeze %dma_start3A_183 : memref<1x128xi32, #tpu.memory_space<vmem>> -> memref<128xi32, #tpu.memory_space<vmem>>
          %dma_start3A_185 = arith.constant 0 : i32
          %dma_start3A_186 = arith.constant 0 : i32
          %dma_start3A_187 = tpu.memref_slice %arg12[%dma_start3A_185, %dma_start3A_186] : memref<10240x64xbf16, #tpu.memory_space<vmem_shared>> -> memref<10240x64xbf16, #tpu.memory_space<vmem_shared>>
          tpu.enqueue_indirect_dma source(%dma_start3A_181 : memref<128x64xbf16, #tpu.memory_space<vmem>>) target(%dma_start3A_187 : memref<10240x64xbf16, #tpu.memory_space<vmem_shared>>) offsets(%dma_start3A_184 : memref<128xi32, #tpu.memory_space<vmem>>) semaphore(%run_scoped3A_177 : memref<!tpu.dma_semaphore, #tpu.memory_space<semaphore_mem>>) {add = true}
          %dma_wait3A_188 = arith.constant 0 : i32
          %dma_wait3A_189 = arith.constant 0 : i32
          %dma_wait3A_190 = tpu.memref_slice %arg9[%run_scoped3A_169, %dma_wait3A_188, %dma_wait3A_189] : memref<4x128x64xbf16, #tpu.memory_space<vmem>> -> memref<1x128x64xbf16, #tpu.memory_space<vmem>>
          %dma_wait3A_191 = tpu.memref_squeeze %dma_wait3A_190 : memref<1x128x64xbf16, #tpu.memory_space<vmem>> -> memref<128x64xbf16, #tpu.memory_space<vmem>>
          %dma_wait3A_192 = arith.constant 0 : i32
          %dma_wait3A_193 = tpu.memref_slice %arg8[%add3A_154, %dma_wait3A_192] : memref<16x128xi32, #tpu.memory_space<vmem>> -> memref<1x128xi32, #tpu.memory_space<vmem>>
          %dma_wait3A_194 = tpu.memref_squeeze %dma_wait3A_193 : memref<1x128xi32, #tpu.memory_space<vmem>> -> memref<128xi32, #tpu.memory_space<vmem>>
          %dma_wait3A_195 = arith.constant 0 : i32
          %dma_wait3A_196 = arith.constant 0 : i32
          %dma_wait3A_197 = tpu.memref_slice %arg12[%dma_wait3A_195, %dma_wait3A_196] : memref<10240x64xbf16, #tpu.memory_space<vmem_shared>> -> memref<10240x64xbf16, #tpu.memory_space<vmem_shared>>
          tpu.wait_indirect_dma semaphore(%run_scoped3A_177 : memref<!tpu.dma_semaphore, #tpu.memory_space<semaphore_mem>>) src(%dma_wait3A_191 : memref<128x64xbf16, #tpu.memory_space<vmem>>) dst(%dma_wait3A_197 : memref<10240x64xbf16, #tpu.memory_space<vmem_shared>>)
          tpu.yield
        }) : () -> ()
        %add3A_170 = arith.constant 4 : i32
        %add3A_171 = arith.addi %add3A_154, %add3A_170 : i32
        %lt3A_172 = arith.constant 16 : i32
        %lt3A_173 = arith.cmpi slt, %add3A_171, %lt3A_172 : i32
        %convert_element_type3A_174 = arith.extui %lt3A_173 : i1 to i32
        %cond3A_175 = arith.constant 0 : i32
        %cond3A_176 = arith.cmpi ne, %convert_element_type3A_174, %cond3A_175 : i32
        scf.if %cond3A_176 {
          %dma_start3A_177 = arith.constant 3 : i32
          %dma_start3A_178 = arith.constant 3 : i32
          %dma_start3A_179 = arith.constant 0 : i32
          %dma_start3A_180 = arith.constant 0 : i32
          %dma_start3A_181 = tpu.memref_slice %arg9[%dma_start3A_177, %dma_start3A_179, %dma_start3A_180] : memref<4x128x64xbf16, #tpu.memory_space<vmem>> -> memref<1x128x64xbf16, #tpu.memory_space<vmem>>
          %dma_start3A_182 = tpu.memref_squeeze %dma_start3A_181 : memref<1x128x64xbf16, #tpu.memory_space<vmem>> -> memref<128x64xbf16, #tpu.memory_space<vmem>>
          %dma_start3A_183 = arith.constant 0 : i32
          %dma_start3A_184 = tpu.memref_slice %arg7[%add3A_171, %dma_start3A_183] : memref<16x128xi32, #tpu.memory_space<vmem>> -> memref<1x128xi32, #tpu.memory_space<vmem>>
          %dma_start3A_185 = tpu.memref_squeeze %dma_start3A_184 : memref<1x128xi32, #tpu.memory_space<vmem>> -> memref<128xi32, #tpu.memory_space<vmem>>
          %dma_start3A_186 = arith.constant 0 : i32
          %dma_start3A_187 = arith.constant 0 : i32
          %dma_start3A_188 = tpu.memref_slice %arg11[%dma_start3A_186, %dma_start3A_187] : memref<10240x64xbf16, #tpu.memory_space<vmem_shared>> -> memref<10240x64xbf16, #tpu.memory_space<vmem_shared>>
          %dma_start3A_189 = tpu.memref_slice %arg10[%dma_start3A_178] : memref<4x!tpu.dma_semaphore, #tpu.memory_space<semaphore_mem>> -> memref<1x!tpu.dma_semaphore, #tpu.memory_space<semaphore_mem>>
          %dma_start3A_190 = tpu.memref_squeeze %dma_start3A_189 : memref<1x!tpu.dma_semaphore, #tpu.memory_space<semaphore_mem>> -> memref<!tpu.dma_semaphore, #tpu.memory_space<semaphore_mem>>
          tpu.enqueue_indirect_dma source(%dma_start3A_188 : memref<10240x64xbf16, #tpu.memory_space<vmem_shared>>) target(%dma_start3A_182 : memref<128x64xbf16, #tpu.memory_space<vmem>>) offsets(%dma_start3A_185 : memref<128xi32, #tpu.memory_space<vmem>>) semaphore(%dma_start3A_190 : memref<!tpu.dma_semaphore, #tpu.memory_space<semaphore_mem>>)
        } else {
        }
      }
      %scan3A_76 = arith.constant 4 : i32
    }
    %scan3A_7 = arith.constant 10 : i32
    %barrier3A_8 = arith.constant 0 : index
    tpu.barrier barrier_id(%barrier3A_8)
    "tpu.region"() ({
      %run_scoped3A = tpu.sem_alloc : memref<!tpu.dma_semaphore, #tpu.memory_space<semaphore_mem>>
      %dma_start3A = arith.constant 0 : i32
      %dma_start3A_9 = tpu.memref_slice %arg6[%arg0, %mul3A_0, %dma_start3A] : memref<2x10240x64xbf16, #tpu.memory_space<hbm>> -> memref<1x640x64xbf16, #tpu.memory_space<hbm>>
      %dma_start3A_10 = tpu.memref_squeeze %dma_start3A_9 : memref<1x640x64xbf16, #tpu.memory_space<hbm>> -> memref<640x64xbf16, #tpu.memory_space<hbm>>
      %dma_start3A_11 = arith.constant 0 : i32
      %dma_start3A_12 = tpu.memref_slice %arg12[%mul3A_0, %dma_start3A_11] : memref<10240x64xbf16, #tpu.memory_space<vmem_shared>> -> memref<640x64xbf16, #tpu.memory_space<vmem_shared>>
      tpu.enqueue_dma source(%dma_start3A_12 : memref<640x64xbf16, #tpu.memory_space<vmem_shared>>) target(%dma_start3A_10 : memref<640x64xbf16, #tpu.memory_space<hbm>>) target_semaphore(%run_scoped3A : memref<!tpu.dma_semaphore, #tpu.memory_space<semaphore_mem>>)
      %dma_wait3A = arith.constant 0 : i32
      %dma_wait3A_13 = tpu.memref_slice %arg6[%arg0, %mul3A_0, %dma_wait3A] : memref<2x10240x64xbf16, #tpu.memory_space<hbm>> -> memref<1x640x64xbf16, #tpu.memory_space<hbm>>
      %dma_wait3A_14 = tpu.memref_squeeze %dma_wait3A_13 : memref<1x640x64xbf16, #tpu.memory_space<hbm>> -> memref<640x64xbf16, #tpu.memory_space<hbm>>
      %dma_wait3A_15 = arith.constant 0 : i32
      %dma_wait3A_16 = tpu.memref_slice %arg12[%mul3A_0, %dma_wait3A_15] : memref<10240x64xbf16, #tpu.memory_space<vmem_shared>> -> memref<640x64xbf16, #tpu.memory_space<vmem_shared>>
      tpu.wait_dma2 semaphore(%run_scoped3A : memref<!tpu.dma_semaphore, #tpu.memory_space<semaphore_mem>>) src(%dma_wait3A_16 : memref<640x64xbf16, #tpu.memory_space<vmem_shared>>) dst(%dma_wait3A_14 : memref<640x64xbf16, #tpu.memory_space<hbm>>)
      tpu.yield
    }) : () -> ()
    return
  }
}

module attributes {stable_mosaic.version = 14 : i64} {
  func.func @_tc1_body(%arg0: i32, %arg1: memref<2x1024x1xf32, #tpu.memory_space<vmem>>, %arg2: memref<1024x128xf32, #tpu.memory_space<vmem>>, %arg3: memref<128x128xf32, #tpu.memory_space<vmem>>, %arg4: memref<2x1024x64xbf16, #tpu.memory_space<vmem>>) attributes {dimension_semantics = [#tpu.dimension_semantics<arbitrary>], iteration_bounds = array<i64: 10>, scalar_prefetch = 0 : i64, scratch_operands = 0 : i64, tpu.core_type = #tpu.core_type<tc>, window_params = [{transform_indices = @transform_0, window_bounds = array<i64: 2, 1024, 1>}, {transform_indices = @transform_1, window_bounds = array<i64: 1024, 128>}, {pipeline_mode = #tpu.pipeline_mode<synchronous>, transform_indices = @transform_2, window_bounds = array<i64: 128, 128>}, {transform_indices = @transform_3, window_bounds = array<i64: 2, 1024, 64>}]} {
    %get3A = arith.constant 0 : index
    %get3A_0 = arith.constant 0 : index
    %get3A_1 = arith.constant 0 : index
    %get3A_2 = vector.load %arg1[%get3A, %get3A_0, %get3A_1] : memref<2x1024x1xf32, #tpu.memory_space<vmem>>, vector<1x1024x1xf32>
    %get3A_3 = vector.shape_cast %get3A_2 : vector<1x1024x1xf32> to vector<1024x1xf32>
    %get3A_4 = arith.constant 1 : index
    %get3A_5 = arith.constant 0 : index
    %get3A_6 = arith.constant 0 : index
    %get3A_7 = vector.load %arg1[%get3A_4, %get3A_5, %get3A_6] : memref<2x1024x1xf32, #tpu.memory_space<vmem>>, vector<1x1024x1xf32>
    %get3A_8 = vector.shape_cast %get3A_7 : vector<1x1024x1xf32> to vector<1024x1xf32>
    %add3A = arith.addf %get3A_3, %get3A_8 : vector<1024x1xf32>
    %gt3A = arith.constant 0.000000e+00 : f32
    %gt3A_9 = vector.broadcast %gt3A : f32 to vector<1024x1xf32>
    %gt3A_10 = arith.cmpf ogt, %add3A, %gt3A_9 : vector<1024x1xf32>
    %max3A = arith.constant 1.000000e+00 : f32
    %max3A_11 = vector.broadcast %max3A : f32 to vector<1024x1xf32>
    %max3A_12 = arith.maximumf %add3A, %max3A_11 : vector<1024x1xf32>
    %rsqrt3A = math.rsqrt %max3A_12 : vector<1024x1xf32>
    %jit3A = arith.constant 0.000000e+00 : f32
    %broadcast_in_dim3A = vector.broadcast %jit3A : f32 to vector<1024x1xf32>
    %select_n3A = arith.select %gt3A_10, %rsqrt3A, %broadcast_in_dim3A : vector<1024x1xi1>, vector<1024x1xf32>
    %get3A_13 = arith.constant 0 : index
    %get3A_14 = arith.constant 0 : index
    %get3A_15 = vector.load %arg2[%get3A_13, %get3A_14] : memref<1024x128xf32, #tpu.memory_space<vmem>>, vector<1024x128xf32>
    %mul3A = vector.broadcast %select_n3A : vector<1024x1xf32> to vector<1024x128xf32>
    %mul3A_16 = arith.mulf %get3A_15, %mul3A : vector<1024x128xf32>
    %get3A_17 = arith.constant 0 : index
    %get3A_18 = arith.constant 0 : index
    %get3A_19 = vector.load %arg3[%get3A_17, %get3A_18] : memref<128x128xf32, #tpu.memory_space<vmem>>, vector<128x128xf32>
    %dot_general3A = arith.constant dense<0.000000e+00> : vector<1024x128xf32>
    %dot_general3A_20 = tpu.matmul %mul3A_16, %get3A_19, %dot_general3A {dimension_numbers = #tpu.dot_dimension_numbers<[1], [0], [0], [1], [0, 0, 1, 1], [], []>, transpose_lhs_hint = false} : vector<1024x128xf32>, vector<128x128xf32>, vector<1024x128xf32> -> vector<1024x128xf32>
    %convert_element_type3A = arith.truncf %dot_general3A_20 : vector<1024x128xf32> to vector<1024x128xbf16>
    %slice3A = vector.extract_strided_slice %convert_element_type3A {offsets = [0, 0], sizes = [1024, 64], strides = [1, 1]} : vector<1024x128xbf16> to vector<1024x64xbf16>
    %swap3A = arith.constant 0 : index
    %swap3A_21 = arith.constant 0 : index
    %swap3A_22 = arith.constant 0 : index
    %swap3A_23 = vector.load %arg4[%swap3A, %swap3A_21, %swap3A_22] : memref<2x1024x64xbf16, #tpu.memory_space<vmem>>, vector<1x1024x64xbf16>
    %swap3A_24 = vector.shape_cast %swap3A_23 : vector<1x1024x64xbf16> to vector<1024x64xbf16>
    %swap3A_25 = vector.shape_cast %slice3A : vector<1024x64xbf16> to vector<1x1024x64xbf16>
    tpu.vector_store %arg4[%swap3A, %swap3A_21, %swap3A_22], %swap3A_25 {strides = array<i32>} : memref<2x1024x64xbf16, #tpu.memory_space<vmem>>, vector<1x1024x64xbf16>,
    %slice3A_26 = vector.extract_strided_slice %convert_element_type3A {offsets = [0, 64], sizes = [1024, 64], strides = [1, 1]} : vector<1024x128xbf16> to vector<1024x64xbf16>
    %swap3A_27 = arith.constant 1 : index
    %swap3A_28 = arith.constant 0 : index
    %swap3A_29 = arith.constant 0 : index
    %swap3A_30 = vector.load %arg4[%swap3A_27, %swap3A_28, %swap3A_29] : memref<2x1024x64xbf16, #tpu.memory_space<vmem>>, vector<1x1024x64xbf16>
    %swap3A_31 = vector.shape_cast %swap3A_30 : vector<1x1024x64xbf16> to vector<1024x64xbf16>
    %swap3A_32 = vector.shape_cast %slice3A_26 : vector<1024x64xbf16> to vector<1x1024x64xbf16>
    tpu.vector_store %arg4[%swap3A_27, %swap3A_28, %swap3A_29], %swap3A_32 {strides = array<i32>} : memref<2x1024x64xbf16, #tpu.memory_space<vmem>>, vector<1x1024x64xbf16>,
    return
  }
  func.func @transform_0(%arg0: i32) -> (i32, i32, i32) {
    %c0_i32 = arith.constant 0 : i32
    %c0_i32_0 = arith.constant 0 : i32
    %c0_i32_1 = arith.constant 0 : i32
    return %c0_i32, %arg0, %c0_i32_0 : i32, i32, i32
  }
  func.func @transform_1(%arg0: i32) -> (i32, i32) {
    %c0_i32 = arith.constant 0 : i32
    %c0_i32_0 = arith.constant 0 : i32
    return %arg0, %c0_i32 : i32, i32
  }
  func.func @transform_2(%arg0: i32) -> (i32, i32) {
    %c0_i32 = arith.constant 0 : i32
    %c0_i32_0 = arith.constant 0 : i32
    %c0_i32_1 = arith.constant 0 : i32
    return %c0_i32, %c0_i32_0 : i32, i32
  }
  func.func @transform_3(%arg0: i32) -> (i32, i32, i32) {
    %c0_i32 = arith.constant 0 : i32
    %c0_i32_0 = arith.constant 0 : i32
    %c0_i32_1 = arith.constant 0 : i32
    return %c0_i32, %arg0, %c0_i32_0 : i32, i32, i32
  }
}

module attributes {stable_mosaic.version = 14 : i64} {
  func.func @_tc2_body(%arg0: i32, %arg1: memref<2x1024x64xbf16, #tpu.memory_space<vmem>>, %arg2: memref<2x1024x1xf32, #tpu.memory_space<vmem>>, %arg3: memref<2x1024x1xf32, #tpu.memory_space<vmem>>, %arg4: memref<1x128xf32, #tpu.memory_space<vmem>>, %arg5: memref<128x64xf32, #tpu.memory_space<vmem>>, %arg6: memref<1024x64xbf16, #tpu.memory_space<vmem>>) attributes {dimension_semantics = [#tpu.dimension_semantics<arbitrary>], iteration_bounds = array<i64: 10>, scalar_prefetch = 0 : i64, scratch_operands = 0 : i64, tpu.core_type = #tpu.core_type<tc>, window_params = [{transform_indices = @transform_0, window_bounds = array<i64: 2, 1024, 64>}, {transform_indices = @transform_1, window_bounds = array<i64: 2, 1024, 1>}, {transform_indices = @transform_2, window_bounds = array<i64: 2, 1024, 1>}, {pipeline_mode = #tpu.pipeline_mode<synchronous>, transform_indices = @transform_3, window_bounds = array<i64: 1, 128>}, {pipeline_mode = #tpu.pipeline_mode<synchronous>, transform_indices = @transform_4, window_bounds = array<i64: 128, 64>}, {transform_indices = @transform_5, window_bounds = array<i64: 1024, 64>}]} {
    %get3A = arith.constant 0 : index
    %get3A_0 = arith.constant 0 : index
    %get3A_1 = arith.constant 0 : index
    %get3A_2 = vector.load %arg2[%get3A, %get3A_0, %get3A_1] : memref<2x1024x1xf32, #tpu.memory_space<vmem>>, vector<1x1024x1xf32>
    %get3A_3 = vector.shape_cast %get3A_2 : vector<1x1024x1xf32> to vector<1024x1xf32>
    %get3A_4 = arith.constant 1 : index
    %get3A_5 = arith.constant 0 : index
    %get3A_6 = arith.constant 0 : index
    %get3A_7 = vector.load %arg2[%get3A_4, %get3A_5, %get3A_6] : memref<2x1024x1xf32, #tpu.memory_space<vmem>>, vector<1x1024x1xf32>
    %get3A_8 = vector.shape_cast %get3A_7 : vector<1x1024x1xf32> to vector<1024x1xf32>
    %add3A = arith.addf %get3A_3, %get3A_8 : vector<1024x1xf32>
    %gt3A = arith.constant 0.000000e+00 : f32
    %gt3A_9 = vector.broadcast %gt3A : f32 to vector<1024x1xf32>
    %gt3A_10 = arith.cmpf ogt, %add3A, %gt3A_9 : vector<1024x1xf32>
    %max3A = arith.constant 1.000000e+00 : f32
    %max3A_11 = vector.broadcast %max3A : f32 to vector<1024x1xf32>
    %max3A_12 = arith.maximumf %add3A, %max3A_11 : vector<1024x1xf32>
    %rsqrt3A = math.rsqrt %max3A_12 : vector<1024x1xf32>
    %jit3A = arith.constant 0.000000e+00 : f32
    %broadcast_in_dim3A = vector.broadcast %jit3A : f32 to vector<1024x1xf32>
    %select_n3A = arith.select %gt3A_10, %rsqrt3A, %broadcast_in_dim3A : vector<1024x1xi1>, vector<1024x1xf32>
    %get3A_13 = arith.constant 0 : index
    %get3A_14 = arith.constant 0 : index
    %get3A_15 = arith.constant 0 : index
    %get3A_16 = vector.load %arg3[%get3A_13, %get3A_14, %get3A_15] : memref<2x1024x1xf32, #tpu.memory_space<vmem>>, vector<1x1024x1xf32>
    %get3A_17 = vector.shape_cast %get3A_16 : vector<1x1024x1xf32> to vector<1024x1xf32>
    %get3A_18 = arith.constant 1 : index
    %get3A_19 = arith.constant 0 : index
    %get3A_20 = arith.constant 0 : index
    %get3A_21 = vector.load %arg3[%get3A_18, %get3A_19, %get3A_20] : memref<2x1024x1xf32, #tpu.memory_space<vmem>>, vector<1x1024x1xf32>
    %get3A_22 = vector.shape_cast %get3A_21 : vector<1x1024x1xf32> to vector<1024x1xf32>
    %add3A_23 = arith.addf %get3A_17, %get3A_22 : vector<1024x1xf32>
    %gt3A_24 = arith.constant 0.000000e+00 : f32
    %gt3A_25 = vector.broadcast %gt3A_24 : f32 to vector<1024x1xf32>
    %gt3A_26 = arith.cmpf ogt, %add3A_23, %gt3A_25 : vector<1024x1xf32>
    %max3A_27 = arith.constant 1.000000e+00 : f32
    %max3A_28 = vector.broadcast %max3A_27 : f32 to vector<1024x1xf32>
    %max3A_29 = arith.maximumf %add3A_23, %max3A_28 : vector<1024x1xf32>
    %rsqrt3A_30 = math.rsqrt %max3A_29 : vector<1024x1xf32>
    %jit3A_31 = arith.constant 0.000000e+00 : f32
    %broadcast_in_dim3A_32 = vector.broadcast %jit3A_31 : f32 to vector<1024x1xf32>
    %select_n3A_33 = arith.select %gt3A_26, %rsqrt3A_30, %broadcast_in_dim3A_32 : vector<1024x1xi1>, vector<1024x1xf32>
    %get3A_34 = arith.constant 0 : index
    %get3A_35 = arith.constant 0 : index
    %get3A_36 = arith.constant 0 : index
    %get3A_37 = vector.load %arg1[%get3A_34, %get3A_35, %get3A_36] : memref<2x1024x64xbf16, #tpu.memory_space<vmem>>, vector<1x1024x64xbf16>
    %get3A_38 = vector.shape_cast %get3A_37 : vector<1x1024x64xbf16> to vector<1024x64xbf16>
    %get3A_39 = arith.constant 1 : index
    %get3A_40 = arith.constant 0 : index
    %get3A_41 = arith.constant 0 : index
    %get3A_42 = vector.load %arg1[%get3A_39, %get3A_40, %get3A_41] : memref<2x1024x64xbf16, #tpu.memory_space<vmem>>, vector<1x1024x64xbf16>
    %get3A_43 = vector.shape_cast %get3A_42 : vector<1x1024x64xbf16> to vector<1024x64xbf16>
    %concatenate3A = tpu.concatenate %get3A_38, %get3A_43 in 1 : vector<1024x64xbf16>, vector<1024x64xbf16> -> vector<1024x128xbf16>
    %convert_element_type3A = arith.extf %concatenate3A : vector<1024x128xbf16> to vector<1024x128xf32>
    %mul3A = vector.broadcast %select_n3A_33 : vector<1024x1xf32> to vector<1024x128xf32>
    %mul3A_44 = arith.mulf %convert_element_type3A, %mul3A : vector<1024x128xf32>
    %get3A_45 = arith.constant 0 : index
    %get3A_46 = arith.constant 0 : index
    %get3A_47 = vector.load %arg4[%get3A_45, %get3A_46] : memref<1x128xf32, #tpu.memory_space<vmem>>, vector<1x128xf32>
    %add3A_48 = vector.broadcast %get3A_47 : vector<1x128xf32> to vector<1024x128xf32>
    %add3A_49 = arith.addf %mul3A_44, %add3A_48 : vector<1024x128xf32>
    %max3A_50 = arith.constant 0.000000e+00 : f32
    %max3A_51 = vector.broadcast %max3A_50 : f32 to vector<1024x128xf32>
    %max3A_52 = arith.maximumf %add3A_49, %max3A_51 : vector<1024x128xf32>
    %mul3A_53 = vector.broadcast %select_n3A : vector<1024x1xf32> to vector<1024x128xf32>
    %mul3A_54 = arith.mulf %max3A_52, %mul3A_53 : vector<1024x128xf32>
    %get3A_55 = arith.constant 0 : index
    %get3A_56 = arith.constant 0 : index
    %get3A_57 = vector.load %arg5[%get3A_55, %get3A_56] : memref<128x64xf32, #tpu.memory_space<vmem>>, vector<128x64xf32>
    %dot_general3A = arith.constant dense<0.000000e+00> : vector<1024x64xf32>
    %dot_general3A_58 = tpu.matmul %mul3A_54, %get3A_57, %dot_general3A {dimension_numbers = #tpu.dot_dimension_numbers<[1], [0], [0], [1], [0, 0, 1, 1], [], []>, transpose_lhs_hint = false} : vector<1024x128xf32>, vector<128x64xf32>, vector<1024x64xf32> -> vector<1024x64xf32>
    %convert_element_type3A_59 = arith.truncf %dot_general3A_58 : vector<1024x64xf32> to vector<1024x64xbf16>
    %swap3A = arith.constant 0 : index
    %swap3A_60 = arith.constant 0 : index
    %swap3A_61 = vector.load %arg6[%swap3A, %swap3A_60] : memref<1024x64xbf16, #tpu.memory_space<vmem>>, vector<1024x64xbf16>
    tpu.vector_store %arg6[%swap3A, %swap3A_60], %convert_element_type3A_59 {strides = array<i32>} : memref<1024x64xbf16, #tpu.memory_space<vmem>>, vector<1024x64xbf16>,
    return
  }
  func.func @transform_0(%arg0: i32) -> (i32, i32, i32) {
    %c0_i32 = arith.constant 0 : i32
    %c0_i32_0 = arith.constant 0 : i32
    %c0_i32_1 = arith.constant 0 : i32
    return %c0_i32, %arg0, %c0_i32_0 : i32, i32, i32
  }
  func.func @transform_1(%arg0: i32) -> (i32, i32, i32) {
    %c0_i32 = arith.constant 0 : i32
    %c0_i32_0 = arith.constant 0 : i32
    %c0_i32_1 = arith.constant 0 : i32
    return %c0_i32, %arg0, %c0_i32_0 : i32, i32, i32
  }
  func.func @transform_2(%arg0: i32) -> (i32, i32, i32) {
    %c0_i32 = arith.constant 0 : i32
    %c0_i32_0 = arith.constant 0 : i32
    %c0_i32_1 = arith.constant 0 : i32
    return %c0_i32, %arg0, %c0_i32_0 : i32, i32, i32
  }
  func.func @transform_3(%arg0: i32) -> (i32, i32) {
    %c0_i32 = arith.constant 0 : i32
    %c0_i32_0 = arith.constant 0 : i32
    %c0_i32_1 = arith.constant 0 : i32
    return %c0_i32, %c0_i32_0 : i32, i32
  }
  func.func @transform_4(%arg0: i32) -> (i32, i32) {
    %c0_i32 = arith.constant 0 : i32
    %c0_i32_0 = arith.constant 0 : i32
    %c0_i32_1 = arith.constant 0 : i32
    return %c0_i32, %c0_i32_0 : i32, i32
  }
  func.func @transform_5(%arg0: i32) -> (i32, i32) {
    %c0_i32 = arith.constant 0 : i32
    %c0_i32_0 = arith.constant 0 : i32
    return %arg0, %c0_i32 : i32, i32
  }
}

module attributes {stable_mosaic.version = 14 : i64} {
  func.func @_tc3_body(%arg0: i32, %arg1: memref<2x1024x64xbf16, #tpu.memory_space<vmem>>, %arg2: memref<2x1024x1xf32, #tpu.memory_space<vmem>>, %arg3: memref<1x64xf32, #tpu.memory_space<vmem>>, %arg4: memref<1024x64xf32, #tpu.memory_space<vmem>>) attributes {dimension_semantics = [#tpu.dimension_semantics<arbitrary>], iteration_bounds = array<i64: 10>, scalar_prefetch = 0 : i64, scratch_operands = 0 : i64, tpu.core_type = #tpu.core_type<tc>, window_params = [{transform_indices = @transform_0, window_bounds = array<i64: 2, 1024, 64>}, {transform_indices = @transform_1, window_bounds = array<i64: 2, 1024, 1>}, {pipeline_mode = #tpu.pipeline_mode<synchronous>, transform_indices = @transform_2, window_bounds = array<i64: 1, 64>}, {transform_indices = @transform_3, window_bounds = array<i64: 1024, 64>}]} {
    %get3A = arith.constant 0 : index
    %get3A_0 = arith.constant 0 : index
    %get3A_1 = arith.constant 0 : index
    %get3A_2 = vector.load %arg2[%get3A, %get3A_0, %get3A_1] : memref<2x1024x1xf32, #tpu.memory_space<vmem>>, vector<1x1024x1xf32>
    %get3A_3 = vector.shape_cast %get3A_2 : vector<1x1024x1xf32> to vector<1024x1xf32>
    %get3A_4 = arith.constant 1 : index
    %get3A_5 = arith.constant 0 : index
    %get3A_6 = arith.constant 0 : index
    %get3A_7 = vector.load %arg2[%get3A_4, %get3A_5, %get3A_6] : memref<2x1024x1xf32, #tpu.memory_space<vmem>>, vector<1x1024x1xf32>
    %get3A_8 = vector.shape_cast %get3A_7 : vector<1x1024x1xf32> to vector<1024x1xf32>
    %add3A = arith.addf %get3A_3, %get3A_8 : vector<1024x1xf32>
    %gt3A = arith.constant 0.000000e+00 : f32
    %gt3A_9 = vector.broadcast %gt3A : f32 to vector<1024x1xf32>
    %gt3A_10 = arith.cmpf ogt, %add3A, %gt3A_9 : vector<1024x1xf32>
    %max3A = arith.constant 1.000000e+00 : f32
    %max3A_11 = vector.broadcast %max3A : f32 to vector<1024x1xf32>
    %max3A_12 = arith.maximumf %add3A, %max3A_11 : vector<1024x1xf32>
    %rsqrt3A = math.rsqrt %max3A_12 : vector<1024x1xf32>
    %jit3A = arith.constant 0.000000e+00 : f32
    %broadcast_in_dim3A = vector.broadcast %jit3A : f32 to vector<1024x1xf32>
    %select_n3A = arith.select %gt3A_10, %rsqrt3A, %broadcast_in_dim3A : vector<1024x1xi1>, vector<1024x1xf32>
    %get3A_13 = arith.constant 0 : index
    %get3A_14 = arith.constant 0 : index
    %get3A_15 = arith.constant 0 : index
    %get3A_16 = vector.load %arg1[%get3A_13, %get3A_14, %get3A_15] : memref<2x1024x64xbf16, #tpu.memory_space<vmem>>, vector<1x1024x64xbf16>
    %get3A_17 = vector.shape_cast %get3A_16 : vector<1x1024x64xbf16> to vector<1024x64xbf16>
    %convert_element_type3A = arith.extf %get3A_17 : vector<1024x64xbf16> to vector<1024x64xf32>
    %get3A_18 = arith.constant 1 : index
    %get3A_19 = arith.constant 0 : index
    %get3A_20 = arith.constant 0 : index
    %get3A_21 = vector.load %arg1[%get3A_18, %get3A_19, %get3A_20] : memref<2x1024x64xbf16, #tpu.memory_space<vmem>>, vector<1x1024x64xbf16>
    %get3A_22 = vector.shape_cast %get3A_21 : vector<1x1024x64xbf16> to vector<1024x64xbf16>
    %convert_element_type3A_23 = arith.extf %get3A_22 : vector<1024x64xbf16> to vector<1024x64xf32>
    %add3A_24 = arith.addf %convert_element_type3A, %convert_element_type3A_23 : vector<1024x64xf32>
    %mul3A = vector.broadcast %select_n3A : vector<1024x1xf32> to vector<1024x64xf32>
    %mul3A_25 = arith.mulf %add3A_24, %mul3A : vector<1024x64xf32>
    %get3A_26 = arith.constant 0 : index
    %get3A_27 = arith.constant 0 : index
    %get3A_28 = vector.load %arg3[%get3A_26, %get3A_27] : memref<1x64xf32, #tpu.memory_space<vmem>>, vector<1x64xf32>
    %add3A_29 = vector.broadcast %get3A_28 : vector<1x64xf32> to vector<1024x64xf32>
    %add3A_30 = arith.addf %mul3A_25, %add3A_29 : vector<1024x64xf32>
    %swap3A = arith.constant 0 : index
    %swap3A_31 = arith.constant 0 : index
    %swap3A_32 = vector.load %arg4[%swap3A, %swap3A_31] : memref<1024x64xf32, #tpu.memory_space<vmem>>, vector<1024x64xf32>
    tpu.vector_store %arg4[%swap3A, %swap3A_31], %add3A_30 {strides = array<i32>} : memref<1024x64xf32, #tpu.memory_space<vmem>>, vector<1024x64xf32>,
    return
  }
  func.func @transform_0(%arg0: i32) -> (i32, i32, i32) {
    %c0_i32 = arith.constant 0 : i32
    %c0_i32_0 = arith.constant 0 : i32
    %c0_i32_1 = arith.constant 0 : i32
    return %c0_i32, %arg0, %c0_i32_0 : i32, i32, i32
  }
  func.func @transform_1(%arg0: i32) -> (i32, i32, i32) {
    %c0_i32 = arith.constant 0 : i32
    %c0_i32_0 = arith.constant 0 : i32
    %c0_i32_1 = arith.constant 0 : i32
    return %c0_i32, %arg0, %c0_i32_0 : i32, i32, i32
  }
  func.func @transform_2(%arg0: i32) -> (i32, i32) {
    %c0_i32 = arith.constant 0 : i32
    %c0_i32_0 = arith.constant 0 : i32
    %c0_i32_1 = arith.constant 0 : i32
    return %c0_i32, %c0_i32_0 : i32, i32
  }
  func.func @transform_3(%arg0: i32) -> (i32, i32) {
    %c0_i32 = arith.constant 0 : i32
    %c0_i32_0 = arith.constant 0 : i32
    return %arg0, %c0_i32 : i32, i32
  }
}

</mosaic_0001>

<sc_bundles>
// kernel: kernel.11.cloned.1.call-start
scs
__scs_entry_jumppad:
0x0: {  	(pc) =	sbr.rel $0x88, $3  }
0x1: {  	(tag) =	ssettag $0x0;
	lr =	simm.s32 $0x1  }
0x2: {  	[smem:$0x3F9B] =	sst lr;
	_ =	strace $0xD0000000  }
0x3: {  	_ = 	snop  }
0x4: {  	_ = 	snop  }
0x5: {  	_ = 	snop  }
0x6: {  	_ = 	snop  }
0x7: {  	_ = 	snop  }
__scs_overlays_trampoline_lowered:
0x8: {  	[smem:$0x3FAA] =	sst s0  }
0x9: {  	[smem:$0x3FAB] =	sst s1  }
0xa: {  	[smem:$0x3FAC] =	sst s2  }
0xb: {  	[smem:$0x3FAD] =	sst s3  }
0xc: {  	[smem:$0x3FAE] =	sst s4  }
0xd: {  	[smem:$0x3FAF] =	sst s5  }
0xe: {  	[smem:$0x3FB0] =	sst s6  }
0xf: {  	[smem:$0x3FB1] =	sst s7  }
0x10: {  	[smem:$0x3FB2] =	sst s8  }
0x11: {  	[smem:$0x3FB3] =	sst s9;
	s0 =	simm.s32 @!p0 $0x0  }
0x12: {  	s1 =	sld [smem:$0x3F99];
	s0 =	simm.s32 @p0 $0x1  }
0x13: {  	[smem:$0x3FB4] =	sst s0;
	s0 =	simm.s32 @!p1 $0x0  }
0x14: {  	s2 =	sld [smem:$0x3F98];
	s0 =	simm.s32 @p1 $0x1  }
0x15: {  	[smem:$0x3FB5] =	sst s0;
	s0 =	simm.s32 @!p2 $0x0  }
0x16: {  	s3 =	sld [smem:$0x3FDB];
	s0 =	simm.s32 @p2 $0x1  }
0x17: {  	s4 =	simm.s32 $0x1BF5;
	[smem:$0x3FB7] =	sst s0  }
0x18: {  	s0 =	sld [smem:$0x3F9A];
	_ =	swait.ge [sflag:s4], $0x0  }
0x19: {  	s7 =	sld [smem:$0x3F9B]  }
0x1a: {  	s8 =	sadd.s32 $0xFFFFE003, lr  }
0x1b: {  	s9 =	sadd.s32 $0xFFFFFEF7, lr;
	s5 =	simm.s32 $0xFFFFFFFF;
	p2 =	slt.u32 s8, $0xFFFFF086  }
0x1c: {  	p1 =	slt.u32 s9, $0xF7A;
	s5 =	simm.s32 @!p2 $0x0  }
0x1d: {  	s5 =	simm.s32 @p1 $0x1;
	p0 =	seq.s32 s7, s2  }
0x1e: {  	s7 =	smul.u32 @!p0 $0xF7A, s2;
	p2 =	seq.s32 @!p0 s5, $0x0  }
0x1f: {  	s9 =	smul.u32 $0xF7A, s1;
	s8 =	simm.s32 @!p0 $0x1BF5;
	p2 =	por !p2, p0  }
0x20: {  	[sflag:s8] =	ssyncset.s32 @!p0 $0xFFFFF086;
	s6 =	sadd.s32 @!p0 s3, s7;
	s7 =	simm.s32 @!p0 $0x108  }
0x21: {  	s3 =	sadd.s32 s3, s9;
	s6 =	sadd.s32 @!p0 $0x88, s6;
	s7 =	simm.s32 @p2 $0x1082  }
0x22: {  	[simem:s7], [sflag:s8] =	dma.local @!p0 [hbm:s6], $0xF7A  }
0x23: {  	s9 =	sor.u32 $0xD0000000, s2;
	s6 =	simm.s32 $0x108;
	_ =	swait.ge @!p0 [sflag:s8], $0x0  }
0x24: {  	s3 =	sadd.s32 $0x88, s3;
	s6 =	simm.s32 @!p1 $0x1082;
	[sflag:s4] =	ssyncset.s32 $0xFFFFF086  }
0x25: {  	[simem:s6], [sflag:s4] =	dma.local [hbm:s3], $0xF7A  }
0x26: {  	[smem:$0x3F9B] =	sst s1;
	(tag) =	ssettag s2;
	_ =	strace s9  }
0x27: {  	s1 =	sld [smem:$0x3FAB]  }
0x28: {  	s2 =	sld [smem:$0x3FAC]  }
0x29: {  	s4 =	sld [smem:$0x3FAE]  }
0x2a: {  	p0 =	seq.s32 s5, $0x0;
	s5 =	sld [smem:$0x3FAF]  }
0x2b: {  	s6 =	sld [smem:$0x3FB0]  }
0x2c: {  	s7 =	sld [smem:$0x3FB1]  }
0x2d: {  	s3 =	simm.s32 $0x108;
	s8 =	sld [smem:$0x3FB2]  }
0x2e: {  	s3 =	simm.s32 @!p0 $0x1082;
	s9 =	sld [smem:$0x3FB3]  }
0x2f: {  	lr =	sadd.s32 s0, s3;
	s0 =	sld [smem:$0x3FAA]  }
0x30: {  	s3 =	sld [smem:$0x3FAD]  }
0x31: {  	[smem:$0x3FB6] =	sst s10  }
0x32: {  	s10 =	sld [smem:$0x3FB4];
	_ =	sdelay $0x3  }
0x33: {  	p0 =	seq.s32 s10, $0x1;
	s10 =	sld [smem:$0x3FB6];
	_ =	sdelay $0x3  }
0x34: {  	[smem:$0x3FB6] =	sst s10  }
0x35: {  	s10 =	sld [smem:$0x3FB5];
	_ =	sdelay $0x3  }
0x36: {  	p1 =	seq.s32 s10, $0x1;
	s10 =	sld [smem:$0x3FB6];
	_ =	sdelay $0x3  }
0x37: {  	[smem:$0x3FB6] =	sst s10  }
0x38: {  	s10 =	sld [smem:$0x3FB7]  }
0x39: {  	_ = 	snop;
	(pc) =	sbr.ind lr, $3  }
0x3a: {  	_ = 	snop  }
0x3b: {  	_ = 	snop  }
0x3c: {  	p2 =	seq.s32 s10, $0x1;
	s10 =	sld [smem:$0x3FB6]  }
0x3d: {  	_ =	shalt  }
0x3e: {  	_ =	shalt  }
0x3f: {  	_ =	shalt  }
0x40: {  	_ =	shalt  }
0x41: {  	_ =	shalt  }
0x42: {  	_ =	shalt  }
0x43: {  	_ =	shalt  }
0x44: {  	_ =	shalt  }
0x45: {  	_ =	shalt  }
0x46: {  	_ =	shalt  }
0x47: {  	_ =	shalt  }
0x48: {  	_ =	shalt  }
0x49: {  	_ =	shalt  }
0x4a: {  	_ =	shalt  }
0x4b: {  	_ =	shalt  }
0x4c: {  	_ =	shalt  }
0x4d: {  	_ =	shalt  }
0x4e: {  	_ =	shalt  }
0x4f: {  	_ =	shalt  }
0x50: {  	_ =	shalt  }
0x51: {  	_ =	shalt  }
0x52: {  	_ =	shalt  }
0x53: {  	_ =	shalt  }
0x54: {  	_ =	shalt  }
0x55: {  	_ =	shalt  }
0x56: {  	_ =	shalt  }
0x57: {  	_ =	shalt  }
0x58: {  	_ =	shalt  }
0x59: {  	_ =	shalt  }
0x5a: {  	_ =	shalt  }
0x5b: {  	_ =	shalt  }
0x5c: {  	_ =	shalt  }
0x5d: {  	_ =	shalt  }
0x5e: {  	_ =	shalt  }
0x5f: {  	_ =	shalt  }
0x60: {  	_ =	shalt  }
0x61: {  	_ =	shalt  }
0x62: {  	_ =	shalt  }
0x63: {  	_ =	shalt  }
0x64: {  	_ =	shalt  }
0x65: {  	_ =	shalt  }
0x66: {  	_ =	shalt  }
0x67: {  	_ =	shalt  }
0x68: {  	_ =	shalt  }
0x69: {  	_ =	shalt  }
0x6a: {  	_ =	shalt  }
0x6b: {  	_ =	shalt  }
0x6c: {  	_ =	shalt  }
0x6d: {  	_ =	shalt  }
0x6e: {  	_ =	shalt  }
0x6f: {  	_ =	shalt  }
0x70: {  	_ =	shalt  }
0x71: {  	_ =	shalt  }
0x72: {  	_ =	shalt  }
0x73: {  	_ =	shalt  }
0x74: {  	_ =	shalt  }
0x75: {  	_ =	shalt  }
0x76: {  	_ =	shalt  }
0x77: {  	_ =	shalt  }
0x78: {  	_ =	shalt  }
0x79: {  	_ =	shalt  }
0x7a: {  	_ =	shalt  }
0x7b: {  	_ =	shalt  }
0x7c: {  	_ =	shalt  }
0x7d: {  	_ =	shalt  }
0x7e: {  	_ =	shalt  }
0x7f: {  	_ =	shalt  }
0x80: {  	_ =	shalt  }
0x81: {  	_ =	shalt  }
0x82: {  	_ =	shalt  }
0x83: {  	_ =	shalt  }
0x84: {  	_ =	shalt  }
0x85: {  	_ =	shalt  }
0x86: {  	_ =	shalt  }
0x87: {  	_ =	shalt  }
.Lfunc_end0:
.L_simem_size_0:
called_computation.1_lowered:
.L_overlay_start_0:
0x88: {  	s2 =	sld [smem:$0x3FD9]  }
0x89: {  	s3 =	sld [smem:$0x3FFE];
	_ =	sdelay $0x1  }
0x8a: {  	s1 =	srdreg.scid  }
0x8b: {  	s0 =	sand.u32 $0x1, s1  }
0x8c: {  	s17 =	sshll.u32 s0, $0xA;
	s2 =	sadd.s32 s3, s2  }
0x8d: {  	s2 =	sadd.s32 s2, s17  }
0x8e: {  	[smem:$0x3FC2] =	sst s2  }
0x8f: {  	_ = 	snop  }
0x90: {  	s2 =	sld [smem:$0x3FD0];
	(tm) =	ssettm $0x1  }
0x91: {  	s18 =	sld [smem:$0x3FFB];
	_ =	sdelay $0x3  }
0x92: {  	_ =	strace s18  }
0x93: {  	s3 =	sld [smem:$0x3FFC];
	_ =	sdelay $0x3  }
0x94: {  	_ =	strace s3  }
0x95: {  	s3 =	sld [smem:$0x3FFD];
	_ =	sdelay $0x3  }
0x96: {  	_ =	strace s3  }
0x97: {  	_ =	strace $0x8FFFFFFF  }
0x98: {  	s19 =	sld [smem:$0x3FDB];
	_ =	sdelay $0x1  }
0x99: {  	s4 =	simm.s32 $_scs_section_size  }
0x9a: {  	s5 =	simm.s32 $_size__tile_overlayer_lowered;
	s6 =	simm.s32 $_tile_overlayer_lowered  }
0x9b: {  	s22 =	simm.s32 $0x1BFF;
	s21 =	sshll.u32 s6, $0x1;
	s3 =	sadd.s32 s4, s19  }
0x9c: {  	s7 =	simm.s32 $0x0;
	s20 =	sshll.u32 s5, $0x1;
	s5 =	sadd.s32 s21, s3  }
0x9d: {  	[timem:s7], [sflag:s22] =	dma.local [hbm:s5], s20  }
0x9e: {  	_ =	swait.ge [sflag:s22], s20  }
0x9f: {  	s4 =	ssub.s32 $0x0, s20;
	[sflag:s22] =	ssyncset.done $0x0  }
0xa0: {  	[sflag:s22] =	ssyncadd.s32 s4;
	_ =	sdelay $0x1  }
0xa1: {  	s23 =	simm.s32 $0x1B8B  }
0xa2: {  	_ =	swait.ge [sflag:s23], $0x1  }
0xa3: {  	[sflag:s23] =	ssyncset.done $0x0  }
0xa4: {  	s25 =	simm.s32 $0x1B8E;
	s24 =	sld [smem:$0x3FFE];
	[sflag:s23] =	ssyncadd.s32 $0xFFFFFFFF  }
0xa5: {  	s26 =	simm.s32 $execute0_lowered;
	[smem:$0x3FD2] =	sst s25  }
0xa6: {  	s5 =	sshll.u32 s26, $0x1;
	_ =	strace $0x80000049;
	[dreg:$0x1] =	wrdreg $0xFFFFFFFF  }
0xa7: {  	s28 =	simm.s32 $_size_execute0_lowered;
	s3 =	sadd.s32 s3, s5;
	[dreg:$0x0] =	wrdreg $0x0  }
0xa8: {  	s5 =	sshll.u32 s28, $0x1;
	[dreg:$0x2] =	wrdreg s3  }
0xa9: {  	[dreg:$0x3] =	wrdreg s5  }
0xaa: {  	[dreg:$0x4] =	wrdreg $0xC0  }
0xab: {  	_ =	task [dreg:s7], $0x5FFFF  }
0xac: {  	[dreg:$0x1] =	wrdreg $0xFFFFFFFF  }
0xad: {  	[dreg:$0x0] =	wrdreg $0x60  }
0xae: {  	[dreg:$0x2] =	wrdreg s24  }
0xaf: {  	[dreg:$0x3] =	wrdreg s2  }
0xb0: {  	[dreg:$0x4] =	wrdreg $0x50000  }
0xb1: {  	[dreg:$0x5] =	wrdreg $0xA0000  }
0xb2: {  	[dreg:$0x6] =	wrdreg $0x9  }
0xb3: {  	_ =	task.clear_ibuf [dreg:s7], $0x7FFFF;
	_ =	strace $0x90000049  }
0xb4: {  	s29 =	simm.s32 $0x9;
	_ =	strace $0x8000004B  }
0xb5: {  	_ =	swait.ge [sflag:s29], $0x1  }
0xb6: {  	[sflag:s29] =	ssyncadd.s32 $0xFFFFFFFF  }
0xb7: {  	_ =	strace $0x9000004B  }
0xb8: {  	_ =	sfence  }
0xb9: {  	s30 =	sld [smem:$0x0];
	_ =	sdelay $0x2  }
0xba: {  	s31 =	sshll.u32 s1, $0xD;
	s1 =	sshrl.u32 s1, $0x2  }
0xbb: {  	s3 =	sand.u32 $0x4000, s31;
	s1 =	sadd.s32 s1, s30  }
0xbc: {  	s0 =	sor.u32 s3, s0;
	s1 =	sshll.u32 s1, $0x11  }
0xbd: {  	s0 =	sor.u32 s1, s0  }
0xbe: {  	s0 =	sadd.s32 $0x8F2B, s0  }
0xbf: {  	[sflag:s0] =	ssyncadd.remote.s32 $0x1  }
0xc0: {  	_ =	sfence.sel $0xFFFF  }
0xc1: {  	[dreg:$0x0] =	wrdreg $0xFFFFFFFF;
	(pc) =	sbr.abs _section_cstart, $3  }
0xc2: {  	[dreg:$0x1] =	wrdreg $0xFFFFFFFF  }
0xc3: {  	_ =	task.clear_ibuf [dreg:s7], $0x2FFFF;
	_ =	strace $0x9FFFFFFF  }
0xc4: {  	(tm) =	ssettm $0x7FFFFFFF  }
0xc5: {  	_ =	shalt  }
tec
execute0_lowered:
.L_overlay_start_1:
0x0: {  	(tag) =	ssettag $0x1  }
0x1: {  	s0 =	rddreg [dreg:$0x0]  }
0x2: {  	s1 =	rddreg [dreg:$0x1]  }
0x3: {  	s2 =	rddreg [dreg:$0x2]  }
0x4: {  	s3 =	rddreg [dreg:$0x3];
	s11 =	stileid.u32  }
0x5: {  	s6 =	srdreg.scid;
	s4 =	simm.s32 $0x0;
	s14 =	simm.s32 $0x880  }
0x6: {  	s15 =	simm.s32 $0x280;
	s16 =	simm.s32 $0x900;
	s17 =	simm.s32 $0x300  }
0x7: {  	s18 =	simm.s32 $0x980;
	s19 =	simm.s32 $0x380;
	s20 =	simm.s32 $0xA00  }
0x8: {  	s21 =	simm.s32 $0x400;
	s22 =	simm.s32 $0xA80;
	[smem:$0x7FF] =	sst s4  }
0x9: {  	s23 =	simm.s32 $0x480;
	_ =	strace $0x8000004A;
	[dreg:$0xa] =	wrdreg s14  }
0xa: {  	s28 =	simm.s32 $0x680;
	s29 =	simm.s32 $0xD00;
	[dreg:$0xb] =	wrdreg s15  }
0xb: {  	s30 =	simm.s32 $0x700;
	s5 =	smul.u32 $0xA00, s11;
	[dreg:$0xc] =	wrdreg s16  }
0xc: {  	s31 =	simm.s32 $0xD80;
	s7 =	smul.u32 $0xA000, s11;
	[dreg:$0xd] =	wrdreg s17  }
0xd: {  	s6 =	sand.u32 $0x1, s6;
	s11 =	sshll.u32 s11, $0x6;
	[dreg:$0xe] =	wrdreg s18  }
0xe: {  	s8 =	smul.u32 $0xA0000, s6;
	s6 =	ssub.s32 $0x2, s6;
	[dreg:$0xf] =	wrdreg s19  }
0xf: {  	s14 =	simm.s32 $0x80;
	s15 =	simm.s32 $0x1000;
	[dreg:$0x10] =	wrdreg s20  }
0x10: {  	s16 =	simm.s32 $0x2000;
	s17 =	simm.s32 $0x3000;
	[dreg:$0x11] =	wrdreg s21  }
0x11: {  	s18 =	simm.s32 $0x4000;
	s19 =	simm.s32 $0x1;
	[dreg:$0x12] =	wrdreg s22  }
0x12: {  	s20 =	simm.s32 $0x2;
	[dreg:$0x13] =	wrdreg s23;
	s21 =	simm.s32 $0x3  }
0x13: {  	s22 =	simm.s32 $0x4;
	s23 =	simm.s32 $0x580;
	s9 =	sadd.s32 s5, s0  }
0x14: {  	s10 =	sshrl.u32 s7, $0x4;
	s24 =	sshrl.u32 s6, $0x1;
	s1 =	sadd.s32 s5, s1  }
0x15: {  	s5 =	simm.s32 $0x100;
	s8 =	sadd.s32 s7, s8;
	s10 =	sadd.s32 s10, s0  }
0x16: {  	s7 =	sshrl.u32 s7, $0x1;
	s6 =	ssub.s32 s6, s24;
	[dreg:$0x6] =	wrdreg s1  }
0x17: {  	s9 =	sadd.s32 $0x2800, s9;
	[dreg:$0x7] =	wrdreg s5;
	s24 =	simm.s32 $0xB00  }
0x18: {  	s1 =	simm.s32 $0xE00;
	s5 =	simm.s32 $0xE80;
	[dreg:$0x5] =	wrdreg s9  }
0x19: {  	s8 =	sshrl.u32 s8, $0x4;
	s26 =	sadd.s32 $0xE200, s10;
	[dreg:$0x14] =	wrdreg s24  }
0x1a: {  	s25 =	sadd.s32 s7, s2;
	s10 =	smax.u32 s6, $0x1;
	[dreg:$0x19] =	wrdreg s26  }
0x1b: {  	s7 =	sadd.s32 s7, s3;
	s9 =	simm.s32 $0x180;
	[dreg:$0x1b] =	wrdreg s10  }
0x1c: {  	s24 =	simm.s32 $0xC00;
	[dreg:$0x8] =	wrdreg s9;
	s13 =	sshrl.u32 s25, $0x3  }
0x1d: {  	s0 =	sadd.s32 s8, s0;
	s25 =	simm.s32 $0x500;
	[dreg:$0x1c] =	wrdreg s13  }
0x1e: {  	s10 =	sshrl.u32 s7, $0x3;
	s26 =	simm.s32 $0xB80;
	[dreg:$0x15] =	wrdreg s25  }
0x1f: {  	s7 =	simm.s32 $0xF00;
	s8 =	simm.s32 $0xF80;
	[dreg:$0x16] =	wrdreg s26  }
0x20: {  	s9 =	simm.s32 $0x0;
	s12 =	sadd.s32 $0x18200, s0;
	[dreg:$0x1d] =	wrdreg s10  }
0x21: {  	s0 =	sadd.s32 $0x2C200, s0;
	s13 =	simm.s32 $0x800;
	[dreg:$0x17] =	wrdreg s12  }
0x22: {  	s12 =	sor.u32 $0x1C05, s11;
	[dreg:$0x1a] =	wrdreg s0;
	s11 =	simm.s32 $0x200  }
0x23: {  	s25 =	simm.s32 $0x600;
	s26 =	simm.s32 $0xC80;
	[dreg:$0x9] =	wrdreg s11  }
0x24: {  	s0 =	simm.s32 $0x780;
	s11 =	simm.s32 $0x5;
	[dreg:$0x18] =	wrdreg s12  }
.LBB2_1:
0x25: {  	[dreg:$0x1e] =	wrdreg s9  }
0x26: {  	s6 =	rddreg [dreg:$0x17]  }
0x27: {  	s9 =	rddreg [dreg:$0x1c]  }
0x28: {  	[spmem:s9], [sflag:s12] =	dma.local [hbm:s6], $0xA00  }
0x29: {  	_ =	swait.ge [sflag:s11], $0xA00  }
0x2a: {  	[sflag:s11] =	ssyncset.done $0x0  }
0x2b: {  	s9 =	rddreg [dreg:$0x19];
	[sflag:s11] =	ssyncadd.s32 $0xFFFFF600  }
0x2c: {  	[spmem:s10], [sflag:s12] =	dma.local [hbm:s9], $0xA00  }
0x2d: {  	_ =	swait.ge [sflag:s11], $0xA00  }
0x2e: {  	[sflag:s11] =	ssyncset.done $0x0  }
0x2f: {  	[sflag:s11] =	ssyncadd.s32 $0xFFFFF600  }
0x30: {  	[bflag:$0x0] =	sbarrier.arrive $0xFFFF  }
0x31: {  	s9 =	rddreg [dreg:$0x6]  }
0x32: {  	s6 =	sadd.s32 $0x0, s9  }
0x33: {  	[tilespmem:s4], [sflag:$0x5] =	stream.linear.gather [hbm4b:s6+s4], $0x800, $0x38;
	[tilespmem:$0xF000] =	vst v63  }
0x34: {  	_ =	swait.ge [sflag:s11], $0x800  }
0x35: {  	s10 =	rddreg [dreg:$0x5];
	[sflag:s11] =	ssyncset.done $0x0  }
0x36: {  	[sflag:s11] =	ssyncadd.s32 $0xFFFFF800;
	s6 =	sadd.s32 $0x0, s10  }
0x37: {  	[tilespmem:s13], [sflag:$0x5] =	stream.linear.gather [hbm4b:s6+s4], $0x800, $0x38;
	[tilespmem:$0xF000] =	vst v63  }
0x38: {  	_ =	swait.ge [sflag:s11], $0x800  }
0x39: {  	[sflag:s11] =	ssyncset.done $0x0  }
0x3a: {  	[sflag:s11] =	ssyncadd.s32 $0xFFFFF800  }
0x3b: {  	[tilespmem:s15], [sflag:$0x1] =	stream.indirect.gather [spmem:s2], $0x20, s4, s14, $0xb8;
	[tilespmem:$0xF000] =	vst v63  }
0x3c: {  	_ = 	snop  }
0x3d: {  	[tilespmem:s16], [sflag:$0x2] =	stream.indirect.gather [spmem:s2], $0x20, s14, s14, $0xb8;
	[tilespmem:$0xF000] =	vst v63  }
0x3e: {  	s12 =	rddreg [dreg:$0x7]  }
0x3f: {  	[tilespmem:s17], [sflag:$0x3] =	stream.indirect.gather [spmem:s2], $0x20, s12, s14, $0xb8;
	[tilespmem:$0xF000] =	vst v63  }
0x40: {  	s9 =	rddreg [dreg:$0x8]  }
0x41: {  	[tilespmem:s18], [sflag:$0x4] =	stream.indirect.gather [spmem:s2], $0x20, s9, s14, $0xb8;
	[tilespmem:$0xF000] =	vst v63  }
0x42: {  	_ =	swait.ge [sflag:s19], $0x1000  }
0x43: {  	[sflag:s19] =	ssyncset.done $0x0  }
0x44: {  	[sflag:s19] =	ssyncadd.s32 $0xFFFFF000  }
0x45: {  	[spmem:s3] =	stream.indirect.scatter.add.bf16 [tilespmem:s15], [sflag:$0x5], $0x20, s13, s14, $0xb8;
	[tilespmem:$0xF000] =	vst v63  }
0x46: {  	_ =	swait.ge [sflag:s11], $0x1000  }
0x47: {  	[sflag:s11] =	ssyncset.done $0x0  }
0x48: {  	s10 =	rddreg [dreg:$0x9];
	[sflag:s11] =	ssyncadd.s32 $0xFFFFF000  }
0x49: {  	[tilespmem:s15], [sflag:$0x1] =	stream.indirect.gather [spmem:s2], $0x20, s10, s14, $0xb8;
	[tilespmem:$0xF000] =	vst v63  }
0x4a: {  	_ =	swait.ge [sflag:s20], $0x1000  }
0x4b: {  	[sflag:s20] =	ssyncset.done $0x0  }
0x4c: {  	s12 =	rddreg [dreg:$0xa];
	[sflag:s20] =	ssyncadd.s32 $0xFFFFF000  }
0x4d: {  	[spmem:s3] =	stream.indirect.scatter.add.bf16 [tilespmem:s16], [sflag:$0x5], $0x20, s12, s14, $0xb8;
	[tilespmem:$0xF000] =	vst v63  }
0x4e: {  	_ =	swait.ge [sflag:s11], $0x1000  }
0x4f: {  	[sflag:s11] =	ssyncset.done $0x0  }
0x50: {  	s9 =	rddreg [dreg:$0xb];
	[sflag:s11] =	ssyncadd.s32 $0xFFFFF000  }
0x51: {  	[tilespmem:s16], [sflag:$0x2] =	stream.indirect.gather [spmem:s2], $0x20, s9, s14, $0xb8;
	[tilespmem:$0xF000] =	vst v63  }
0x52: {  	_ =	swait.ge [sflag:s21], $0x1000  }
0x53: {  	[sflag:s21] =	ssyncset.done $0x0  }
0x54: {  	s10 =	rddreg [dreg:$0xc];
	[sflag:s21] =	ssyncadd.s32 $0xFFFFF000  }
0x55: {  	[spmem:s3] =	stream.indirect.scatter.add.bf16 [tilespmem:s17], [sflag:$0x5], $0x20, s10, s14, $0xb8;
	[tilespmem:$0xF000] =	vst v63  }
0x56: {  	_ =	swait.ge [sflag:s11], $0x1000  }
0x57: {  	[sflag:s11] =	ssyncset.done $0x0  }
0x58: {  	s12 =	rddreg [dreg:$0xd];
	[sflag:s11] =	ssyncadd.s32 $0xFFFFF000  }
0x59: {  	[tilespmem:s17], [sflag:$0x3] =	stream.indirect.gather [spmem:s2], $0x20, s12, s14, $0xb8;
	[tilespmem:$0xF000] =	vst v63  }
0x5a: {  	_ =	swait.ge [sflag:s22], $0x1000  }
0x5b: {  	[sflag:s22] =	ssyncset.done $0x0  }
0x5c: {  	s9 =	rddreg [dreg:$0xe];
	[sflag:s22] =	ssyncadd.s32 $0xFFFFF000  }
0x5d: {  	[spmem:s3] =	stream.indirect.scatter.add.bf16 [tilespmem:s18], [sflag:$0x5], $0x20, s9, s14, $0xb8;
	[tilespmem:$0xF000] =	vst v63  }
0x5e: {  	_ =	swait.ge [sflag:s11], $0x1000  }
0x5f: {  	[sflag:s11] =	ssyncset.done $0x0  }
0x60: {  	s10 =	rddreg [dreg:$0xf];
	[sflag:s11] =	ssyncadd.s32 $0xFFFFF000  }
0x61: {  	[tilespmem:s18], [sflag:$0x4] =	stream.indirect.gather [spmem:s2], $0x20, s10, s14, $0xb8;
	[tilespmem:$0xF000] =	vst v63  }
0x62: {  	_ =	swait.ge [sflag:s19], $0x1000  }
0x63: {  	[sflag:s19] =	ssyncset.done $0x0  }
0x64: {  	s12 =	rddreg [dreg:$0x10];
	[sflag:s19] =	ssyncadd.s32 $0xFFFFF000  }
0x65: {  	[spmem:s3] =	stream.indirect.scatter.add.bf16 [tilespmem:s15], [sflag:$0x5], $0x20, s12, s14, $0xb8;
	[tilespmem:$0xF000] =	vst v63  }
0x66: {  	_ =	swait.ge [sflag:s11], $0x1000  }
0x67: {  	[sflag:s11] =	ssyncset.done $0x0  }
0x68: {  	s9 =	rddreg [dreg:$0x11];
	[sflag:s11] =	ssyncadd.s32 $0xFFFFF000  }
0x69: {  	[tilespmem:s15], [sflag:$0x1] =	stream.indirect.gather [spmem:s2], $0x20, s9, s14, $0xb8;
	[tilespmem:$0xF000] =	vst v63  }
0x6a: {  	_ =	swait.ge [sflag:s20], $0x1000  }
0x6b: {  	[sflag:s20] =	ssyncset.done $0x0  }
0x6c: {  	s10 =	rddreg [dreg:$0x12];
	[sflag:s20] =	ssyncadd.s32 $0xFFFFF000  }
0x6d: {  	[spmem:s3] =	stream.indirect.scatter.add.bf16 [tilespmem:s16], [sflag:$0x5], $0x20, s10, s14, $0xb8;
	[tilespmem:$0xF000] =	vst v63  }
0x6e: {  	_ =	swait.ge [sflag:s11], $0x1000  }
0x6f: {  	[sflag:s11] =	ssyncset.done $0x0  }
0x70: {  	s12 =	rddreg [dreg:$0x13];
	[sflag:s11] =	ssyncadd.s32 $0xFFFFF000  }
0x71: {  	[tilespmem:s16], [sflag:$0x2] =	stream.indirect.gather [spmem:s2], $0x20, s12, s14, $0xb8;
	[tilespmem:$0xF000] =	vst v63  }
0x72: {  	_ =	swait.ge [sflag:s21], $0x1000  }
0x73: {  	[sflag:s21] =	ssyncset.done $0x0  }
0x74: {  	s9 =	rddreg [dreg:$0x14];
	[sflag:s21] =	ssyncadd.s32 $0xFFFFF000  }
0x75: {  	[spmem:s3] =	stream.indirect.scatter.add.bf16 [tilespmem:s17], [sflag:$0x5], $0x20, s9, s14, $0xb8;
	[tilespmem:$0xF000] =	vst v63  }
0x76: {  	_ =	swait.ge [sflag:s11], $0x1000  }
0x77: {  	[sflag:s11] =	ssyncset.done $0x0  }
0x78: {  	s10 =	rddreg [dreg:$0x15];
	[sflag:s11] =	ssyncadd.s32 $0xFFFFF000  }
0x79: {  	[tilespmem:s17], [sflag:$0x3] =	stream.indirect.gather [spmem:s2], $0x20, s10, s14, $0xb8;
	[tilespmem:$0xF000] =	vst v63  }
0x7a: {  	_ =	swait.ge [sflag:s22], $0x1000  }
0x7b: {  	[sflag:s22] =	ssyncset.done $0x0  }
0x7c: {  	s12 =	rddreg [dreg:$0x16];
	[sflag:s22] =	ssyncadd.s32 $0xFFFFF000  }
0x7d: {  	[spmem:s3] =	stream.indirect.scatter.add.bf16 [tilespmem:s18], [sflag:$0x5], $0x20, s12, s14, $0xb8;
	[tilespmem:$0xF000] =	vst v63  }
0x7e: {  	_ =	swait.ge [sflag:s11], $0x1000  }
0x7f: {  	[sflag:s11] =	ssyncset.done $0x0  }
0x80: {  	[sflag:s11] =	ssyncadd.s32 $0xFFFFF000  }
0x81: {  	[tilespmem:s18], [sflag:$0x4] =	stream.indirect.gather [spmem:s2], $0x20, s23, s14, $0xb8;
	[tilespmem:$0xF000] =	vst v63  }
0x82: {  	_ =	swait.ge [sflag:s19], $0x1000  }
0x83: {  	[sflag:s19] =	ssyncset.done $0x0  }
0x84: {  	[sflag:s19] =	ssyncadd.s32 $0xFFFFF000  }
0x85: {  	[spmem:s3] =	stream.indirect.scatter.add.bf16 [tilespmem:s15], [sflag:$0x5], $0x20, s24, s14, $0xb8;
	[tilespmem:$0xF000] =	vst v63  }
0x86: {  	_ =	swait.ge [sflag:s11], $0x1000  }
0x87: {  	[sflag:s11] =	ssyncset.done $0x0  }
0x88: {  	[sflag:s11] =	ssyncadd.s32 $0xFFFFF000  }
0x89: {  	[tilespmem:s15], [sflag:$0x1] =	stream.indirect.gather [spmem:s2], $0x20, s25, s14, $0xb8;
	[tilespmem:$0xF000] =	vst v63  }
0x8a: {  	_ =	swait.ge [sflag:s20], $0x1000  }
0x8b: {  	[sflag:s20] =	ssyncset.done $0x0  }
0x8c: {  	[sflag:s20] =	ssyncadd.s32 $0xFFFFF000  }
0x8d: {  	[spmem:s3] =	stream.indirect.scatter.add.bf16 [tilespmem:s16], [sflag:$0x5], $0x20, s26, s14, $0xb8;
	[tilespmem:$0xF000] =	vst v63  }
0x8e: {  	_ =	swait.ge [sflag:s11], $0x1000  }
0x8f: {  	[sflag:s11] =	ssyncset.done $0x0  }
0x90: {  	[sflag:s11] =	ssyncadd.s32 $0xFFFFF000  }
0x91: {  	[tilespmem:s16], [sflag:$0x2] =	stream.indirect.gather [spmem:s2], $0x20, s28, s14, $0xb8;
	[tilespmem:$0xF000] =	vst v63  }
0x92: {  	_ =	swait.ge [sflag:s21], $0x1000  }
0x93: {  	[sflag:s21] =	ssyncset.done $0x0  }
0x94: {  	[sflag:s21] =	ssyncadd.s32 $0xFFFFF000  }
0x95: {  	[spmem:s3] =	stream.indirect.scatter.add.bf16 [tilespmem:s17], [sflag:$0x5], $0x20, s29, s14, $0xb8;
	[tilespmem:$0xF000] =	vst v63  }
0x96: {  	_ =	swait.ge [sflag:s11], $0x1000  }
0x97: {  	[sflag:s11] =	ssyncset.done $0x0  }
0x98: {  	[sflag:s11] =	ssyncadd.s32 $0xFFFFF000  }
0x99: {  	[tilespmem:s17], [sflag:$0x3] =	stream.indirect.gather [spmem:s2], $0x20, s30, s14, $0xb8;
	[tilespmem:$0xF000] =	vst v63  }
0x9a: {  	_ =	swait.ge [sflag:s22], $0x1000  }
0x9b: {  	[sflag:s22] =	ssyncset.done $0x0  }
0x9c: {  	[sflag:s22] =	ssyncadd.s32 $0xFFFFF000  }
0x9d: {  	[spmem:s3] =	stream.indirect.scatter.add.bf16 [tilespmem:s18], [sflag:$0x5], $0x20, s31, s14, $0xb8;
	[tilespmem:$0xF000] =	vst v63  }
0x9e: {  	_ =	swait.ge [sflag:s11], $0x1000  }
0x9f: {  	[sflag:s11] =	ssyncset.done $0x0  }
0xa0: {  	[sflag:s11] =	ssyncadd.s32 $0xFFFFF000  }
0xa1: {  	[tilespmem:s18], [sflag:$0x4] =	stream.indirect.gather [spmem:s2], $0x20, s0, s14, $0xb8;
	[tilespmem:$0xF000] =	vst v63  }
0xa2: {  	_ =	swait.ge [sflag:s19], $0x1000  }
0xa3: {  	[sflag:s19] =	ssyncset.done $0x0  }
0xa4: {  	[sflag:s19] =	ssyncadd.s32 $0xFFFFF000  }
0xa5: {  	[spmem:s3] =	stream.indirect.scatter.add.bf16 [tilespmem:s15], [sflag:$0x5], $0x20, s1, s14, $0xb8;
	[tilespmem:$0xF000] =	vst v63  }
0xa6: {  	_ =	swait.ge [sflag:s11], $0x1000  }
0xa7: {  	[sflag:s11] =	ssyncset.done $0x0  }
0xa8: {  	[sflag:s11] =	ssyncadd.s32 $0xFFFFF000  }
0xa9: {  	_ =	swait.ge [sflag:s20], $0x1000  }
0xaa: {  	[sflag:s20] =	ssyncset.done $0x0  }
0xab: {  	[sflag:s20] =	ssyncadd.s32 $0xFFFFF000  }
0xac: {  	[spmem:s3] =	stream.indirect.scatter.add.bf16 [tilespmem:s16], [sflag:$0x5], $0x20, s5, s14, $0xb8;
	[tilespmem:$0xF000] =	vst v63  }
0xad: {  	_ =	swait.ge [sflag:s11], $0x1000  }
0xae: {  	[sflag:s11] =	ssyncset.done $0x0  }
0xaf: {  	[sflag:s11] =	ssyncadd.s32 $0xFFFFF000  }
0xb0: {  	_ =	swait.ge [sflag:s21], $0x1000  }
0xb1: {  	[sflag:s21] =	ssyncset.done $0x0  }
0xb2: {  	[sflag:s21] =	ssyncadd.s32 $0xFFFFF000  }
0xb3: {  	[spmem:s3] =	stream.indirect.scatter.add.bf16 [tilespmem:s17], [sflag:$0x5], $0x20, s7, s14, $0xb8;
	[tilespmem:$0xF000] =	vst v63  }
0xb4: {  	_ =	swait.ge [sflag:s11], $0x1000  }
0xb5: {  	[sflag:s11] =	ssyncset.done $0x0  }
0xb6: {  	[sflag:s11] =	ssyncadd.s32 $0xFFFFF000  }
0xb7: {  	_ =	swait.ge [sflag:s22], $0x1000  }
0xb8: {  	[sflag:s22] =	ssyncset.done $0x0  }
0xb9: {  	[sflag:s22] =	ssyncadd.s32 $0xFFFFF000  }
0xba: {  	[spmem:s3] =	stream.indirect.scatter.add.bf16 [tilespmem:s18], [sflag:$0x5], $0x20, s8, s14, $0xb8;
	[tilespmem:$0xF000] =	vst v63  }
0xbb: {  	s10 =	simm.s32 $0x100;
	_ =	swait.ge [sflag:s11], $0x1000  }
0xbc: {  	s12 =	simm.s32 $0x200;
	s6 =	rddreg [dreg:$0x6];
	[sflag:s11] =	ssyncset.done $0x0  }
.LBB2_2:
0xbd: {  	[sflag:s11] =	ssyncadd.s32 $0xFFFFF000;
	s6 =	sadd.s32 s10, s6  }
0xbe: {  	[tilespmem:s4], [sflag:$0x5] =	stream.linear.gather [hbm4b:s6+s4], $0x800, $0x38;
	[tilespmem:$0xF000] =	vst v63  }
0xbf: {  	_ =	swait.ge [sflag:s11], $0x800  }
0xc0: {  	s6 =	rddreg [dreg:$0x5];
	[sflag:s11] =	ssyncset.done $0x0  }
0xc1: {  	[sflag:s11] =	ssyncadd.s32 $0xFFFFF800;
	s6 =	sadd.s32 s10, s6  }
0xc2: {  	[tilespmem:s13], [sflag:$0x5] =	stream.linear.gather [hbm4b:s6+s4], $0x800, $0x38;
	[tilespmem:$0xF000] =	vst v63  }
0xc3: {  	_ =	swait.ge [sflag:s11], $0x800  }
0xc4: {  	[sflag:s11] =	ssyncset.done $0x0  }
0xc5: {  	[sflag:s11] =	ssyncadd.s32 $0xFFFFF800  }
0xc6: {  	[tilespmem:s15], [sflag:$0x1] =	stream.indirect.gather [spmem:s2], $0x20, s4, s14, $0xb8;
	[tilespmem:$0xF000] =	vst v63  }
0xc7: {  	_ = 	snop  }
0xc8: {  	[tilespmem:s16], [sflag:$0x2] =	stream.indirect.gather [spmem:s2], $0x20, s14, s14, $0xb8;
	[tilespmem:$0xF000] =	vst v63  }
0xc9: {  	s9 =	smov.u32 s12;
	s6 =	rddreg [dreg:$0x7]  }
0xca: {  	[tilespmem:s17], [sflag:$0x3] =	stream.indirect.gather [spmem:s2], $0x20, s6, s14, $0xb8;
	[tilespmem:$0xF000] =	vst v63  }
0xcb: {  	s10 =	smov.u32 s9;
	s9 =	rddreg [dreg:$0x8]  }
0xcc: {  	[tilespmem:s18], [sflag:$0x4] =	stream.indirect.gather [spmem:s2], $0x20, s9, s14, $0xb8;
	[tilespmem:$0xF000] =	vst v63  }
0xcd: {  	_ =	swait.ge [sflag:s19], $0x1000  }
0xce: {  	[sflag:s19] =	ssyncset.done $0x0  }
0xcf: {  	[sflag:s19] =	ssyncadd.s32 $0xFFFFF000  }
0xd0: {  	[spmem:s3] =	stream.indirect.scatter.add.bf16 [tilespmem:s15], [sflag:$0x5], $0x20, s13, s14, $0xb8;
	[tilespmem:$0xF000] =	vst v63  }
0xd1: {  	_ =	swait.ge [sflag:s11], $0x1000  }
0xd2: {  	[sflag:s11] =	ssyncset.done $0x0  }
0xd3: {  	s9 =	rddreg [dreg:$0x9];
	[sflag:s11] =	ssyncadd.s32 $0xFFFFF000  }
0xd4: {  	[tilespmem:s15], [sflag:$0x1] =	stream.indirect.gather [spmem:s2], $0x20, s9, s14, $0xb8;
	[tilespmem:$0xF000] =	vst v63  }
0xd5: {  	_ =	swait.ge [sflag:s20], $0x1000  }
0xd6: {  	[sflag:s20] =	ssyncset.done $0x0  }
0xd7: {  	s9 =	rddreg [dreg:$0xa];
	[sflag:s20] =	ssyncadd.s32 $0xFFFFF000  }
0xd8: {  	[spmem:s3] =	stream.indirect.scatter.add.bf16 [tilespmem:s16], [sflag:$0x5], $0x20, s9, s14, $0xb8;
	[tilespmem:$0xF000] =	vst v63  }
0xd9: {  	_ =	swait.ge [sflag:s11], $0x1000  }
0xda: {  	[sflag:s11] =	ssyncset.done $0x0  }
0xdb: {  	s9 =	rddreg [dreg:$0xb];
	[sflag:s11] =	ssyncadd.s32 $0xFFFFF000  }
0xdc: {  	[tilespmem:s16], [sflag:$0x2] =	stream.indirect.gather [spmem:s2], $0x20, s9, s14, $0xb8;
	[tilespmem:$0xF000] =	vst v63  }
0xdd: {  	_ =	swait.ge [sflag:s21], $0x1000  }
0xde: {  	[sflag:s21] =	ssyncset.done $0x0  }
0xdf: {  	s9 =	rddreg [dreg:$0xc];
	[sflag:s21] =	ssyncadd.s32 $0xFFFFF000  }
0xe0: {  	[spmem:s3] =	stream.indirect.scatter.add.bf16 [tilespmem:s17], [sflag:$0x5], $0x20, s9, s14, $0xb8;
	[tilespmem:$0xF000] =	vst v63  }
0xe1: {  	_ =	swait.ge [sflag:s11], $0x1000  }
0xe2: {  	[sflag:s11] =	ssyncset.done $0x0  }
0xe3: {  	s9 =	rddreg [dreg:$0xd];
	[sflag:s11] =	ssyncadd.s32 $0xFFFFF000  }
0xe4: {  	[tilespmem:s17], [sflag:$0x3] =	stream.indirect.gather [spmem:s2], $0x20, s9, s14, $0xb8;
	[tilespmem:$0xF000] =	vst v63  }
0xe5: {  	_ =	swait.ge [sflag:s22], $0x1000  }
0xe6: {  	[sflag:s22] =	ssyncset.done $0x0  }
0xe7: {  	s9 =	rddreg [dreg:$0xe];
	[sflag:s22] =	ssyncadd.s32 $0xFFFFF000  }
0xe8: {  	[spmem:s3] =	stream.indirect.scatter.add.bf16 [tilespmem:s18], [sflag:$0x5], $0x20, s9, s14, $0xb8;
	[tilespmem:$0xF000] =	vst v63  }
0xe9: {  	_ =	swait.ge [sflag:s11], $0x1000  }
0xea: {  	[sflag:s11] =	ssyncset.done $0x0  }
0xeb: {  	s9 =	rddreg [dreg:$0xf];
	[sflag:s11] =	ssyncadd.s32 $0xFFFFF000  }
0xec: {  	[tilespmem:s18], [sflag:$0x4] =	stream.indirect.gather [spmem:s2], $0x20, s9, s14, $0xb8;
	[tilespmem:$0xF000] =	vst v63  }
0xed: {  	_ =	swait.ge [sflag:s19], $0x1000  }
0xee: {  	[sflag:s19] =	ssyncset.done $0x0  }
0xef: {  	s9 =	rddreg [dreg:$0x10];
	[sflag:s19] =	ssyncadd.s32 $0xFFFFF000  }
0xf0: {  	[spmem:s3] =	stream.indirect.scatter.add.bf16 [tilespmem:s15], [sflag:$0x5], $0x20, s9, s14, $0xb8;
	[tilespmem:$0xF000] =	vst v63  }
0xf1: {  	_ =	swait.ge [sflag:s11], $0x1000  }
0xf2: {  	[sflag:s11] =	ssyncset.done $0x0  }
0xf3: {  	s9 =	rddreg [dreg:$0x11];
	[sflag:s11] =	ssyncadd.s32 $0xFFFFF000  }
0xf4: {  	[tilespmem:s15], [sflag:$0x1] =	stream.indirect.gather [spmem:s2], $0x20, s9, s14, $0xb8;
	[tilespmem:$0xF000] =	vst v63  }
0xf5: {  	_ =	swait.ge [sflag:s20], $0x1000  }
0xf6: {  	[sflag:s20] =	ssyncset.done $0x0  }
0xf7: {  	s9 =	rddreg [dreg:$0x12];
	[sflag:s20] =	ssyncadd.s32 $0xFFFFF000  }
0xf8: {  	[spmem:s3] =	stream.indirect.scatter.add.bf16 [tilespmem:s16], [sflag:$0x5], $0x20, s9, s14, $0xb8;
	[tilespmem:$0xF000] =	vst v63  }
0xf9: {  	_ =	swait.ge [sflag:s11], $0x1000  }
0xfa: {  	[sflag:s11] =	ssyncset.done $0x0  }
0xfb: {  	s9 =	rddreg [dreg:$0x13];
	[sflag:s11] =	ssyncadd.s32 $0xFFFFF000  }
0xfc: {  	[tilespmem:s16], [sflag:$0x2] =	stream.indirect.gather [spmem:s2], $0x20, s9, s14, $0xb8;
	[tilespmem:$0xF000] =	vst v63  }
0xfd: {  	_ =	swait.ge [sflag:s21], $0x1000  }
0xfe: {  	[sflag:s21] =	ssyncset.done $0x0  }
0xff: {  	s9 =	rddreg [dreg:$0x14];
	[sflag:s21] =	ssyncadd.s32 $0xFFFFF000  }
0x100: {  	[spmem:s3] =	stream.indirect.scatter.add.bf16 [tilespmem:s17], [sflag:$0x5], $0x20, s9, s14, $0xb8;
	[tilespmem:$0xF000] =	vst v63  }
0x101: {  	_ =	swait.ge [sflag:s11], $0x1000  }
0x102: {  	[sflag:s11] =	ssyncset.done $0x0  }
0x103: {  	s9 =	rddreg [dreg:$0x15];
	[sflag:s11] =	ssyncadd.s32 $0xFFFFF000  }
0x104: {  	[tilespmem:s17], [sflag:$0x3] =	stream.indirect.gather [spmem:s2], $0x20, s9, s14, $0xb8;
	[tilespmem:$0xF000] =	vst v63  }
0x105: {  	_ =	swait.ge [sflag:s22], $0x1000  }
0x106: {  	[sflag:s22] =	ssyncset.done $0x0  }
0x107: {  	s9 =	rddreg [dreg:$0x16];
	[sflag:s22] =	ssyncadd.s32 $0xFFFFF000  }
0x108: {  	[spmem:s3] =	stream.indirect.scatter.add.bf16 [tilespmem:s18], [sflag:$0x5], $0x20, s9, s14, $0xb8;
	[tilespmem:$0xF000] =	vst v63  }
0x109: {  	_ =	swait.ge [sflag:s11], $0x1000  }
0x10a: {  	[sflag:s11] =	ssyncset.done $0x0  }
0x10b: {  	[sflag:s11] =	ssyncadd.s32 $0xFFFFF000  }
0x10c: {  	[tilespmem:s18], [sflag:$0x4] =	stream.indirect.gather [spmem:s2], $0x20, s23, s14, $0xb8;
	[tilespmem:$0xF000] =	vst v63  }
0x10d: {  	_ =	swait.ge [sflag:s19], $0x1000  }
0x10e: {  	[sflag:s19] =	ssyncset.done $0x0  }
0x10f: {  	[sflag:s19] =	ssyncadd.s32 $0xFFFFF000  }
0x110: {  	[spmem:s3] =	stream.indirect.scatter.add.bf16 [tilespmem:s15], [sflag:$0x5], $0x20, s24, s14, $0xb8;
	[tilespmem:$0xF000] =	vst v63  }
0x111: {  	_ =	swait.ge [sflag:s11], $0x1000  }
0x112: {  	[sflag:s11] =	ssyncset.done $0x0  }
0x113: {  	[sflag:s11] =	ssyncadd.s32 $0xFFFFF000  }
0x114: {  	[tilespmem:s15], [sflag:$0x1] =	stream.indirect.gather [spmem:s2], $0x20, s25, s14, $0xb8;
	[tilespmem:$0xF000] =	vst v63  }
0x115: {  	_ =	swait.ge [sflag:s20], $0x1000  }
0x116: {  	[sflag:s20] =	ssyncset.done $0x0  }
0x117: {  	[sflag:s20] =	ssyncadd.s32 $0xFFFFF000  }
0x118: {  	[spmem:s3] =	stream.indirect.scatter.add.bf16 [tilespmem:s16], [sflag:$0x5], $0x20, s26, s14, $0xb8;
	[tilespmem:$0xF000] =	vst v63  }
0x119: {  	_ =	swait.ge [sflag:s11], $0x1000  }
0x11a: {  	[sflag:s11] =	ssyncset.done $0x0  }
0x11b: {  	[sflag:s11] =	ssyncadd.s32 $0xFFFFF000  }
0x11c: {  	[tilespmem:s16], [sflag:$0x2] =	stream.indirect.gather [spmem:s2], $0x20, s28, s14, $0xb8;
	[tilespmem:$0xF000] =	vst v63  }
0x11d: {  	_ =	swait.ge [sflag:s21], $0x1000  }
0x11e: {  	[sflag:s21] =	ssyncset.done $0x0  }
0x11f: {  	[sflag:s21] =	ssyncadd.s32 $0xFFFFF000  }
0x120: {  	[spmem:s3] =	stream.indirect.scatter.add.bf16 [tilespmem:s17], [sflag:$0x5], $0x20, s29, s14, $0xb8;
	[tilespmem:$0xF000] =	vst v63  }
0x121: {  	_ =	swait.ge [sflag:s11], $0x1000  }
0x122: {  	[sflag:s11] =	ssyncset.done $0x0  }
0x123: {  	[sflag:s11] =	ssyncadd.s32 $0xFFFFF000  }
0x124: {  	[tilespmem:s17], [sflag:$0x3] =	stream.indirect.gather [spmem:s2], $0x20, s30, s14, $0xb8;
	[tilespmem:$0xF000] =	vst v63  }
0x125: {  	_ =	swait.ge [sflag:s22], $0x1000  }
0x126: {  	[sflag:s22] =	ssyncset.done $0x0  }
0x127: {  	[sflag:s22] =	ssyncadd.s32 $0xFFFFF000  }
0x128: {  	[spmem:s3] =	stream.indirect.scatter.add.bf16 [tilespmem:s18], [sflag:$0x5], $0x20, s31, s14, $0xb8;
	[tilespmem:$0xF000] =	vst v63  }
0x129: {  	_ =	swait.ge [sflag:s11], $0x1000  }
0x12a: {  	[sflag:s11] =	ssyncset.done $0x0  }
0x12b: {  	[sflag:s11] =	ssyncadd.s32 $0xFFFFF000  }
0x12c: {  	[tilespmem:s18], [sflag:$0x4] =	stream.indirect.gather [spmem:s2], $0x20, s0, s14, $0xb8;
	[tilespmem:$0xF000] =	vst v63  }
0x12d: {  	_ =	swait.ge [sflag:s19], $0x1000  }
0x12e: {  	[sflag:s19] =	ssyncset.done $0x0  }
0x12f: {  	[sflag:s19] =	ssyncadd.s32 $0xFFFFF000  }
0x130: {  	[spmem:s3] =	stream.indirect.scatter.add.bf16 [tilespmem:s15], [sflag:$0x5], $0x20, s1, s14, $0xb8;
	[tilespmem:$0xF000] =	vst v63  }
0x131: {  	_ =	swait.ge [sflag:s11], $0x1000  }
0x132: {  	[sflag:s11] =	ssyncset.done $0x0  }
0x133: {  	[sflag:s11] =	ssyncadd.s32 $0xFFFFF000  }
0x134: {  	_ =	swait.ge [sflag:s20], $0x1000  }
0x135: {  	[sflag:s20] =	ssyncset.done $0x0  }
0x136: {  	[sflag:s20] =	ssyncadd.s32 $0xFFFFF000  }
0x137: {  	[spmem:s3] =	stream.indirect.scatter.add.bf16 [tilespmem:s16], [sflag:$0x5], $0x20, s5, s14, $0xb8;
	[tilespmem:$0xF000] =	vst v63  }
0x138: {  	_ =	swait.ge [sflag:s11], $0x1000  }
0x139: {  	[sflag:s11] =	ssyncset.done $0x0  }
0x13a: {  	[sflag:s11] =	ssyncadd.s32 $0xFFFFF000  }
0x13b: {  	_ =	swait.ge [sflag:s21], $0x1000  }
0x13c: {  	[sflag:s21] =	ssyncset.done $0x0  }
0x13d: {  	[sflag:s21] =	ssyncadd.s32 $0xFFFFF000  }
0x13e: {  	[spmem:s3] =	stream.indirect.scatter.add.bf16 [tilespmem:s17], [sflag:$0x5], $0x20, s7, s14, $0xb8;
	[tilespmem:$0xF000] =	vst v63  }
0x13f: {  	_ =	swait.ge [sflag:s11], $0x1000  }
0x140: {  	[sflag:s11] =	ssyncset.done $0x0  }
0x141: {  	[sflag:s11] =	ssyncadd.s32 $0xFFFFF000  }
0x142: {  	p0 =	sne.s32 s12, $0x900;
	_ =	swait.ge [sflag:s22], $0x1000  }
.Ltmp0:
0x143: {  	[sflag:s22] =	ssyncset.done $0x0;
	(pc) =	sbr.rel @p0 .LBB2_2-.Ltmp0, $4  }
0x144: {  	[sflag:s22] =	ssyncadd.s32 $0xFFFFF000  }
0x145: {  	[spmem:s3] =	stream.indirect.scatter.add.bf16 [tilespmem:s18], [sflag:$0x5], $0x20, s8, s14, $0xb8;
	[tilespmem:$0xF000] =	vst v63  }
0x146: {  	_ =	swait.ge [sflag:s11], $0x1000  }
0x147: {  	s12 =	sadd.s32 $0x100, s12;
	s6 =	rddreg [dreg:$0x6];
	[sflag:s11] =	ssyncset.done $0x0  }
0x148: {  	[sflag:s11] =	ssyncadd.s32 $0xFFFFF000;
	s6 =	sadd.s32 s10, s6  }
0x149: {  	[tilespmem:s4], [sflag:$0x5] =	stream.linear.gather [hbm4b:s6+s4], $0x800, $0x38;
	[tilespmem:$0xF000] =	vst v63  }
0x14a: {  	_ =	swait.ge [sflag:s11], $0x800  }
0x14b: {  	s9 =	rddreg [dreg:$0x5];
	[sflag:s11] =	ssyncset.done $0x0  }
0x14c: {  	[sflag:s11] =	ssyncadd.s32 $0xFFFFF800;
	s6 =	sadd.s32 s10, s9  }
0x14d: {  	[tilespmem:s13], [sflag:$0x5] =	stream.linear.gather [hbm4b:s6+s4], $0x800, $0x38;
	[tilespmem:$0xF000] =	vst v63  }
0x14e: {  	_ =	swait.ge [sflag:s11], $0x800  }
0x14f: {  	[sflag:s11] =	ssyncset.done $0x0  }
0x150: {  	[sflag:s11] =	ssyncadd.s32 $0xFFFFF800  }
0x151: {  	[tilespmem:s15], [sflag:$0x1] =	stream.indirect.gather [spmem:s2], $0x20, s4, s14, $0xb8;
	[tilespmem:$0xF000] =	vst v63  }
0x152: {  	_ = 	snop  }
0x153: {  	[tilespmem:s16], [sflag:$0x2] =	stream.indirect.gather [spmem:s2], $0x20, s14, s14, $0xb8;
	[tilespmem:$0xF000] =	vst v63  }
0x154: {  	s12 =	rddreg [dreg:$0x7]  }
0x155: {  	[tilespmem:s17], [sflag:$0x3] =	stream.indirect.gather [spmem:s2], $0x20, s12, s14, $0xb8;
	[tilespmem:$0xF000] =	vst v63  }
0x156: {  	s9 =	rddreg [dreg:$0x8]  }
0x157: {  	[tilespmem:s18], [sflag:$0x4] =	stream.indirect.gather [spmem:s2], $0x20, s9, s14, $0xb8;
	[tilespmem:$0xF000] =	vst v63  }
0x158: {  	_ =	swait.ge [sflag:s19], $0x1000  }
0x159: {  	[sflag:s19] =	ssyncset.done $0x0  }
0x15a: {  	[sflag:s19] =	ssyncadd.s32 $0xFFFFF000  }
0x15b: {  	[spmem:s3] =	stream.indirect.scatter.add.bf16 [tilespmem:s15], [sflag:$0x5], $0x20, s13, s14, $0xb8;
	[tilespmem:$0xF000] =	vst v63  }
0x15c: {  	_ =	swait.ge [sflag:s11], $0x1000  }
0x15d: {  	[sflag:s11] =	ssyncset.done $0x0  }
0x15e: {  	s10 =	rddreg [dreg:$0x9];
	[sflag:s11] =	ssyncadd.s32 $0xFFFFF000  }
0x15f: {  	[tilespmem:s15], [sflag:$0x1] =	stream.indirect.gather [spmem:s2], $0x20, s10, s14, $0xb8;
	[tilespmem:$0xF000] =	vst v63  }
0x160: {  	_ =	swait.ge [sflag:s20], $0x1000  }
0x161: {  	[sflag:s20] =	ssyncset.done $0x0  }
0x162: {  	s12 =	rddreg [dreg:$0xa];
	[sflag:s20] =	ssyncadd.s32 $0xFFFFF000  }
0x163: {  	[spmem:s3] =	stream.indirect.scatter.add.bf16 [tilespmem:s16], [sflag:$0x5], $0x20, s12, s14, $0xb8;
	[tilespmem:$0xF000] =	vst v63  }
0x164: {  	_ =	swait.ge [sflag:s11], $0x1000  }
0x165: {  	[sflag:s11] =	ssyncset.done $0x0  }
0x166: {  	s9 =	rddreg [dreg:$0xb];
	[sflag:s11] =	ssyncadd.s32 $0xFFFFF000  }
0x167: {  	[tilespmem:s16], [sflag:$0x2] =	stream.indirect.gather [spmem:s2], $0x20, s9, s14, $0xb8;
	[tilespmem:$0xF000] =	vst v63  }
0x168: {  	_ =	swait.ge [sflag:s21], $0x1000  }
0x169: {  	[sflag:s21] =	ssyncset.done $0x0  }
0x16a: {  	s10 =	rddreg [dreg:$0xc];
	[sflag:s21] =	ssyncadd.s32 $0xFFFFF000  }
0x16b: {  	[spmem:s3] =	stream.indirect.scatter.add.bf16 [tilespmem:s17], [sflag:$0x5], $0x20, s10, s14, $0xb8;
	[tilespmem:$0xF000] =	vst v63  }
0x16c: {  	_ =	swait.ge [sflag:s11], $0x1000  }
0x16d: {  	[sflag:s11] =	ssyncset.done $0x0  }
0x16e: {  	s12 =	rddreg [dreg:$0xd];
	[sflag:s11] =	ssyncadd.s32 $0xFFFFF000  }
0x16f: {  	[tilespmem:s17], [sflag:$0x3] =	stream.indirect.gather [spmem:s2], $0x20, s12, s14, $0xb8;
	[tilespmem:$0xF000] =	vst v63  }
0x170: {  	_ =	swait.ge [sflag:s22], $0x1000  }
0x171: {  	[sflag:s22] =	ssyncset.done $0x0  }
0x172: {  	s9 =	rddreg [dreg:$0xe];
	[sflag:s22] =	ssyncadd.s32 $0xFFFFF000  }
0x173: {  	[spmem:s3] =	stream.indirect.scatter.add.bf16 [tilespmem:s18], [sflag:$0x5], $0x20, s9, s14, $0xb8;
	[tilespmem:$0xF000] =	vst v63  }
0x174: {  	_ =	swait.ge [sflag:s11], $0x1000  }
0x175: {  	[sflag:s11] =	ssyncset.done $0x0  }
0x176: {  	s10 =	rddreg [dreg:$0xf];
	[sflag:s11] =	ssyncadd.s32 $0xFFFFF000  }
0x177: {  	[tilespmem:s18], [sflag:$0x4] =	stream.indirect.gather [spmem:s2], $0x20, s10, s14, $0xb8;
	[tilespmem:$0xF000] =	vst v63  }
0x178: {  	_ =	swait.ge [sflag:s19], $0x1000  }
0x179: {  	[sflag:s19] =	ssyncset.done $0x0  }
0x17a: {  	s12 =	rddreg [dreg:$0x10];
	[sflag:s19] =	ssyncadd.s32 $0xFFFFF000  }
0x17b: {  	[spmem:s3] =	stream.indirect.scatter.add.bf16 [tilespmem:s15], [sflag:$0x5], $0x20, s12, s14, $0xb8;
	[tilespmem:$0xF000] =	vst v63  }
0x17c: {  	_ =	swait.ge [sflag:s11], $0x1000  }
0x17d: {  	[sflag:s11] =	ssyncset.done $0x0  }
0x17e: {  	s9 =	rddreg [dreg:$0x11];
	[sflag:s11] =	ssyncadd.s32 $0xFFFFF000  }
0x17f: {  	[tilespmem:s15], [sflag:$0x1] =	stream.indirect.gather [spmem:s2], $0x20, s9, s14, $0xb8;
	[tilespmem:$0xF000] =	vst v63  }
0x180: {  	_ =	swait.ge [sflag:s20], $0x1000  }
0x181: {  	[sflag:s20] =	ssyncset.done $0x0  }
0x182: {  	s10 =	rddreg [dreg:$0x12];
	[sflag:s20] =	ssyncadd.s32 $0xFFFFF000  }
0x183: {  	[spmem:s3] =	stream.indirect.scatter.add.bf16 [tilespmem:s16], [sflag:$0x5], $0x20, s10, s14, $0xb8;
	[tilespmem:$0xF000] =	vst v63  }
0x184: {  	_ =	swait.ge [sflag:s11], $0x1000  }
0x185: {  	[sflag:s11] =	ssyncset.done $0x0  }
0x186: {  	s12 =	rddreg [dreg:$0x13];
	[sflag:s11] =	ssyncadd.s32 $0xFFFFF000  }
0x187: {  	[tilespmem:s16], [sflag:$0x2] =	stream.indirect.gather [spmem:s2], $0x20, s12, s14, $0xb8;
	[tilespmem:$0xF000] =	vst v63  }
0x188: {  	_ =	swait.ge [sflag:s21], $0x1000  }
0x189: {  	[sflag:s21] =	ssyncset.done $0x0  }
0x18a: {  	s9 =	rddreg [dreg:$0x14];
	[sflag:s21] =	ssyncadd.s32 $0xFFFFF000  }
0x18b: {  	[spmem:s3] =	stream.indirect.scatter.add.bf16 [tilespmem:s17], [sflag:$0x5], $0x20, s9, s14, $0xb8;
	[tilespmem:$0xF000] =	vst v63  }
0x18c: {  	_ =	swait.ge [sflag:s11], $0x1000  }
0x18d: {  	[sflag:s11] =	ssyncset.done $0x0  }
0x18e: {  	s10 =	rddreg [dreg:$0x15];
	[sflag:s11] =	ssyncadd.s32 $0xFFFFF000  }
0x18f: {  	[tilespmem:s17], [sflag:$0x3] =	stream.indirect.gather [spmem:s2], $0x20, s10, s14, $0xb8;
	[tilespmem:$0xF000] =	vst v63  }
0x190: {  	_ =	swait.ge [sflag:s22], $0x1000  }
0x191: {  	[sflag:s22] =	ssyncset.done $0x0  }
0x192: {  	s12 =	rddreg [dreg:$0x16];
	[sflag:s22] =	ssyncadd.s32 $0xFFFFF000  }
0x193: {  	[spmem:s3] =	stream.indirect.scatter.add.bf16 [tilespmem:s18], [sflag:$0x5], $0x20, s12, s14, $0xb8;
	[tilespmem:$0xF000] =	vst v63  }
0x194: {  	_ =	swait.ge [sflag:s11], $0x1000  }
0x195: {  	[sflag:s11] =	ssyncset.done $0x0  }
0x196: {  	[sflag:s11] =	ssyncadd.s32 $0xFFFFF000  }
0x197: {  	[tilespmem:s18], [sflag:$0x4] =	stream.indirect.gather [spmem:s2], $0x20, s23, s14, $0xb8;
	[tilespmem:$0xF000] =	vst v63  }
0x198: {  	_ =	swait.ge [sflag:s19], $0x1000  }
0x199: {  	[sflag:s19] =	ssyncset.done $0x0  }
0x19a: {  	[sflag:s19] =	ssyncadd.s32 $0xFFFFF000  }
0x19b: {  	[spmem:s3] =	stream.indirect.scatter.add.bf16 [tilespmem:s15], [sflag:$0x5], $0x20, s24, s14, $0xb8;
	[tilespmem:$0xF000] =	vst v63  }
0x19c: {  	_ =	swait.ge [sflag:s11], $0x1000  }
0x19d: {  	[sflag:s11] =	ssyncset.done $0x0  }
0x19e: {  	[sflag:s11] =	ssyncadd.s32 $0xFFFFF000  }
0x19f: {  	[tilespmem:s15], [sflag:$0x1] =	stream.indirect.gather [spmem:s2], $0x20, s25, s14, $0xb8;
	[tilespmem:$0xF000] =	vst v63  }
0x1a0: {  	_ =	swait.ge [sflag:s20], $0x1000  }
0x1a1: {  	[sflag:s20] =	ssyncset.done $0x0  }
0x1a2: {  	[sflag:s20] =	ssyncadd.s32 $0xFFFFF000  }
0x1a3: {  	[spmem:s3] =	stream.indirect.scatter.add.bf16 [tilespmem:s16], [sflag:$0x5], $0x20, s26, s14, $0xb8;
	[tilespmem:$0xF000] =	vst v63  }
0x1a4: {  	_ =	swait.ge [sflag:s11], $0x1000  }
0x1a5: {  	[sflag:s11] =	ssyncset.done $0x0  }
0x1a6: {  	[sflag:s11] =	ssyncadd.s32 $0xFFFFF000  }
0x1a7: {  	[tilespmem:s16], [sflag:$0x2] =	stream.indirect.gather [spmem:s2], $0x20, s28, s14, $0xb8;
	[tilespmem:$0xF000] =	vst v63  }
0x1a8: {  	_ =	swait.ge [sflag:s21], $0x1000  }
0x1a9: {  	[sflag:s21] =	ssyncset.done $0x0  }
0x1aa: {  	[sflag:s21] =	ssyncadd.s32 $0xFFFFF000  }
0x1ab: {  	[spmem:s3] =	stream.indirect.scatter.add.bf16 [tilespmem:s17], [sflag:$0x5], $0x20, s29, s14, $0xb8;
	[tilespmem:$0xF000] =	vst v63  }
0x1ac: {  	_ =	swait.ge [sflag:s11], $0x1000  }
0x1ad: {  	[sflag:s11] =	ssyncset.done $0x0  }
0x1ae: {  	[sflag:s11] =	ssyncadd.s32 $0xFFFFF000  }
0x1af: {  	[tilespmem:s17], [sflag:$0x3] =	stream.indirect.gather [spmem:s2], $0x20, s30, s14, $0xb8;
	[tilespmem:$0xF000] =	vst v63  }
0x1b0: {  	_ =	swait.ge [sflag:s22], $0x1000  }
0x1b1: {  	[sflag:s22] =	ssyncset.done $0x0  }
0x1b2: {  	[sflag:s22] =	ssyncadd.s32 $0xFFFFF000  }
0x1b3: {  	[spmem:s3] =	stream.indirect.scatter.add.bf16 [tilespmem:s18], [sflag:$0x5], $0x20, s31, s14, $0xb8;
	[tilespmem:$0xF000] =	vst v63  }
0x1b4: {  	_ =	swait.ge [sflag:s11], $0x1000  }
0x1b5: {  	[sflag:s11] =	ssyncset.done $0x0  }
0x1b6: {  	[sflag:s11] =	ssyncadd.s32 $0xFFFFF000  }
0x1b7: {  	[tilespmem:s18], [sflag:$0x4] =	stream.indirect.gather [spmem:s2], $0x20, s0, s14, $0xb8;
	[tilespmem:$0xF000] =	vst v63  }
0x1b8: {  	_ =	swait.ge [sflag:s19], $0x1000  }
0x1b9: {  	[sflag:s19] =	ssyncset.done $0x0  }
0x1ba: {  	[sflag:s19] =	ssyncadd.s32 $0xFFFFF000  }
0x1bb: {  	[spmem:s3] =	stream.indirect.scatter.add.bf16 [tilespmem:s15], [sflag:$0x5], $0x20, s1, s14, $0xb8;
	[tilespmem:$0xF000] =	vst v63  }
0x1bc: {  	_ =	swait.ge [sflag:s11], $0x1000  }
0x1bd: {  	[sflag:s11] =	ssyncset.done $0x0  }
0x1be: {  	[sflag:s11] =	ssyncadd.s32 $0xFFFFF000  }
0x1bf: {  	_ =	swait.ge [sflag:s20], $0x1000  }
0x1c0: {  	[sflag:s20] =	ssyncset.done $0x0  }
0x1c1: {  	[sflag:s20] =	ssyncadd.s32 $0xFFFFF000  }
0x1c2: {  	[spmem:s3] =	stream.indirect.scatter.add.bf16 [tilespmem:s16], [sflag:$0x5], $0x20, s5, s14, $0xb8;
	[tilespmem:$0xF000] =	vst v63  }
0x1c3: {  	_ =	swait.ge [sflag:s11], $0x1000  }
0x1c4: {  	[sflag:s11] =	ssyncset.done $0x0  }
0x1c5: {  	[sflag:s11] =	ssyncadd.s32 $0xFFFFF000  }
0x1c6: {  	_ =	swait.ge [sflag:s21], $0x1000  }
0x1c7: {  	[sflag:s21] =	ssyncset.done $0x0  }
0x1c8: {  	[sflag:s21] =	ssyncadd.s32 $0xFFFFF000  }
0x1c9: {  	[spmem:s3] =	stream.indirect.scatter.add.bf16 [tilespmem:s17], [sflag:$0x5], $0x20, s7, s14, $0xb8;
	[tilespmem:$0xF000] =	vst v63  }
0x1ca: {  	_ =	swait.ge [sflag:s11], $0x1000  }
0x1cb: {  	[sflag:s11] =	ssyncset.done $0x0  }
0x1cc: {  	[sflag:s11] =	ssyncadd.s32 $0xFFFFF000  }
0x1cd: {  	_ =	swait.ge [sflag:s22], $0x1000  }
0x1ce: {  	[sflag:s22] =	ssyncset.done $0x0  }
0x1cf: {  	[sflag:s22] =	ssyncadd.s32 $0xFFFFF000  }
0x1d0: {  	[spmem:s3] =	stream.indirect.scatter.add.bf16 [tilespmem:s18], [sflag:$0x5], $0x20, s8, s14, $0xb8;
	[tilespmem:$0xF000] =	vst v63  }
0x1d1: {  	_ =	swait.ge [sflag:s11], $0x1000  }
0x1d2: {  	[sflag:s11] =	ssyncset.done $0x0  }
0x1d3: {  	[sflag:s11] =	ssyncadd.s32 $0xFFFFF000  }
0x1d4: {  	[bflag:$0x0] =	sbarrier.arrive $0xFFFF  }
0x1d5: {  	s12 =	rddreg [dreg:$0x18]  }
0x1d6: {  	s9 =	rddreg [dreg:$0x1a]  }
0x1d7: {  	s10 =	rddreg [dreg:$0x1d]  }
0x1d8: {  	[hbm:s9], [sflag:s12] =	dma.local [spmem:s10], $0xA00  }
0x1d9: {  	_ =	swait.ge [sflag:s11], $0xA00  }
0x1da: {  	s6 =	rddreg [dreg:$0x1e]  }
0x1db: {  	s9 =	sadd.s32 $0x1, s6;
	s6 =	rddreg [dreg:$0x1b]  }
0x1dc: {  	p0 =	sne.s32 s9, s6  }
.Ltmp1:
0x1dd: {  	_ = 	snop;
	(pc) =	sbr.rel @p0 .LBB2_1-.Ltmp1, $3  }
0x1de: {  	_ =	sdelay $0x1  }
0x1df: {  	[sflag:s11] =	ssyncset.done $0x0  }
0x1e0: {  	[sflag:s11] =	ssyncadd.s32 $0xFFFFF600  }
0x1e1: {  	_ =	sfence.sel $0x180000  }
0x1e2: {  	[bflag:$0x0] =	sbarrier.arrive $0xFFFF  }
0x1e3: {  	_ =	strace $0x9000004A  }
0x1e4: {  	s0 =	stileid.u32;
	[bflag:$0x2] =	sbarrier.arrive $0xFFFF  }
0x1e5: {  	p0 =	sne.s32 s0, $0x0;
	s0 =	rddreg [dreg:$0x4]  }
0x1e6: {  	s0 =	sadd.s32 @!p0 $0x100000, s0  }
0x1e7: {  	[sflag:s0] =	ssyncadd.tile.s32 @!p0 $0x1;
	_ =	shalt  }
.Lfunc_end2:
_tile_overlayer_lowered:
.L_overlay_start_2:
0x1e8: {  	(tag) =	ssettag $0x2  }
0x1e9: {  	s0 =	rddreg [dreg:$0x0];
	s2 =	stileid.u32  }
0x1ea: {  	s1 =	rddreg [dreg:$0x1];
	p0 =	sne.s32 s2, $0x0  }
0x1eb: {  	s3 =	rddreg [dreg:$0x2];
	[bflag:$0x3] =	sbarrier.arrive $0xFFFF;
	s2 =	simm.s32 @!p0 $0x1C05  }
0x1ec: {  	[timem:s3], [sflag:s2] =	dma.local @!p0 [hbm:s0], s1  }
0x1ed: {  	s0 =	simm.s32 @!p0 $0x5  }
0x1ee: {  	_ =	swait.ge @!p0 [sflag:s0], s1  }
0x1ef: {  	s1 =	ssub.s32 @!p0 $0x0, s1;
	[sflag:s0] =	ssyncset.done @!p0 $0x0  }
0x1f0: {  	[sflag:s0] =	ssyncadd.s32 @!p0 s1  }
0x1f1: {  	[bflag:$0x3] =	sbarrier.arrive $0xFFFF  }
0x1f2: {  	_ =	shalt  }

// kernel: kernel.14.cloned.1.call-start
scs
__scs_entry_jumppad:
0x0: {  	(pc) =	sbr.rel $0x88, $3  }
0x1: {  	(tag) =	ssettag $0x0;
	lr =	simm.s32 $0x1  }
0x2: {  	[smem:$0x3F9B] =	sst lr;
	_ =	strace $0xD0000000  }
0x3: {  	_ = 	snop  }
0x4: {  	_ = 	snop  }
0x5: {  	_ = 	snop  }
0x6: {  	_ = 	snop  }
0x7: {  	_ = 	snop  }
__scs_overlays_trampoline_lowered:
0x8: {  	[smem:$0x3FAA] =	sst s0  }
0x9: {  	[smem:$0x3FAB] =	sst s1  }
0xa: {  	[smem:$0x3FAC] =	sst s2  }
0xb: {  	[smem:$0x3FAD] =	sst s3  }
0xc: {  	[smem:$0x3FAE] =	sst s4  }
0xd: {  	[smem:$0x3FAF] =	sst s5  }
0xe: {  	[smem:$0x3FB0] =	sst s6  }
0xf: {  	[smem:$0x3FB1] =	sst s7  }
0x10: {  	[smem:$0x3FB2] =	sst s8  }
0x11: {  	[smem:$0x3FB3] =	sst s9;
	s0 =	simm.s32 @!p0 $0x0  }
0x12: {  	s1 =	sld [smem:$0x3F99];
	s0 =	simm.s32 @p0 $0x1  }
0x13: {  	[smem:$0x3FB4] =	sst s0;
	s0 =	simm.s32 @!p1 $0x0  }
0x14: {  	s2 =	sld [smem:$0x3F98];
	s0 =	simm.s32 @p1 $0x1  }
0x15: {  	[smem:$0x3FB5] =	sst s0;
	s0 =	simm.s32 @!p2 $0x0  }
0x16: {  	s3 =	sld [smem:$0x3FDB];
	s0 =	simm.s32 @p2 $0x1  }
0x17: {  	s4 =	simm.s32 $0x1BF5;
	[smem:$0x3FB7] =	sst s0  }
0x18: {  	s0 =	sld [smem:$0x3F9A];
	_ =	swait.ge [sflag:s4], $0x0  }
0x19: {  	s7 =	sld [smem:$0x3F9B]  }
0x1a: {  	s8 =	sadd.s32 $0xFFFFE003, lr  }
0x1b: {  	s9 =	sadd.s32 $0xFFFFFEF7, lr;
	s5 =	simm.s32 $0xFFFFFFFF;
	p2 =	slt.u32 s8, $0xFFFFF086  }
0x1c: {  	p1 =	slt.u32 s9, $0xF7A;
	s5 =	simm.s32 @!p2 $0x0  }
0x1d: {  	s5 =	simm.s32 @p1 $0x1;
	p0 =	seq.s32 s7, s2  }
0x1e: {  	s7 =	smul.u32 @!p0 $0xF7A, s2;
	p2 =	seq.s32 @!p0 s5, $0x0  }
0x1f: {  	s9 =	smul.u32 $0xF7A, s1;
	s8 =	simm.s32 @!p0 $0x1BF5;
	p2 =	por !p2, p0  }
0x20: {  	[sflag:s8] =	ssyncset.s32 @!p0 $0xFFFFF086;
	s6 =	sadd.s32 @!p0 s3, s7;
	s7 =	simm.s32 @!p0 $0x108  }
0x21: {  	s3 =	sadd.s32 s3, s9;
	s6 =	sadd.s32 @!p0 $0x88, s6;
	s7 =	simm.s32 @p2 $0x1082  }
0x22: {  	[simem:s7], [sflag:s8] =	dma.local @!p0 [hbm:s6], $0xF7A  }
0x23: {  	s9 =	sor.u32 $0xD0000000, s2;
	s6 =	simm.s32 $0x108;
	_ =	swait.ge @!p0 [sflag:s8], $0x0  }
0x24: {  	s3 =	sadd.s32 $0x88, s3;
	s6 =	simm.s32 @!p1 $0x1082;
	[sflag:s4] =	ssyncset.s32 $0xFFFFF086  }
0x25: {  	[simem:s6], [sflag:s4] =	dma.local [hbm:s3], $0xF7A  }
0x26: {  	[smem:$0x3F9B] =	sst s1;
	(tag) =	ssettag s2;
	_ =	strace s9  }
0x27: {  	s1 =	sld [smem:$0x3FAB]  }
0x28: {  	s2 =	sld [smem:$0x3FAC]  }
0x29: {  	s4 =	sld [smem:$0x3FAE]  }
0x2a: {  	p0 =	seq.s32 s5, $0x0;
	s5 =	sld [smem:$0x3FAF]  }
0x2b: {  	s6 =	sld [smem:$0x3FB0]  }
0x2c: {  	s7 =	sld [smem:$0x3FB1]  }
0x2d: {  	s3 =	simm.s32 $0x108;
	s8 =	sld [smem:$0x3FB2]  }
0x2e: {  	s3 =	simm.s32 @!p0 $0x1082;
	s9 =	sld [smem:$0x3FB3]  }
0x2f: {  	lr =	sadd.s32 s0, s3;
	s0 =	sld [smem:$0x3FAA]  }
0x30: {  	s3 =	sld [smem:$0x3FAD]  }
0x31: {  	[smem:$0x3FB6] =	sst s10  }
0x32: {  	s10 =	sld [smem:$0x3FB4];
	_ =	sdelay $0x3  }
0x33: {  	p0 =	seq.s32 s10, $0x1;
	s10 =	sld [smem:$0x3FB6];
	_ =	sdelay $0x3  }
0x34: {  	[smem:$0x3FB6] =	sst s10  }
0x35: {  	s10 =	sld [smem:$0x3FB5];
	_ =	sdelay $0x3  }
0x36: {  	p1 =	seq.s32 s10, $0x1;
	s10 =	sld [smem:$0x3FB6];
	_ =	sdelay $0x3  }
0x37: {  	[smem:$0x3FB6] =	sst s10  }
0x38: {  	s10 =	sld [smem:$0x3FB7]  }
0x39: {  	_ = 	snop;
	(pc) =	sbr.ind lr, $3  }
0x3a: {  	_ = 	snop  }
0x3b: {  	_ = 	snop  }
0x3c: {  	p2 =	seq.s32 s10, $0x1;
	s10 =	sld [smem:$0x3FB6]  }
0x3d: {  	_ =	shalt  }
0x3e: {  	_ =	shalt  }
0x3f: {  	_ =	shalt  }
0x40: {  	_ =	shalt  }
0x41: {  	_ =	shalt  }
0x42: {  	_ =	shalt  }
0x43: {  	_ =	shalt  }
0x44: {  	_ =	shalt  }
0x45: {  	_ =	shalt  }
0x46: {  	_ =	shalt  }
0x47: {  	_ =	shalt  }
0x48: {  	_ =	shalt  }
0x49: {  	_ =	shalt  }
0x4a: {  	_ =	shalt  }
0x4b: {  	_ =	shalt  }
0x4c: {  	_ =	shalt  }
0x4d: {  	_ =	shalt  }
0x4e: {  	_ =	shalt  }
0x4f: {  	_ =	shalt  }
0x50: {  	_ =	shalt  }
0x51: {  	_ =	shalt  }
0x52: {  	_ =	shalt  }
0x53: {  	_ =	shalt  }
0x54: {  	_ =	shalt  }
0x55: {  	_ =	shalt  }
0x56: {  	_ =	shalt  }
0x57: {  	_ =	shalt  }
0x58: {  	_ =	shalt  }
0x59: {  	_ =	shalt  }
0x5a: {  	_ =	shalt  }
0x5b: {  	_ =	shalt  }
0x5c: {  	_ =	shalt  }
0x5d: {  	_ =	shalt  }
0x5e: {  	_ =	shalt  }
0x5f: {  	_ =	shalt  }
0x60: {  	_ =	shalt  }
0x61: {  	_ =	shalt  }
0x62: {  	_ =	shalt  }
0x63: {  	_ =	shalt  }
0x64: {  	_ =	shalt  }
0x65: {  	_ =	shalt  }
0x66: {  	_ =	shalt  }
0x67: {  	_ =	shalt  }
0x68: {  	_ =	shalt  }
0x69: {  	_ =	shalt  }
0x6a: {  	_ =	shalt  }
0x6b: {  	_ =	shalt  }
0x6c: {  	_ =	shalt  }
0x6d: {  	_ =	shalt  }
0x6e: {  	_ =	shalt  }
0x6f: {  	_ =	shalt  }
0x70: {  	_ =	shalt  }
0x71: {  	_ =	shalt  }
0x72: {  	_ =	shalt  }
0x73: {  	_ =	shalt  }
0x74: {  	_ =	shalt  }
0x75: {  	_ =	shalt  }
0x76: {  	_ =	shalt  }
0x77: {  	_ =	shalt  }
0x78: {  	_ =	shalt  }
0x79: {  	_ =	shalt  }
0x7a: {  	_ =	shalt  }
0x7b: {  	_ =	shalt  }
0x7c: {  	_ =	shalt  }
0x7d: {  	_ =	shalt  }
0x7e: {  	_ =	shalt  }
0x7f: {  	_ =	shalt  }
0x80: {  	_ =	shalt  }
0x81: {  	_ =	shalt  }
0x82: {  	_ =	shalt  }
0x83: {  	_ =	shalt  }
0x84: {  	_ =	shalt  }
0x85: {  	_ =	shalt  }
0x86: {  	_ =	shalt  }
0x87: {  	_ =	shalt  }
.Lfunc_end0:
.L_simem_size_0:
called_computation.2_lowered:
.L_overlay_start_0:
0x88: {  	s2 =	sld [smem:$0x3FD9]  }
0x89: {  	s3 =	sld [smem:$0x3FFE];
	_ =	sdelay $0x1  }
0x8a: {  	s1 =	srdreg.scid  }
0x8b: {  	s0 =	sand.u32 $0x1, s1  }
0x8c: {  	s17 =	sshll.u32 s0, $0xA;
	s2 =	sadd.s32 s3, s2  }
0x8d: {  	s2 =	sadd.s32 s2, s17  }
0x8e: {  	[smem:$0x3FC2] =	sst s2  }
0x8f: {  	_ = 	snop  }
0x90: {  	s2 =	sld [smem:$0x3FD0];
	(tm) =	ssettm $0x1  }
0x91: {  	s18 =	sld [smem:$0x3FFB];
	_ =	sdelay $0x3  }
0x92: {  	_ =	strace s18  }
0x93: {  	s3 =	sld [smem:$0x3FFC];
	_ =	sdelay $0x3  }
0x94: {  	_ =	strace s3  }
0x95: {  	s3 =	sld [smem:$0x3FFD];
	_ =	sdelay $0x3  }
0x96: {  	_ =	strace s3  }
0x97: {  	_ =	strace $0x8FFFFFFF  }
0x98: {  	s19 =	sld [smem:$0x3FDB];
	_ =	sdelay $0x1  }
0x99: {  	s4 =	simm.s32 $_scs_section_size  }
0x9a: {  	s5 =	simm.s32 $_size__tile_overlayer_lowered;
	s6 =	simm.s32 $_tile_overlayer_lowered  }
0x9b: {  	s22 =	simm.s32 $0x1BFF;
	s21 =	sshll.u32 s6, $0x1;
	s3 =	sadd.s32 s4, s19  }
0x9c: {  	s7 =	simm.s32 $0x0;
	s20 =	sshll.u32 s5, $0x1;
	s5 =	sadd.s32 s21, s3  }
0x9d: {  	[timem:s7], [sflag:s22] =	dma.local [hbm:s5], s20  }
0x9e: {  	_ =	swait.ge [sflag:s22], s20  }
0x9f: {  	s4 =	ssub.s32 $0x0, s20;
	[sflag:s22] =	ssyncset.done $0x0  }
0xa0: {  	[sflag:s22] =	ssyncadd.s32 s4;
	_ =	sdelay $0x1  }
0xa1: {  	s23 =	simm.s32 $0x1B8B  }
0xa2: {  	_ =	swait.ge [sflag:s23], $0x1  }
0xa3: {  	[sflag:s23] =	ssyncset.done $0x0  }
0xa4: {  	s25 =	simm.s32 $0x1B8E;
	s24 =	sld [smem:$0x3FFE];
	[sflag:s23] =	ssyncadd.s32 $0xFFFFFFFF  }
0xa5: {  	s26 =	simm.s32 $execute0_lowered;
	[smem:$0x3FD2] =	sst s25  }
0xa6: {  	s5 =	sshll.u32 s26, $0x1;
	_ =	strace $0x8000004C;
	[dreg:$0x1] =	wrdreg $0xFFFFFFFF  }
0xa7: {  	s28 =	simm.s32 $_size_execute0_lowered;
	s3 =	sadd.s32 s3, s5;
	[dreg:$0x0] =	wrdreg $0x0  }
0xa8: {  	s5 =	sshll.u32 s28, $0x1;
	[dreg:$0x2] =	wrdreg s3  }
0xa9: {  	[dreg:$0x3] =	wrdreg s5  }
0xaa: {  	[dreg:$0x4] =	wrdreg $0xC0  }
0xab: {  	_ =	task [dreg:s7], $0x5FFFF  }
0xac: {  	[dreg:$0x1] =	wrdreg $0xFFFFFFFF  }
0xad: {  	[dreg:$0x0] =	wrdreg $0x60  }
0xae: {  	[dreg:$0x2] =	wrdreg s24  }
0xaf: {  	[dreg:$0x3] =	wrdreg s2  }
0xb0: {  	[dreg:$0x4] =	wrdreg $0x50000  }
0xb1: {  	[dreg:$0x5] =	wrdreg $0xA0000  }
0xb2: {  	[dreg:$0x6] =	wrdreg $0x9  }
0xb3: {  	_ =	task.clear_ibuf [dreg:s7], $0x7FFFF;
	_ =	strace $0x9000004C  }
0xb4: {  	s29 =	simm.s32 $0x9;
	_ =	strace $0x8000004E  }
0xb5: {  	_ =	swait.ge [sflag:s29], $0x1  }
0xb6: {  	[sflag:s29] =	ssyncadd.s32 $0xFFFFFFFF  }
0xb7: {  	_ =	strace $0x9000004E  }
0xb8: {  	_ =	sfence  }
0xb9: {  	s30 =	sld [smem:$0x0];
	_ =	sdelay $0x2  }
0xba: {  	s31 =	sshll.u32 s1, $0xD;
	s1 =	sshrl.u32 s1, $0x2  }
0xbb: {  	s3 =	sand.u32 $0x4000, s31;
	s1 =	sadd.s32 s1, s30  }
0xbc: {  	s0 =	sor.u32 s3, s0;
	s1 =	sshll.u32 s1, $0x11  }
0xbd: {  	s0 =	sor.u32 s1, s0  }
0xbe: {  	s0 =	sadd.s32 $0x8F2B, s0  }
0xbf: {  	[sflag:s0] =	ssyncadd.remote.s32 $0x1  }
0xc0: {  	_ =	sfence.sel $0xFFFF  }
0xc1: {  	[dreg:$0x0] =	wrdreg $0xFFFFFFFF;
	(pc) =	sbr.abs _section_cstart, $3  }
0xc2: {  	[dreg:$0x1] =	wrdreg $0xFFFFFFFF  }
0xc3: {  	_ =	task.clear_ibuf [dreg:s7], $0x2FFFF;
	_ =	strace $0x9FFFFFFF  }
0xc4: {  	(tm) =	ssettm $0x7FFFFFFF  }
0xc5: {  	_ =	shalt  }
tec
execute0_lowered:
.L_overlay_start_1:
0x0: {  	(tag) =	ssettag $0x1  }
0x1: {  	s0 =	rddreg [dreg:$0x0]  }
0x2: {  	s1 =	rddreg [dreg:$0x1];
	s3 =	srdreg.scid  }
0x3: {  	s2 =	rddreg [dreg:$0x2];
	s11 =	stileid.u32  }
0x4: {  	s4 =	simm.s32 $0x0;
	s14 =	simm.s32 $0x880;
	s15 =	simm.s32 $0x280  }
0x5: {  	s16 =	simm.s32 $0x900;
	s17 =	simm.s32 $0x300;
	s18 =	simm.s32 $0x980  }
0x6: {  	s19 =	simm.s32 $0x380;
	s5 =	sand.u32 $0x1, s3;
	s3 =	rddreg [dreg:$0x3]  }
0x7: {  	s20 =	simm.s32 $0xA00;
	s21 =	simm.s32 $0x400;
	[smem:$0x7FF] =	sst s4  }
0x8: {  	s22 =	simm.s32 $0xA80;
	_ =	strace $0x8000004D;
	[dreg:$0xa] =	wrdreg s14  }
0x9: {  	s28 =	simm.s32 $0x680;
	s29 =	simm.s32 $0xD00;
	[dreg:$0xb] =	wrdreg s15  }
0xa: {  	s30 =	simm.s32 $0x700;
	s7 =	smul.u32 $0x2800, s11;
	[dreg:$0xc] =	wrdreg s16  }
0xb: {  	s31 =	simm.s32 $0xD80;
	s8 =	smul.u32 $0xA000, s11;
	[dreg:$0xd] =	wrdreg s17  }
0xc: {  	s11 =	sshll.u32 s11, $0x6;
	s6 =	smul.u32 $0x28000, s5;
	[dreg:$0xe] =	wrdreg s18  }
0xd: {  	s23 =	smul.u32 $0xA0000, s5;
	s5 =	ssub.s32 $0x2, s5;
	[dreg:$0xf] =	wrdreg s19  }
0xe: {  	s14 =	simm.s32 $0x80;
	s15 =	simm.s32 $0x1000;
	[dreg:$0x10] =	wrdreg s20  }
0xf: {  	s16 =	simm.s32 $0x2000;
	s17 =	simm.s32 $0x3000;
	[dreg:$0x11] =	wrdreg s21  }
0x10: {  	s18 =	simm.s32 $0x4000;
	s19 =	simm.s32 $0x1;
	[dreg:$0x12] =	wrdreg s22  }
0x11: {  	s20 =	simm.s32 $0x2;
	s21 =	simm.s32 $0x3;
	s22 =	simm.s32 $0x4  }
0x12: {  	s10 =	sshrl.u32 s8, $0x4;
	s24 =	sshrl.u32 s5, $0x1;
	s6 =	sadd.s32 s7, s6  }
0x13: {  	s7 =	sadd.s32 s8, s23;
	s10 =	sadd.s32 s10, s0;
	s8 =	sshrl.u32 s8, $0x1  }
0x14: {  	s5 =	ssub.s32 s5, s24;
	s23 =	simm.s32 $0x480;
	s24 =	simm.s32 $0xB00  }
0x15: {  	s6 =	sshrl.u32 s6, $0x3;
	s7 =	sshrl.u32 s7, $0x4;
	[dreg:$0x13] =	wrdreg s23  }
0x16: {  	s25 =	sadd.s32 s8, s2;
	s12 =	sadd.s32 $0x18200, s10;
	[dreg:$0x14] =	wrdreg s24  }
0x17: {  	s8 =	sadd.s32 s8, s3;
	s26 =	sadd.s32 $0xE200, s10;
	[dreg:$0x17] =	wrdreg s12  }
0x18: {  	s10 =	smax.u32 s5, $0x1;
	s23 =	simm.s32 $0x580;
	[dreg:$0x19] =	wrdreg s26  }
0x19: {  	s24 =	simm.s32 $0xC00;
	s1 =	sadd.s32 s6, s1;
	[dreg:$0x1b] =	wrdreg s10  }
0x1a: {  	s9 =	sadd.s32 s6, s0;
	s6 =	simm.s32 $0x100;
	[dreg:$0x6] =	wrdreg s1  }
0x1b: {  	s5 =	simm.s32 $0xE80;
	s13 =	sshrl.u32 s25, $0x3;
	[dreg:$0x7] =	wrdreg s6  }
0x1c: {  	s12 =	sor.u32 $0x1C05, s11;
	s11 =	simm.s32 $0x200;
	[dreg:$0x1c] =	wrdreg s13  }
0x1d: {  	s0 =	sadd.s32 s7, s0;
	s25 =	simm.s32 $0x500;
	[dreg:$0x9] =	wrdreg s11  }
0x1e: {  	s10 =	sshrl.u32 s8, $0x3;
	s26 =	simm.s32 $0xB80;
	[dreg:$0x15] =	wrdreg s25  }
0x1f: {  	s7 =	simm.s32 $0xF00;
	s8 =	simm.s32 $0xF80;
	[dreg:$0x16] =	wrdreg s26  }
0x20: {  	s9 =	sadd.s32 $0x2800, s9;
	s0 =	sadd.s32 $0x22200, s0;
	[dreg:$0x18] =	wrdreg s12  }
0x21: {  	s11 =	simm.s32 $0x5;
	s13 =	simm.s32 $0x800;
	[dreg:$0x1d] =	wrdreg s10  }
0x22: {  	s25 =	simm.s32 $0x600;
	s26 =	simm.s32 $0xC80;
	[dreg:$0x5] =	wrdreg s9  }
0x23: {  	s1 =	simm.s32 $0x780;
	[dreg:$0x1a] =	wrdreg s0;
	s9 =	simm.s32 $0x180  }
0x24: {  	s0 =	simm.s32 $0xE00;
	[dreg:$0x8] =	wrdreg s9;
	s9 =	simm.s32 $0x0  }
.LBB2_1:
0x25: {  	[dreg:$0x1e] =	wrdreg s9  }
0x26: {  	s6 =	rddreg [dreg:$0x17]  }
0x27: {  	s9 =	rddreg [dreg:$0x1c]  }
0x28: {  	[spmem:s9], [sflag:s12] =	dma.local [hbm:s6], $0xA00  }
0x29: {  	_ =	swait.ge [sflag:s11], $0xA00  }
0x2a: {  	[sflag:s11] =	ssyncset.done $0x0  }
0x2b: {  	s9 =	rddreg [dreg:$0x19];
	[sflag:s11] =	ssyncadd.s32 $0xFFFFF600  }
0x2c: {  	[spmem:s10], [sflag:s12] =	dma.local [hbm:s9], $0xA00  }
0x2d: {  	_ =	swait.ge [sflag:s11], $0xA00  }
0x2e: {  	[sflag:s11] =	ssyncset.done $0x0  }
0x2f: {  	[sflag:s11] =	ssyncadd.s32 $0xFFFFF600  }
0x30: {  	[bflag:$0x0] =	sbarrier.arrive $0xFFFF  }
0x31: {  	s9 =	rddreg [dreg:$0x6]  }
0x32: {  	s6 =	sadd.s32 $0x0, s9  }
0x33: {  	[tilespmem:s4], [sflag:$0x5] =	stream.linear.gather [hbm4b:s6+s4], $0x800, $0x38;
	[tilespmem:$0xF000] =	vst v63  }
0x34: {  	_ =	swait.ge [sflag:s11], $0x800  }
0x35: {  	s10 =	rddreg [dreg:$0x5];
	[sflag:s11] =	ssyncset.done $0x0  }
0x36: {  	[sflag:s11] =	ssyncadd.s32 $0xFFFFF800;
	s6 =	sadd.s32 $0x0, s10  }
0x37: {  	[tilespmem:s13], [sflag:$0x5] =	stream.linear.gather [hbm4b:s6+s4], $0x800, $0x38;
	[tilespmem:$0xF000] =	vst v63  }
0x38: {  	_ =	swait.ge [sflag:s11], $0x800  }
0x39: {  	[sflag:s11] =	ssyncset.done $0x0  }
0x3a: {  	[sflag:s11] =	ssyncadd.s32 $0xFFFFF800  }
0x3b: {  	[tilespmem:s15], [sflag:$0x1] =	stream.indirect.gather [spmem:s2], $0x20, s4, s14, $0xb8;
	[tilespmem:$0xF000] =	vst v63  }
0x3c: {  	_ = 	snop  }
0x3d: {  	[tilespmem:s16], [sflag:$0x2] =	stream.indirect.gather [spmem:s2], $0x20, s14, s14, $0xb8;
	[tilespmem:$0xF000] =	vst v63  }
0x3e: {  	s12 =	rddreg [dreg:$0x7]  }
0x3f: {  	[tilespmem:s17], [sflag:$0x3] =	stream.indirect.gather [spmem:s2], $0x20, s12, s14, $0xb8;
	[tilespmem:$0xF000] =	vst v63  }
0x40: {  	s9 =	rddreg [dreg:$0x8]  }
0x41: {  	[tilespmem:s18], [sflag:$0x4] =	stream.indirect.gather [spmem:s2], $0x20, s9, s14, $0xb8;
	[tilespmem:$0xF000] =	vst v63  }
0x42: {  	_ =	swait.ge [sflag:s19], $0x1000  }
0x43: {  	[sflag:s19] =	ssyncset.done $0x0  }
0x44: {  	[sflag:s19] =	ssyncadd.s32 $0xFFFFF000  }
0x45: {  	[spmem:s3] =	stream.indirect.scatter.add.bf16 [tilespmem:s15], [sflag:$0x5], $0x20, s13, s14, $0xb8;
	[tilespmem:$0xF000] =	vst v63  }
0x46: {  	_ =	swait.ge [sflag:s11], $0x1000  }
0x47: {  	[sflag:s11] =	ssyncset.done $0x0  }
0x48: {  	s10 =	rddreg [dreg:$0x9];
	[sflag:s11] =	ssyncadd.s32 $0xFFFFF000  }
0x49: {  	[tilespmem:s15], [sflag:$0x1] =	stream.indirect.gather [spmem:s2], $0x20, s10, s14, $0xb8;
	[tilespmem:$0xF000] =	vst v63  }
0x4a: {  	_ =	swait.ge [sflag:s20], $0x1000  }
0x4b: {  	[sflag:s20] =	ssyncset.done $0x0  }
0x4c: {  	s12 =	rddreg [dreg:$0xa];
	[sflag:s20] =	ssyncadd.s32 $0xFFFFF000  }
0x4d: {  	[spmem:s3] =	stream.indirect.scatter.add.bf16 [tilespmem:s16], [sflag:$0x5], $0x20, s12, s14, $0xb8;
	[tilespmem:$0xF000] =	vst v63  }
0x4e: {  	_ =	swait.ge [sflag:s11], $0x1000  }
0x4f: {  	[sflag:s11] =	ssyncset.done $0x0  }
0x50: {  	s9 =	rddreg [dreg:$0xb];
	[sflag:s11] =	ssyncadd.s32 $0xFFFFF000  }
0x51: {  	[tilespmem:s16], [sflag:$0x2] =	stream.indirect.gather [spmem:s2], $0x20, s9, s14, $0xb8;
	[tilespmem:$0xF000] =	vst v63  }
0x52: {  	_ =	swait.ge [sflag:s21], $0x1000  }
0x53: {  	[sflag:s21] =	ssyncset.done $0x0  }
0x54: {  	s10 =	rddreg [dreg:$0xc];
	[sflag:s21] =	ssyncadd.s32 $0xFFFFF000  }
0x55: {  	[spmem:s3] =	stream.indirect.scatter.add.bf16 [tilespmem:s17], [sflag:$0x5], $0x20, s10, s14, $0xb8;
	[tilespmem:$0xF000] =	vst v63  }
0x56: {  	_ =	swait.ge [sflag:s11], $0x1000  }
0x57: {  	[sflag:s11] =	ssyncset.done $0x0  }
0x58: {  	s12 =	rddreg [dreg:$0xd];
	[sflag:s11] =	ssyncadd.s32 $0xFFFFF000  }
0x59: {  	[tilespmem:s17], [sflag:$0x3] =	stream.indirect.gather [spmem:s2], $0x20, s12, s14, $0xb8;
	[tilespmem:$0xF000] =	vst v63  }
0x5a: {  	_ =	swait.ge [sflag:s22], $0x1000  }
0x5b: {  	[sflag:s22] =	ssyncset.done $0x0  }
0x5c: {  	s9 =	rddreg [dreg:$0xe];
	[sflag:s22] =	ssyncadd.s32 $0xFFFFF000  }
0x5d: {  	[spmem:s3] =	stream.indirect.scatter.add.bf16 [tilespmem:s18], [sflag:$0x5], $0x20, s9, s14, $0xb8;
	[tilespmem:$0xF000] =	vst v63  }
0x5e: {  	_ =	swait.ge [sflag:s11], $0x1000  }
0x5f: {  	[sflag:s11] =	ssyncset.done $0x0  }
0x60: {  	s10 =	rddreg [dreg:$0xf];
	[sflag:s11] =	ssyncadd.s32 $0xFFFFF000  }
0x61: {  	[tilespmem:s18], [sflag:$0x4] =	stream.indirect.gather [spmem:s2], $0x20, s10, s14, $0xb8;
	[tilespmem:$0xF000] =	vst v63  }
0x62: {  	_ =	swait.ge [sflag:s19], $0x1000  }
0x63: {  	[sflag:s19] =	ssyncset.done $0x0  }
0x64: {  	s12 =	rddreg [dreg:$0x10];
	[sflag:s19] =	ssyncadd.s32 $0xFFFFF000  }
0x65: {  	[spmem:s3] =	stream.indirect.scatter.add.bf16 [tilespmem:s15], [sflag:$0x5], $0x20, s12, s14, $0xb8;
	[tilespmem:$0xF000] =	vst v63  }
0x66: {  	_ =	swait.ge [sflag:s11], $0x1000  }
0x67: {  	[sflag:s11] =	ssyncset.done $0x0  }
0x68: {  	s9 =	rddreg [dreg:$0x11];
	[sflag:s11] =	ssyncadd.s32 $0xFFFFF000  }
0x69: {  	[tilespmem:s15], [sflag:$0x1] =	stream.indirect.gather [spmem:s2], $0x20, s9, s14, $0xb8;
	[tilespmem:$0xF000] =	vst v63  }
0x6a: {  	_ =	swait.ge [sflag:s20], $0x1000  }
0x6b: {  	[sflag:s20] =	ssyncset.done $0x0  }
0x6c: {  	s10 =	rddreg [dreg:$0x12];
	[sflag:s20] =	ssyncadd.s32 $0xFFFFF000  }
0x6d: {  	[spmem:s3] =	stream.indirect.scatter.add.bf16 [tilespmem:s16], [sflag:$0x5], $0x20, s10, s14, $0xb8;
	[tilespmem:$0xF000] =	vst v63  }
0x6e: {  	_ =	swait.ge [sflag:s11], $0x1000  }
0x6f: {  	[sflag:s11] =	ssyncset.done $0x0  }
0x70: {  	s12 =	rddreg [dreg:$0x13];
	[sflag:s11] =	ssyncadd.s32 $0xFFFFF000  }
0x71: {  	[tilespmem:s16], [sflag:$0x2] =	stream.indirect.gather [spmem:s2], $0x20, s12, s14, $0xb8;
	[tilespmem:$0xF000] =	vst v63  }
0x72: {  	_ =	swait.ge [sflag:s21], $0x1000  }
0x73: {  	[sflag:s21] =	ssyncset.done $0x0  }
0x74: {  	s9 =	rddreg [dreg:$0x14];
	[sflag:s21] =	ssyncadd.s32 $0xFFFFF000  }
0x75: {  	[spmem:s3] =	stream.indirect.scatter.add.bf16 [tilespmem:s17], [sflag:$0x5], $0x20, s9, s14, $0xb8;
	[tilespmem:$0xF000] =	vst v63  }
0x76: {  	_ =	swait.ge [sflag:s11], $0x1000  }
0x77: {  	[sflag:s11] =	ssyncset.done $0x0  }
0x78: {  	s10 =	rddreg [dreg:$0x15];
	[sflag:s11] =	ssyncadd.s32 $0xFFFFF000  }
0x79: {  	[tilespmem:s17], [sflag:$0x3] =	stream.indirect.gather [spmem:s2], $0x20, s10, s14, $0xb8;
	[tilespmem:$0xF000] =	vst v63  }
0x7a: {  	_ =	swait.ge [sflag:s22], $0x1000  }
0x7b: {  	[sflag:s22] =	ssyncset.done $0x0  }
0x7c: {  	s12 =	rddreg [dreg:$0x16];
	[sflag:s22] =	ssyncadd.s32 $0xFFFFF000  }
0x7d: {  	[spmem:s3] =	stream.indirect.scatter.add.bf16 [tilespmem:s18], [sflag:$0x5], $0x20, s12, s14, $0xb8;
	[tilespmem:$0xF000] =	vst v63  }
0x7e: {  	_ =	swait.ge [sflag:s11], $0x1000  }
0x7f: {  	[sflag:s11] =	ssyncset.done $0x0  }
0x80: {  	[sflag:s11] =	ssyncadd.s32 $0xFFFFF000  }
0x81: {  	[tilespmem:s18], [sflag:$0x4] =	stream.indirect.gather [spmem:s2], $0x20, s23, s14, $0xb8;
	[tilespmem:$0xF000] =	vst v63  }
0x82: {  	_ =	swait.ge [sflag:s19], $0x1000  }
0x83: {  	[sflag:s19] =	ssyncset.done $0x0  }
0x84: {  	[sflag:s19] =	ssyncadd.s32 $0xFFFFF000  }
0x85: {  	[spmem:s3] =	stream.indirect.scatter.add.bf16 [tilespmem:s15], [sflag:$0x5], $0x20, s24, s14, $0xb8;
	[tilespmem:$0xF000] =	vst v63  }
0x86: {  	_ =	swait.ge [sflag:s11], $0x1000  }
0x87: {  	[sflag:s11] =	ssyncset.done $0x0  }
0x88: {  	[sflag:s11] =	ssyncadd.s32 $0xFFFFF000  }
0x89: {  	[tilespmem:s15], [sflag:$0x1] =	stream.indirect.gather [spmem:s2], $0x20, s25, s14, $0xb8;
	[tilespmem:$0xF000] =	vst v63  }
0x8a: {  	_ =	swait.ge [sflag:s20], $0x1000  }
0x8b: {  	[sflag:s20] =	ssyncset.done $0x0  }
0x8c: {  	[sflag:s20] =	ssyncadd.s32 $0xFFFFF000  }
0x8d: {  	[spmem:s3] =	stream.indirect.scatter.add.bf16 [tilespmem:s16], [sflag:$0x5], $0x20, s26, s14, $0xb8;
	[tilespmem:$0xF000] =	vst v63  }
0x8e: {  	_ =	swait.ge [sflag:s11], $0x1000  }
0x8f: {  	[sflag:s11] =	ssyncset.done $0x0  }
0x90: {  	[sflag:s11] =	ssyncadd.s32 $0xFFFFF000  }
0x91: {  	[tilespmem:s16], [sflag:$0x2] =	stream.indirect.gather [spmem:s2], $0x20, s28, s14, $0xb8;
	[tilespmem:$0xF000] =	vst v63  }
0x92: {  	_ =	swait.ge [sflag:s21], $0x1000  }
0x93: {  	[sflag:s21] =	ssyncset.done $0x0  }
0x94: {  	[sflag:s21] =	ssyncadd.s32 $0xFFFFF000  }
0x95: {  	[spmem:s3] =	stream.indirect.scatter.add.bf16 [tilespmem:s17], [sflag:$0x5], $0x20, s29, s14, $0xb8;
	[tilespmem:$0xF000] =	vst v63  }
0x96: {  	_ =	swait.ge [sflag:s11], $0x1000  }
0x97: {  	[sflag:s11] =	ssyncset.done $0x0  }
0x98: {  	[sflag:s11] =	ssyncadd.s32 $0xFFFFF000  }
0x99: {  	[tilespmem:s17], [sflag:$0x3] =	stream.indirect.gather [spmem:s2], $0x20, s30, s14, $0xb8;
	[tilespmem:$0xF000] =	vst v63  }
0x9a: {  	_ =	swait.ge [sflag:s22], $0x1000  }
0x9b: {  	[sflag:s22] =	ssyncset.done $0x0  }
0x9c: {  	[sflag:s22] =	ssyncadd.s32 $0xFFFFF000  }
0x9d: {  	[spmem:s3] =	stream.indirect.scatter.add.bf16 [tilespmem:s18], [sflag:$0x5], $0x20, s31, s14, $0xb8;
	[tilespmem:$0xF000] =	vst v63  }
0x9e: {  	_ =	swait.ge [sflag:s11], $0x1000  }
0x9f: {  	[sflag:s11] =	ssyncset.done $0x0  }
0xa0: {  	[sflag:s11] =	ssyncadd.s32 $0xFFFFF000  }
0xa1: {  	[tilespmem:s18], [sflag:$0x4] =	stream.indirect.gather [spmem:s2], $0x20, s1, s14, $0xb8;
	[tilespmem:$0xF000] =	vst v63  }
0xa2: {  	_ =	swait.ge [sflag:s19], $0x1000  }
0xa3: {  	[sflag:s19] =	ssyncset.done $0x0  }
0xa4: {  	[sflag:s19] =	ssyncadd.s32 $0xFFFFF000  }
0xa5: {  	[spmem:s3] =	stream.indirect.scatter.add.bf16 [tilespmem:s15], [sflag:$0x5], $0x20, s0, s14, $0xb8;
	[tilespmem:$0xF000] =	vst v63  }
0xa6: {  	_ =	swait.ge [sflag:s11], $0x1000  }
0xa7: {  	[sflag:s11] =	ssyncset.done $0x0  }
0xa8: {  	[sflag:s11] =	ssyncadd.s32 $0xFFFFF000  }
0xa9: {  	_ =	swait.ge [sflag:s20], $0x1000  }
0xaa: {  	[sflag:s20] =	ssyncset.done $0x0  }
0xab: {  	[sflag:s20] =	ssyncadd.s32 $0xFFFFF000  }
0xac: {  	[spmem:s3] =	stream.indirect.scatter.add.bf16 [tilespmem:s16], [sflag:$0x5], $0x20, s5, s14, $0xb8;
	[tilespmem:$0xF000] =	vst v63  }
0xad: {  	_ =	swait.ge [sflag:s11], $0x1000  }
0xae: {  	[sflag:s11] =	ssyncset.done $0x0  }
0xaf: {  	[sflag:s11] =	ssyncadd.s32 $0xFFFFF000  }
0xb0: {  	_ =	swait.ge [sflag:s21], $0x1000  }
0xb1: {  	[sflag:s21] =	ssyncset.done $0x0  }
0xb2: {  	[sflag:s21] =	ssyncadd.s32 $0xFFFFF000  }
0xb3: {  	[spmem:s3] =	stream.indirect.scatter.add.bf16 [tilespmem:s17], [sflag:$0x5], $0x20, s7, s14, $0xb8;
	[tilespmem:$0xF000] =	vst v63  }
0xb4: {  	_ =	swait.ge [sflag:s11], $0x1000  }
0xb5: {  	[sflag:s11] =	ssyncset.done $0x0  }
0xb6: {  	[sflag:s11] =	ssyncadd.s32 $0xFFFFF000  }
0xb7: {  	_ =	swait.ge [sflag:s22], $0x1000  }
0xb8: {  	[sflag:s22] =	ssyncset.done $0x0  }
0xb9: {  	[sflag:s22] =	ssyncadd.s32 $0xFFFFF000  }
0xba: {  	[spmem:s3] =	stream.indirect.scatter.add.bf16 [tilespmem:s18], [sflag:$0x5], $0x20, s8, s14, $0xb8;
	[tilespmem:$0xF000] =	vst v63  }
0xbb: {  	s10 =	simm.s32 $0x100;
	_ =	swait.ge [sflag:s11], $0x1000  }
0xbc: {  	s12 =	simm.s32 $0x200;
	s6 =	rddreg [dreg:$0x6];
	[sflag:s11] =	ssyncset.done $0x0  }
.LBB2_2:
0xbd: {  	[sflag:s11] =	ssyncadd.s32 $0xFFFFF000;
	s6 =	sadd.s32 s10, s6  }
0xbe: {  	[tilespmem:s4], [sflag:$0x5] =	stream.linear.gather [hbm4b:s6+s4], $0x800, $0x38;
	[tilespmem:$0xF000] =	vst v63  }
0xbf: {  	_ =	swait.ge [sflag:s11], $0x800  }
0xc0: {  	s6 =	rddreg [dreg:$0x5];
	[sflag:s11] =	ssyncset.done $0x0  }
0xc1: {  	[sflag:s11] =	ssyncadd.s32 $0xFFFFF800;
	s6 =	sadd.s32 s10, s6  }
0xc2: {  	[tilespmem:s13], [sflag:$0x5] =	stream.linear.gather [hbm4b:s6+s4], $0x800, $0x38;
	[tilespmem:$0xF000] =	vst v63  }
0xc3: {  	_ =	swait.ge [sflag:s11], $0x800  }
0xc4: {  	[sflag:s11] =	ssyncset.done $0x0  }
0xc5: {  	[sflag:s11] =	ssyncadd.s32 $0xFFFFF800  }
0xc6: {  	[tilespmem:s15], [sflag:$0x1] =	stream.indirect.gather [spmem:s2], $0x20, s4, s14, $0xb8;
	[tilespmem:$0xF000] =	vst v63  }
0xc7: {  	_ = 	snop  }
0xc8: {  	[tilespmem:s16], [sflag:$0x2] =	stream.indirect.gather [spmem:s2], $0x20, s14, s14, $0xb8;
	[tilespmem:$0xF000] =	vst v63  }
0xc9: {  	s9 =	smov.u32 s12;
	s6 =	rddreg [dreg:$0x7]  }
0xca: {  	[tilespmem:s17], [sflag:$0x3] =	stream.indirect.gather [spmem:s2], $0x20, s6, s14, $0xb8;
	[tilespmem:$0xF000] =	vst v63  }
0xcb: {  	s10 =	smov.u32 s9;
	s9 =	rddreg [dreg:$0x8]  }
0xcc: {  	[tilespmem:s18], [sflag:$0x4] =	stream.indirect.gather [spmem:s2], $0x20, s9, s14, $0xb8;
	[tilespmem:$0xF000] =	vst v63  }
0xcd: {  	_ =	swait.ge [sflag:s19], $0x1000  }
0xce: {  	[sflag:s19] =	ssyncset.done $0x0  }
0xcf: {  	[sflag:s19] =	ssyncadd.s32 $0xFFFFF000  }
0xd0: {  	[spmem:s3] =	stream.indirect.scatter.add.bf16 [tilespmem:s15], [sflag:$0x5], $0x20, s13, s14, $0xb8;
	[tilespmem:$0xF000] =	vst v63  }
0xd1: {  	_ =	swait.ge [sflag:s11], $0x1000  }
0xd2: {  	[sflag:s11] =	ssyncset.done $0x0  }
0xd3: {  	s9 =	rddreg [dreg:$0x9];
	[sflag:s11] =	ssyncadd.s32 $0xFFFFF000  }
0xd4: {  	[tilespmem:s15], [sflag:$0x1] =	stream.indirect.gather [spmem:s2], $0x20, s9, s14, $0xb8;
	[tilespmem:$0xF000] =	vst v63  }
0xd5: {  	_ =	swait.ge [sflag:s20], $0x1000  }
0xd6: {  	[sflag:s20] =	ssyncset.done $0x0  }
0xd7: {  	s9 =	rddreg [dreg:$0xa];
	[sflag:s20] =	ssyncadd.s32 $0xFFFFF000  }
0xd8: {  	[spmem:s3] =	stream.indirect.scatter.add.bf16 [tilespmem:s16], [sflag:$0x5], $0x20, s9, s14, $0xb8;
	[tilespmem:$0xF000] =	vst v63  }
0xd9: {  	_ =	swait.ge [sflag:s11], $0x1000  }
0xda: {  	[sflag:s11] =	ssyncset.done $0x0  }
0xdb: {  	s9 =	rddreg [dreg:$0xb];
	[sflag:s11] =	ssyncadd.s32 $0xFFFFF000  }
0xdc: {  	[tilespmem:s16], [sflag:$0x2] =	stream.indirect.gather [spmem:s2], $0x20, s9, s14, $0xb8;
	[tilespmem:$0xF000] =	vst v63  }
0xdd: {  	_ =	swait.ge [sflag:s21], $0x1000  }
0xde: {  	[sflag:s21] =	ssyncset.done $0x0  }
0xdf: {  	s9 =	rddreg [dreg:$0xc];
	[sflag:s21] =	ssyncadd.s32 $0xFFFFF000  }
0xe0: {  	[spmem:s3] =	stream.indirect.scatter.add.bf16 [tilespmem:s17], [sflag:$0x5], $0x20, s9, s14, $0xb8;
	[tilespmem:$0xF000] =	vst v63  }
0xe1: {  	_ =	swait.ge [sflag:s11], $0x1000  }
0xe2: {  	[sflag:s11] =	ssyncset.done $0x0  }
0xe3: {  	s9 =	rddreg [dreg:$0xd];
	[sflag:s11] =	ssyncadd.s32 $0xFFFFF000  }
0xe4: {  	[tilespmem:s17], [sflag:$0x3] =	stream.indirect.gather [spmem:s2], $0x20, s9, s14, $0xb8;
	[tilespmem:$0xF000] =	vst v63  }
0xe5: {  	_ =	swait.ge [sflag:s22], $0x1000  }
0xe6: {  	[sflag:s22] =	ssyncset.done $0x0  }
0xe7: {  	s9 =	rddreg [dreg:$0xe];
	[sflag:s22] =	ssyncadd.s32 $0xFFFFF000  }
0xe8: {  	[spmem:s3] =	stream.indirect.scatter.add.bf16 [tilespmem:s18], [sflag:$0x5], $0x20, s9, s14, $0xb8;
	[tilespmem:$0xF000] =	vst v63  }
0xe9: {  	_ =	swait.ge [sflag:s11], $0x1000  }
0xea: {  	[sflag:s11] =	ssyncset.done $0x0  }
0xeb: {  	s9 =	rddreg [dreg:$0xf];
	[sflag:s11] =	ssyncadd.s32 $0xFFFFF000  }
0xec: {  	[tilespmem:s18], [sflag:$0x4] =	stream.indirect.gather [spmem:s2], $0x20, s9, s14, $0xb8;
	[tilespmem:$0xF000] =	vst v63  }
0xed: {  	_ =	swait.ge [sflag:s19], $0x1000  }
0xee: {  	[sflag:s19] =	ssyncset.done $0x0  }
0xef: {  	s9 =	rddreg [dreg:$0x10];
	[sflag:s19] =	ssyncadd.s32 $0xFFFFF000  }
0xf0: {  	[spmem:s3] =	stream.indirect.scatter.add.bf16 [tilespmem:s15], [sflag:$0x5], $0x20, s9, s14, $0xb8;
	[tilespmem:$0xF000] =	vst v63  }
0xf1: {  	_ =	swait.ge [sflag:s11], $0x1000  }
0xf2: {  	[sflag:s11] =	ssyncset.done $0x0  }
0xf3: {  	s9 =	rddreg [dreg:$0x11];
	[sflag:s11] =	ssyncadd.s32 $0xFFFFF000  }
0xf4: {  	[tilespmem:s15], [sflag:$0x1] =	stream.indirect.gather [spmem:s2], $0x20, s9, s14, $0xb8;
	[tilespmem:$0xF000] =	vst v63  }
0xf5: {  	_ =	swait.ge [sflag:s20], $0x1000  }
0xf6: {  	[sflag:s20] =	ssyncset.done $0x0  }
0xf7: {  	s9 =	rddreg [dreg:$0x12];
	[sflag:s20] =	ssyncadd.s32 $0xFFFFF000  }
0xf8: {  	[spmem:s3] =	stream.indirect.scatter.add.bf16 [tilespmem:s16], [sflag:$0x5], $0x20, s9, s14, $0xb8;
	[tilespmem:$0xF000] =	vst v63  }
0xf9: {  	_ =	swait.ge [sflag:s11], $0x1000  }
0xfa: {  	[sflag:s11] =	ssyncset.done $0x0  }
0xfb: {  	s9 =	rddreg [dreg:$0x13];
	[sflag:s11] =	ssyncadd.s32 $0xFFFFF000  }
0xfc: {  	[tilespmem:s16], [sflag:$0x2] =	stream.indirect.gather [spmem:s2], $0x20, s9, s14, $0xb8;
	[tilespmem:$0xF000] =	vst v63  }
0xfd: {  	_ =	swait.ge [sflag:s21], $0x1000  }
0xfe: {  	[sflag:s21] =	ssyncset.done $0x0  }
0xff: {  	s9 =	rddreg [dreg:$0x14];
	[sflag:s21] =	ssyncadd.s32 $0xFFFFF000  }
0x100: {  	[spmem:s3] =	stream.indirect.scatter.add.bf16 [tilespmem:s17], [sflag:$0x5], $0x20, s9, s14, $0xb8;
	[tilespmem:$0xF000] =	vst v63  }
0x101: {  	_ =	swait.ge [sflag:s11], $0x1000  }
0x102: {  	[sflag:s11] =	ssyncset.done $0x0  }
0x103: {  	s9 =	rddreg [dreg:$0x15];
	[sflag:s11] =	ssyncadd.s32 $0xFFFFF000  }
0x104: {  	[tilespmem:s17], [sflag:$0x3] =	stream.indirect.gather [spmem:s2], $0x20, s9, s14, $0xb8;
	[tilespmem:$0xF000] =	vst v63  }
0x105: {  	_ =	swait.ge [sflag:s22], $0x1000  }
0x106: {  	[sflag:s22] =	ssyncset.done $0x0  }
0x107: {  	s9 =	rddreg [dreg:$0x16];
	[sflag:s22] =	ssyncadd.s32 $0xFFFFF000  }
0x108: {  	[spmem:s3] =	stream.indirect.scatter.add.bf16 [tilespmem:s18], [sflag:$0x5], $0x20, s9, s14, $0xb8;
	[tilespmem:$0xF000] =	vst v63  }
0x109: {  	_ =	swait.ge [sflag:s11], $0x1000  }
0x10a: {  	[sflag:s11] =	ssyncset.done $0x0  }
0x10b: {  	[sflag:s11] =	ssyncadd.s32 $0xFFFFF000  }
0x10c: {  	[tilespmem:s18], [sflag:$0x4] =	stream.indirect.gather [spmem:s2], $0x20, s23, s14, $0xb8;
	[tilespmem:$0xF000] =	vst v63  }
0x10d: {  	_ =	swait.ge [sflag:s19], $0x1000  }
0x10e: {  	[sflag:s19] =	ssyncset.done $0x0  }
0x10f: {  	[sflag:s19] =	ssyncadd.s32 $0xFFFFF000  }
0x110: {  	[spmem:s3] =	stream.indirect.scatter.add.bf16 [tilespmem:s15], [sflag:$0x5], $0x20, s24, s14, $0xb8;
	[tilespmem:$0xF000] =	vst v63  }
0x111: {  	_ =	swait.ge [sflag:s11], $0x1000  }
0x112: {  	[sflag:s11] =	ssyncset.done $0x0  }
0x113: {  	[sflag:s11] =	ssyncadd.s32 $0xFFFFF000  }
0x114: {  	[tilespmem:s15], [sflag:$0x1] =	stream.indirect.gather [spmem:s2], $0x20, s25, s14, $0xb8;
	[tilespmem:$0xF000] =	vst v63  }
0x115: {  	_ =	swait.ge [sflag:s20], $0x1000  }
0x116: {  	[sflag:s20] =	ssyncset.done $0x0  }
0x117: {  	[sflag:s20] =	ssyncadd.s32 $0xFFFFF000  }
0x118: {  	[spmem:s3] =	stream.indirect.scatter.add.bf16 [tilespmem:s16], [sflag:$0x5], $0x20, s26, s14, $0xb8;
	[tilespmem:$0xF000] =	vst v63  }
0x119: {  	_ =	swait.ge [sflag:s11], $0x1000  }
0x11a: {  	[sflag:s11] =	ssyncset.done $0x0  }
0x11b: {  	[sflag:s11] =	ssyncadd.s32 $0xFFFFF000  }
0x11c: {  	[tilespmem:s16], [sflag:$0x2] =	stream.indirect.gather [spmem:s2], $0x20, s28, s14, $0xb8;
	[tilespmem:$0xF000] =	vst v63  }
0x11d: {  	_ =	swait.ge [sflag:s21], $0x1000  }
0x11e: {  	[sflag:s21] =	ssyncset.done $0x0  }
0x11f: {  	[sflag:s21] =	ssyncadd.s32 $0xFFFFF000  }
0x120: {  	[spmem:s3] =	stream.indirect.scatter.add.bf16 [tilespmem:s17], [sflag:$0x5], $0x20, s29, s14, $0xb8;
	[tilespmem:$0xF000] =	vst v63  }
0x121: {  	_ =	swait.ge [sflag:s11], $0x1000  }
0x122: {  	[sflag:s11] =	ssyncset.done $0x0  }
0x123: {  	[sflag:s11] =	ssyncadd.s32 $0xFFFFF000  }
0x124: {  	[tilespmem:s17], [sflag:$0x3] =	stream.indirect.gather [spmem:s2], $0x20, s30, s14, $0xb8;
	[tilespmem:$0xF000] =	vst v63  }
0x125: {  	_ =	swait.ge [sflag:s22], $0x1000  }
0x126: {  	[sflag:s22] =	ssyncset.done $0x0  }
0x127: {  	[sflag:s22] =	ssyncadd.s32 $0xFFFFF000  }
0x128: {  	[spmem:s3] =	stream.indirect.scatter.add.bf16 [tilespmem:s18], [sflag:$0x5], $0x20, s31, s14, $0xb8;
	[tilespmem:$0xF000] =	vst v63  }
0x129: {  	_ =	swait.ge [sflag:s11], $0x1000  }
0x12a: {  	[sflag:s11] =	ssyncset.done $0x0  }
0x12b: {  	[sflag:s11] =	ssyncadd.s32 $0xFFFFF000  }
0x12c: {  	[tilespmem:s18], [sflag:$0x4] =	stream.indirect.gather [spmem:s2], $0x20, s1, s14, $0xb8;
	[tilespmem:$0xF000] =	vst v63  }
0x12d: {  	_ =	swait.ge [sflag:s19], $0x1000  }
0x12e: {  	[sflag:s19] =	ssyncset.done $0x0  }
0x12f: {  	[sflag:s19] =	ssyncadd.s32 $0xFFFFF000  }
0x130: {  	[spmem:s3] =	stream.indirect.scatter.add.bf16 [tilespmem:s15], [sflag:$0x5], $0x20, s0, s14, $0xb8;
	[tilespmem:$0xF000] =	vst v63  }
0x131: {  	_ =	swait.ge [sflag:s11], $0x1000  }
0x132: {  	[sflag:s11] =	ssyncset.done $0x0  }
0x133: {  	[sflag:s11] =	ssyncadd.s32 $0xFFFFF000  }
0x134: {  	_ =	swait.ge [sflag:s20], $0x1000  }
0x135: {  	[sflag:s20] =	ssyncset.done $0x0  }
0x136: {  	[sflag:s20] =	ssyncadd.s32 $0xFFFFF000  }
0x137: {  	[spmem:s3] =	stream.indirect.scatter.add.bf16 [tilespmem:s16], [sflag:$0x5], $0x20, s5, s14, $0xb8;
	[tilespmem:$0xF000] =	vst v63  }
0x138: {  	_ =	swait.ge [sflag:s11], $0x1000  }
0x139: {  	[sflag:s11] =	ssyncset.done $0x0  }
0x13a: {  	[sflag:s11] =	ssyncadd.s32 $0xFFFFF000  }
0x13b: {  	_ =	swait.ge [sflag:s21], $0x1000  }
0x13c: {  	[sflag:s21] =	ssyncset.done $0x0  }
0x13d: {  	[sflag:s21] =	ssyncadd.s32 $0xFFFFF000  }
0x13e: {  	[spmem:s3] =	stream.indirect.scatter.add.bf16 [tilespmem:s17], [sflag:$0x5], $0x20, s7, s14, $0xb8;
	[tilespmem:$0xF000] =	vst v63  }
0x13f: {  	_ =	swait.ge [sflag:s11], $0x1000  }
0x140: {  	[sflag:s11] =	ssyncset.done $0x0  }
0x141: {  	[sflag:s11] =	ssyncadd.s32 $0xFFFFF000  }
0x142: {  	p0 =	sne.s32 s12, $0x400;
	_ =	swait.ge [sflag:s22], $0x1000  }
.Ltmp0:
0x143: {  	[sflag:s22] =	ssyncset.done $0x0;
	(pc) =	sbr.rel @p0 .LBB2_2-.Ltmp0, $4  }
0x144: {  	[sflag:s22] =	ssyncadd.s32 $0xFFFFF000  }
0x145: {  	[spmem:s3] =	stream.indirect.scatter.add.bf16 [tilespmem:s18], [sflag:$0x5], $0x20, s8, s14, $0xb8;
	[tilespmem:$0xF000] =	vst v63  }
0x146: {  	_ =	swait.ge [sflag:s11], $0x1000  }
0x147: {  	s12 =	sadd.s32 $0x100, s12;
	s6 =	rddreg [dreg:$0x6];
	[sflag:s11] =	ssyncset.done $0x0  }
0x148: {  	[sflag:s11] =	ssyncadd.s32 $0xFFFFF000;
	s6 =	sadd.s32 s10, s6  }
0x149: {  	[tilespmem:s4], [sflag:$0x5] =	stream.linear.gather [hbm4b:s6+s4], $0x800, $0x38;
	[tilespmem:$0xF000] =	vst v63  }
0x14a: {  	_ =	swait.ge [sflag:s11], $0x800  }
0x14b: {  	s9 =	rddreg [dreg:$0x5];
	[sflag:s11] =	ssyncset.done $0x0  }
0x14c: {  	[sflag:s11] =	ssyncadd.s32 $0xFFFFF800;
	s6 =	sadd.s32 s10, s9  }
0x14d: {  	[tilespmem:s13], [sflag:$0x5] =	stream.linear.gather [hbm4b:s6+s4], $0x800, $0x38;
	[tilespmem:$0xF000] =	vst v63  }
0x14e: {  	_ =	swait.ge [sflag:s11], $0x800  }
0x14f: {  	[sflag:s11] =	ssyncset.done $0x0  }
0x150: {  	[sflag:s11] =	ssyncadd.s32 $0xFFFFF800  }
0x151: {  	[tilespmem:s15], [sflag:$0x1] =	stream.indirect.gather [spmem:s2], $0x20, s4, s14, $0xb8;
	[tilespmem:$0xF000] =	vst v63  }
0x152: {  	_ = 	snop  }
0x153: {  	[tilespmem:s16], [sflag:$0x2] =	stream.indirect.gather [spmem:s2], $0x20, s14, s14, $0xb8;
	[tilespmem:$0xF000] =	vst v63  }
0x154: {  	s12 =	rddreg [dreg:$0x7]  }
0x155: {  	[tilespmem:s17], [sflag:$0x3] =	stream.indirect.gather [spmem:s2], $0x20, s12, s14, $0xb8;
	[tilespmem:$0xF000] =	vst v63  }
0x156: {  	s9 =	rddreg [dreg:$0x8]  }
0x157: {  	[tilespmem:s18], [sflag:$0x4] =	stream.indirect.gather [spmem:s2], $0x20, s9, s14, $0xb8;
	[tilespmem:$0xF000] =	vst v63  }
0x158: {  	_ =	swait.ge [sflag:s19], $0x1000  }
0x159: {  	[sflag:s19] =	ssyncset.done $0x0  }
0x15a: {  	[sflag:s19] =	ssyncadd.s32 $0xFFFFF000  }
0x15b: {  	[spmem:s3] =	stream.indirect.scatter.add.bf16 [tilespmem:s15], [sflag:$0x5], $0x20, s13, s14, $0xb8;
	[tilespmem:$0xF000] =	vst v63  }
0x15c: {  	_ =	swait.ge [sflag:s11], $0x1000  }
0x15d: {  	[sflag:s11] =	ssyncset.done $0x0  }
0x15e: {  	s10 =	rddreg [dreg:$0x9];
	[sflag:s11] =	ssyncadd.s32 $0xFFFFF000  }
0x15f: {  	[tilespmem:s15], [sflag:$0x1] =	stream.indirect.gather [spmem:s2], $0x20, s10, s14, $0xb8;
	[tilespmem:$0xF000] =	vst v63  }
0x160: {  	_ =	swait.ge [sflag:s20], $0x1000  }
0x161: {  	[sflag:s20] =	ssyncset.done $0x0  }
0x162: {  	s12 =	rddreg [dreg:$0xa];
	[sflag:s20] =	ssyncadd.s32 $0xFFFFF000  }
0x163: {  	[spmem:s3] =	stream.indirect.scatter.add.bf16 [tilespmem:s16], [sflag:$0x5], $0x20, s12, s14, $0xb8;
	[tilespmem:$0xF000] =	vst v63  }
0x164: {  	_ =	swait.ge [sflag:s11], $0x1000  }
0x165: {  	[sflag:s11] =	ssyncset.done $0x0  }
0x166: {  	s9 =	rddreg [dreg:$0xb];
	[sflag:s11] =	ssyncadd.s32 $0xFFFFF000  }
0x167: {  	[tilespmem:s16], [sflag:$0x2] =	stream.indirect.gather [spmem:s2], $0x20, s9, s14, $0xb8;
	[tilespmem:$0xF000] =	vst v63  }
0x168: {  	_ =	swait.ge [sflag:s21], $0x1000  }
0x169: {  	[sflag:s21] =	ssyncset.done $0x0  }
0x16a: {  	s10 =	rddreg [dreg:$0xc];
	[sflag:s21] =	ssyncadd.s32 $0xFFFFF000  }
0x16b: {  	[spmem:s3] =	stream.indirect.scatter.add.bf16 [tilespmem:s17], [sflag:$0x5], $0x20, s10, s14, $0xb8;
	[tilespmem:$0xF000] =	vst v63  }
0x16c: {  	_ =	swait.ge [sflag:s11], $0x1000  }
0x16d: {  	[sflag:s11] =	ssyncset.done $0x0  }
0x16e: {  	s12 =	rddreg [dreg:$0xd];
	[sflag:s11] =	ssyncadd.s32 $0xFFFFF000  }
0x16f: {  	[tilespmem:s17], [sflag:$0x3] =	stream.indirect.gather [spmem:s2], $0x20, s12, s14, $0xb8;
	[tilespmem:$0xF000] =	vst v63  }
0x170: {  	_ =	swait.ge [sflag:s22], $0x1000  }
0x171: {  	[sflag:s22] =	ssyncset.done $0x0  }
0x172: {  	s9 =	rddreg [dreg:$0xe];
	[sflag:s22] =	ssyncadd.s32 $0xFFFFF000  }
0x173: {  	[spmem:s3] =	stream.indirect.scatter.add.bf16 [tilespmem:s18], [sflag:$0x5], $0x20, s9, s14, $0xb8;
	[tilespmem:$0xF000] =	vst v63  }
0x174: {  	_ =	swait.ge [sflag:s11], $0x1000  }
0x175: {  	[sflag:s11] =	ssyncset.done $0x0  }
0x176: {  	s10 =	rddreg [dreg:$0xf];
	[sflag:s11] =	ssyncadd.s32 $0xFFFFF000  }
0x177: {  	[tilespmem:s18], [sflag:$0x4] =	stream.indirect.gather [spmem:s2], $0x20, s10, s14, $0xb8;
	[tilespmem:$0xF000] =	vst v63  }
0x178: {  	_ =	swait.ge [sflag:s19], $0x1000  }
0x179: {  	[sflag:s19] =	ssyncset.done $0x0  }
0x17a: {  	s12 =	rddreg [dreg:$0x10];
	[sflag:s19] =	ssyncadd.s32 $0xFFFFF000  }
0x17b: {  	[spmem:s3] =	stream.indirect.scatter.add.bf16 [tilespmem:s15], [sflag:$0x5], $0x20, s12, s14, $0xb8;
	[tilespmem:$0xF000] =	vst v63  }
0x17c: {  	_ =	swait.ge [sflag:s11], $0x1000  }
0x17d: {  	[sflag:s11] =	ssyncset.done $0x0  }
0x17e: {  	s9 =	rddreg [dreg:$0x11];
	[sflag:s11] =	ssyncadd.s32 $0xFFFFF000  }
0x17f: {  	[tilespmem:s15], [sflag:$0x1] =	stream.indirect.gather [spmem:s2], $0x20, s9, s14, $0xb8;
	[tilespmem:$0xF000] =	vst v63  }
0x180: {  	_ =	swait.ge [sflag:s20], $0x1000  }
0x181: {  	[sflag:s20] =	ssyncset.done $0x0  }
0x182: {  	s10 =	rddreg [dreg:$0x12];
	[sflag:s20] =	ssyncadd.s32 $0xFFFFF000  }
0x183: {  	[spmem:s3] =	stream.indirect.scatter.add.bf16 [tilespmem:s16], [sflag:$0x5], $0x20, s10, s14, $0xb8;
	[tilespmem:$0xF000] =	vst v63  }
0x184: {  	_ =	swait.ge [sflag:s11], $0x1000  }
0x185: {  	[sflag:s11] =	ssyncset.done $0x0  }
0x186: {  	s12 =	rddreg [dreg:$0x13];
	[sflag:s11] =	ssyncadd.s32 $0xFFFFF000  }
0x187: {  	[tilespmem:s16], [sflag:$0x2] =	stream.indirect.gather [spmem:s2], $0x20, s12, s14, $0xb8;
	[tilespmem:$0xF000] =	vst v63  }
0x188: {  	_ =	swait.ge [sflag:s21], $0x1000  }
0x189: {  	[sflag:s21] =	ssyncset.done $0x0  }
0x18a: {  	s9 =	rddreg [dreg:$0x14];
	[sflag:s21] =	ssyncadd.s32 $0xFFFFF000  }
0x18b: {  	[spmem:s3] =	stream.indirect.scatter.add.bf16 [tilespmem:s17], [sflag:$0x5], $0x20, s9, s14, $0xb8;
	[tilespmem:$0xF000] =	vst v63  }
0x18c: {  	_ =	swait.ge [sflag:s11], $0x1000  }
0x18d: {  	[sflag:s11] =	ssyncset.done $0x0  }
0x18e: {  	s10 =	rddreg [dreg:$0x15];
	[sflag:s11] =	ssyncadd.s32 $0xFFFFF000  }
0x18f: {  	[tilespmem:s17], [sflag:$0x3] =	stream.indirect.gather [spmem:s2], $0x20, s10, s14, $0xb8;
	[tilespmem:$0xF000] =	vst v63  }
0x190: {  	_ =	swait.ge [sflag:s22], $0x1000  }
0x191: {  	[sflag:s22] =	ssyncset.done $0x0  }
0x192: {  	s12 =	rddreg [dreg:$0x16];
	[sflag:s22] =	ssyncadd.s32 $0xFFFFF000  }
0x193: {  	[spmem:s3] =	stream.indirect.scatter.add.bf16 [tilespmem:s18], [sflag:$0x5], $0x20, s12, s14, $0xb8;
	[tilespmem:$0xF000] =	vst v63  }
0x194: {  	_ =	swait.ge [sflag:s11], $0x1000  }
0x195: {  	[sflag:s11] =	ssyncset.done $0x0  }
0x196: {  	[sflag:s11] =	ssyncadd.s32 $0xFFFFF000  }
0x197: {  	[tilespmem:s18], [sflag:$0x4] =	stream.indirect.gather [spmem:s2], $0x20, s23, s14, $0xb8;
	[tilespmem:$0xF000] =	vst v63  }
0x198: {  	_ =	swait.ge [sflag:s19], $0x1000  }
0x199: {  	[sflag:s19] =	ssyncset.done $0x0  }
0x19a: {  	[sflag:s19] =	ssyncadd.s32 $0xFFFFF000  }
0x19b: {  	[spmem:s3] =	stream.indirect.scatter.add.bf16 [tilespmem:s15], [sflag:$0x5], $0x20, s24, s14, $0xb8;
	[tilespmem:$0xF000] =	vst v63  }
0x19c: {  	_ =	swait.ge [sflag:s11], $0x1000  }
0x19d: {  	[sflag:s11] =	ssyncset.done $0x0  }
0x19e: {  	[sflag:s11] =	ssyncadd.s32 $0xFFFFF000  }
0x19f: {  	[tilespmem:s15], [sflag:$0x1] =	stream.indirect.gather [spmem:s2], $0x20, s25, s14, $0xb8;
	[tilespmem:$0xF000] =	vst v63  }
0x1a0: {  	_ =	swait.ge [sflag:s20], $0x1000  }
0x1a1: {  	[sflag:s20] =	ssyncset.done $0x0  }
0x1a2: {  	[sflag:s20] =	ssyncadd.s32 $0xFFFFF000  }
0x1a3: {  	[spmem:s3] =	stream.indirect.scatter.add.bf16 [tilespmem:s16], [sflag:$0x5], $0x20, s26, s14, $0xb8;
	[tilespmem:$0xF000] =	vst v63  }
0x1a4: {  	_ =	swait.ge [sflag:s11], $0x1000  }
0x1a5: {  	[sflag:s11] =	ssyncset.done $0x0  }
0x1a6: {  	[sflag:s11] =	ssyncadd.s32 $0xFFFFF000  }
0x1a7: {  	[tilespmem:s16], [sflag:$0x2] =	stream.indirect.gather [spmem:s2], $0x20, s28, s14, $0xb8;
	[tilespmem:$0xF000] =	vst v63  }
0x1a8: {  	_ =	swait.ge [sflag:s21], $0x1000  }
0x1a9: {  	[sflag:s21] =	ssyncset.done $0x0  }
0x1aa: {  	[sflag:s21] =	ssyncadd.s32 $0xFFFFF000  }
0x1ab: {  	[spmem:s3] =	stream.indirect.scatter.add.bf16 [tilespmem:s17], [sflag:$0x5], $0x20, s29, s14, $0xb8;
	[tilespmem:$0xF000] =	vst v63  }
0x1ac: {  	_ =	swait.ge [sflag:s11], $0x1000  }
0x1ad: {  	[sflag:s11] =	ssyncset.done $0x0  }
0x1ae: {  	[sflag:s11] =	ssyncadd.s32 $0xFFFFF000  }
0x1af: {  	[tilespmem:s17], [sflag:$0x3] =	stream.indirect.gather [spmem:s2], $0x20, s30, s14, $0xb8;
	[tilespmem:$0xF000] =	vst v63  }
0x1b0: {  	_ =	swait.ge [sflag:s22], $0x1000  }
0x1b1: {  	[sflag:s22] =	ssyncset.done $0x0  }
0x1b2: {  	[sflag:s22] =	ssyncadd.s32 $0xFFFFF000  }
0x1b3: {  	[spmem:s3] =	stream.indirect.scatter.add.bf16 [tilespmem:s18], [sflag:$0x5], $0x20, s31, s14, $0xb8;
	[tilespmem:$0xF000] =	vst v63  }
0x1b4: {  	_ =	swait.ge [sflag:s11], $0x1000  }
0x1b5: {  	[sflag:s11] =	ssyncset.done $0x0  }
0x1b6: {  	[sflag:s11] =	ssyncadd.s32 $0xFFFFF000  }
0x1b7: {  	[tilespmem:s18], [sflag:$0x4] =	stream.indirect.gather [spmem:s2], $0x20, s1, s14, $0xb8;
	[tilespmem:$0xF000] =	vst v63  }
0x1b8: {  	_ =	swait.ge [sflag:s19], $0x1000  }
0x1b9: {  	[sflag:s19] =	ssyncset.done $0x0  }
0x1ba: {  	[sflag:s19] =	ssyncadd.s32 $0xFFFFF000  }
0x1bb: {  	[spmem:s3] =	stream.indirect.scatter.add.bf16 [tilespmem:s15], [sflag:$0x5], $0x20, s0, s14, $0xb8;
	[tilespmem:$0xF000] =	vst v63  }
0x1bc: {  	_ =	swait.ge [sflag:s11], $0x1000  }
0x1bd: {  	[sflag:s11] =	ssyncset.done $0x0  }
0x1be: {  	[sflag:s11] =	ssyncadd.s32 $0xFFFFF000  }
0x1bf: {  	_ =	swait.ge [sflag:s20], $0x1000  }
0x1c0: {  	[sflag:s20] =	ssyncset.done $0x0  }
0x1c1: {  	[sflag:s20] =	ssyncadd.s32 $0xFFFFF000  }
0x1c2: {  	[spmem:s3] =	stream.indirect.scatter.add.bf16 [tilespmem:s16], [sflag:$0x5], $0x20, s5, s14, $0xb8;
	[tilespmem:$0xF000] =	vst v63  }
0x1c3: {  	_ =	swait.ge [sflag:s11], $0x1000  }
0x1c4: {  	[sflag:s11] =	ssyncset.done $0x0  }
0x1c5: {  	[sflag:s11] =	ssyncadd.s32 $0xFFFFF000  }
0x1c6: {  	_ =	swait.ge [sflag:s21], $0x1000  }
0x1c7: {  	[sflag:s21] =	ssyncset.done $0x0  }
0x1c8: {  	[sflag:s21] =	ssyncadd.s32 $0xFFFFF000  }
0x1c9: {  	[spmem:s3] =	stream.indirect.scatter.add.bf16 [tilespmem:s17], [sflag:$0x5], $0x20, s7, s14, $0xb8;
	[tilespmem:$0xF000] =	vst v63  }
0x1ca: {  	_ =	swait.ge [sflag:s11], $0x1000  }
0x1cb: {  	[sflag:s11] =	ssyncset.done $0x0  }
0x1cc: {  	[sflag:s11] =	ssyncadd.s32 $0xFFFFF000  }
0x1cd: {  	_ =	swait.ge [sflag:s22], $0x1000  }
0x1ce: {  	[sflag:s22] =	ssyncset.done $0x0  }
0x1cf: {  	[sflag:s22] =	ssyncadd.s32 $0xFFFFF000  }
0x1d0: {  	[spmem:s3] =	stream.indirect.scatter.add.bf16 [tilespmem:s18], [sflag:$0x5], $0x20, s8, s14, $0xb8;
	[tilespmem:$0xF000] =	vst v63  }
0x1d1: {  	_ =	swait.ge [sflag:s11], $0x1000  }
0x1d2: {  	[sflag:s11] =	ssyncset.done $0x0  }
0x1d3: {  	[sflag:s11] =	ssyncadd.s32 $0xFFFFF000  }
0x1d4: {  	[bflag:$0x0] =	sbarrier.arrive $0xFFFF  }
0x1d5: {  	s12 =	rddreg [dreg:$0x18]  }
0x1d6: {  	s9 =	rddreg [dreg:$0x1a]  }
0x1d7: {  	s10 =	rddreg [dreg:$0x1d]  }
0x1d8: {  	[hbm:s9], [sflag:s12] =	dma.local [spmem:s10], $0xA00  }
0x1d9: {  	_ =	swait.ge [sflag:s11], $0xA00  }
0x1da: {  	s6 =	rddreg [dreg:$0x1e]  }
0x1db: {  	s9 =	sadd.s32 $0x1, s6;
	s6 =	rddreg [dreg:$0x1b]  }
0x1dc: {  	p0 =	sne.s32 s9, s6  }
.Ltmp1:
0x1dd: {  	_ = 	snop;
	(pc) =	sbr.rel @p0 .LBB2_1-.Ltmp1, $3  }
0x1de: {  	_ =	sdelay $0x1  }
0x1df: {  	[sflag:s11] =	ssyncset.done $0x0  }
0x1e0: {  	[sflag:s11] =	ssyncadd.s32 $0xFFFFF600  }
0x1e1: {  	_ =	sfence.sel $0x180000  }
0x1e2: {  	[bflag:$0x0] =	sbarrier.arrive $0xFFFF  }
0x1e3: {  	_ =	strace $0x9000004D  }
0x1e4: {  	s0 =	stileid.u32;
	[bflag:$0x2] =	sbarrier.arrive $0xFFFF  }
0x1e5: {  	p0 =	sne.s32 s0, $0x0;
	s0 =	rddreg [dreg:$0x4]  }
0x1e6: {  	s0 =	sadd.s32 @!p0 $0x100000, s0  }
0x1e7: {  	[sflag:s0] =	ssyncadd.tile.s32 @!p0 $0x1;
	_ =	shalt  }
.Lfunc_end2:
_tile_overlayer_lowered:
.L_overlay_start_2:
0x1e8: {  	(tag) =	ssettag $0x2  }
0x1e9: {  	s0 =	rddreg [dreg:$0x0];
	s2 =	stileid.u32  }
0x1ea: {  	s1 =	rddreg [dreg:$0x1];
	p0 =	sne.s32 s2, $0x0  }
0x1eb: {  	s3 =	rddreg [dreg:$0x2];
	[bflag:$0x3] =	sbarrier.arrive $0xFFFF;
	s2 =	simm.s32 @!p0 $0x1C05  }
0x1ec: {  	[timem:s3], [sflag:s2] =	dma.local @!p0 [hbm:s0], s1  }
0x1ed: {  	s0 =	simm.s32 @!p0 $0x5  }
0x1ee: {  	_ =	swait.ge @!p0 [sflag:s0], s1  }
0x1ef: {  	s1 =	ssub.s32 @!p0 $0x0, s1;
	[sflag:s0] =	ssyncset.done @!p0 $0x0  }
0x1f0: {  	[sflag:s0] =	ssyncadd.s32 @!p0 s1  }
0x1f1: {  	[bflag:$0x3] =	sbarrier.arrive $0xFFFF  }
0x1f2: {  	_ =	shalt  }

// kernel: kernel.8.cloned.1.call-start
scs
__scs_entry_jumppad:
0x0: {  	(pc) =	sbr.rel $0x88, $3  }
0x1: {  	(tag) =	ssettag $0x0;
	lr =	simm.s32 $0x1  }
0x2: {  	[smem:$0x3F9B] =	sst lr;
	_ =	strace $0xD0000000  }
0x3: {  	_ = 	snop  }
0x4: {  	_ = 	snop  }
0x5: {  	_ = 	snop  }
0x6: {  	_ = 	snop  }
0x7: {  	_ = 	snop  }
__scs_overlays_trampoline_lowered:
0x8: {  	[smem:$0x3FAA] =	sst s0  }
0x9: {  	[smem:$0x3FAB] =	sst s1  }
0xa: {  	[smem:$0x3FAC] =	sst s2  }
0xb: {  	[smem:$0x3FAD] =	sst s3  }
0xc: {  	[smem:$0x3FAE] =	sst s4  }
0xd: {  	[smem:$0x3FAF] =	sst s5  }
0xe: {  	[smem:$0x3FB0] =	sst s6  }
0xf: {  	[smem:$0x3FB1] =	sst s7  }
0x10: {  	[smem:$0x3FB2] =	sst s8  }
0x11: {  	[smem:$0x3FB3] =	sst s9;
	s0 =	simm.s32 @!p0 $0x0  }
0x12: {  	s1 =	sld [smem:$0x3F99];
	s0 =	simm.s32 @p0 $0x1  }
0x13: {  	[smem:$0x3FB4] =	sst s0;
	s0 =	simm.s32 @!p1 $0x0  }
0x14: {  	s2 =	sld [smem:$0x3F98];
	s0 =	simm.s32 @p1 $0x1  }
0x15: {  	[smem:$0x3FB5] =	sst s0;
	s0 =	simm.s32 @!p2 $0x0  }
0x16: {  	s3 =	sld [smem:$0x3FDB];
	s0 =	simm.s32 @p2 $0x1  }
0x17: {  	s4 =	simm.s32 $0x1BF5;
	[smem:$0x3FB7] =	sst s0  }
0x18: {  	s0 =	sld [smem:$0x3F9A];
	_ =	swait.ge [sflag:s4], $0x0  }
0x19: {  	s7 =	sld [smem:$0x3F9B]  }
0x1a: {  	s8 =	sadd.s32 $0xFFFFE003, lr  }
0x1b: {  	s9 =	sadd.s32 $0xFFFFFEF7, lr;
	s5 =	simm.s32 $0xFFFFFFFF;
	p2 =	slt.u32 s8, $0xFFFFF086  }
0x1c: {  	p1 =	slt.u32 s9, $0xF7A;
	s5 =	simm.s32 @!p2 $0x0  }
0x1d: {  	s5 =	simm.s32 @p1 $0x1;
	p0 =	seq.s32 s7, s2  }
0x1e: {  	s7 =	smul.u32 @!p0 $0xF7A, s2;
	p2 =	seq.s32 @!p0 s5, $0x0  }
0x1f: {  	s9 =	smul.u32 $0xF7A, s1;
	s8 =	simm.s32 @!p0 $0x1BF5;
	p2 =	por !p2, p0  }
0x20: {  	[sflag:s8] =	ssyncset.s32 @!p0 $0xFFFFF086;
	s6 =	sadd.s32 @!p0 s3, s7;
	s7 =	simm.s32 @!p0 $0x108  }
0x21: {  	s3 =	sadd.s32 s3, s9;
	s6 =	sadd.s32 @!p0 $0x88, s6;
	s7 =	simm.s32 @p2 $0x1082  }
0x22: {  	[simem:s7], [sflag:s8] =	dma.local @!p0 [hbm:s6], $0xF7A  }
0x23: {  	s9 =	sor.u32 $0xD0000000, s2;
	s6 =	simm.s32 $0x108;
	_ =	swait.ge @!p0 [sflag:s8], $0x0  }
0x24: {  	s3 =	sadd.s32 $0x88, s3;
	s6 =	simm.s32 @!p1 $0x1082;
	[sflag:s4] =	ssyncset.s32 $0xFFFFF086  }
0x25: {  	[simem:s6], [sflag:s4] =	dma.local [hbm:s3], $0xF7A  }
0x26: {  	[smem:$0x3F9B] =	sst s1;
	(tag) =	ssettag s2;
	_ =	strace s9  }
0x27: {  	s1 =	sld [smem:$0x3FAB]  }
0x28: {  	s2 =	sld [smem:$0x3FAC]  }
0x29: {  	s4 =	sld [smem:$0x3FAE]  }
0x2a: {  	p0 =	seq.s32 s5, $0x0;
	s5 =	sld [smem:$0x3FAF]  }
0x2b: {  	s6 =	sld [smem:$0x3FB0]  }
0x2c: {  	s7 =	sld [smem:$0x3FB1]  }
0x2d: {  	s3 =	simm.s32 $0x108;
	s8 =	sld [smem:$0x3FB2]  }
0x2e: {  	s3 =	simm.s32 @!p0 $0x1082;
	s9 =	sld [smem:$0x3FB3]  }
0x2f: {  	lr =	sadd.s32 s0, s3;
	s0 =	sld [smem:$0x3FAA]  }
0x30: {  	s3 =	sld [smem:$0x3FAD]  }
0x31: {  	[smem:$0x3FB6] =	sst s10  }
0x32: {  	s10 =	sld [smem:$0x3FB4];
	_ =	sdelay $0x3  }
0x33: {  	p0 =	seq.s32 s10, $0x1;
	s10 =	sld [smem:$0x3FB6];
	_ =	sdelay $0x3  }
0x34: {  	[smem:$0x3FB6] =	sst s10  }
0x35: {  	s10 =	sld [smem:$0x3FB5];
	_ =	sdelay $0x3  }
0x36: {  	p1 =	seq.s32 s10, $0x1;
	s10 =	sld [smem:$0x3FB6];
	_ =	sdelay $0x3  }
0x37: {  	[smem:$0x3FB6] =	sst s10  }
0x38: {  	s10 =	sld [smem:$0x3FB7]  }
0x39: {  	_ = 	snop;
	(pc) =	sbr.ind lr, $3  }
0x3a: {  	_ = 	snop  }
0x3b: {  	_ = 	snop  }
0x3c: {  	p2 =	seq.s32 s10, $0x1;
	s10 =	sld [smem:$0x3FB6]  }
0x3d: {  	_ =	shalt  }
0x3e: {  	_ =	shalt  }
0x3f: {  	_ =	shalt  }
0x40: {  	_ =	shalt  }
0x41: {  	_ =	shalt  }
0x42: {  	_ =	shalt  }
0x43: {  	_ =	shalt  }
0x44: {  	_ =	shalt  }
0x45: {  	_ =	shalt  }
0x46: {  	_ =	shalt  }
0x47: {  	_ =	shalt  }
0x48: {  	_ =	shalt  }
0x49: {  	_ =	shalt  }
0x4a: {  	_ =	shalt  }
0x4b: {  	_ =	shalt  }
0x4c: {  	_ =	shalt  }
0x4d: {  	_ =	shalt  }
0x4e: {  	_ =	shalt  }
0x4f: {  	_ =	shalt  }
0x50: {  	_ =	shalt  }
0x51: {  	_ =	shalt  }
0x52: {  	_ =	shalt  }
0x53: {  	_ =	shalt  }
0x54: {  	_ =	shalt  }
0x55: {  	_ =	shalt  }
0x56: {  	_ =	shalt  }
0x57: {  	_ =	shalt  }
0x58: {  	_ =	shalt  }
0x59: {  	_ =	shalt  }
0x5a: {  	_ =	shalt  }
0x5b: {  	_ =	shalt  }
0x5c: {  	_ =	shalt  }
0x5d: {  	_ =	shalt  }
0x5e: {  	_ =	shalt  }
0x5f: {  	_ =	shalt  }
0x60: {  	_ =	shalt  }
0x61: {  	_ =	shalt  }
0x62: {  	_ =	shalt  }
0x63: {  	_ =	shalt  }
0x64: {  	_ =	shalt  }
0x65: {  	_ =	shalt  }
0x66: {  	_ =	shalt  }
0x67: {  	_ =	shalt  }
0x68: {  	_ =	shalt  }
0x69: {  	_ =	shalt  }
0x6a: {  	_ =	shalt  }
0x6b: {  	_ =	shalt  }
0x6c: {  	_ =	shalt  }
0x6d: {  	_ =	shalt  }
0x6e: {  	_ =	shalt  }
0x6f: {  	_ =	shalt  }
0x70: {  	_ =	shalt  }
0x71: {  	_ =	shalt  }
0x72: {  	_ =	shalt  }
0x73: {  	_ =	shalt  }
0x74: {  	_ =	shalt  }
0x75: {  	_ =	shalt  }
0x76: {  	_ =	shalt  }
0x77: {  	_ =	shalt  }
0x78: {  	_ =	shalt  }
0x79: {  	_ =	shalt  }
0x7a: {  	_ =	shalt  }
0x7b: {  	_ =	shalt  }
0x7c: {  	_ =	shalt  }
0x7d: {  	_ =	shalt  }
0x7e: {  	_ =	shalt  }
0x7f: {  	_ =	shalt  }
0x80: {  	_ =	shalt  }
0x81: {  	_ =	shalt  }
0x82: {  	_ =	shalt  }
0x83: {  	_ =	shalt  }
0x84: {  	_ =	shalt  }
0x85: {  	_ =	shalt  }
0x86: {  	_ =	shalt  }
0x87: {  	_ =	shalt  }
.Lfunc_end0:
.L_simem_size_0:
called_computation_lowered:
.L_overlay_start_0:
0x88: {  	s2 =	sld [smem:$0x3FD9]  }
0x89: {  	s3 =	sld [smem:$0x3FFE];
	_ =	sdelay $0x1  }
0x8a: {  	s1 =	srdreg.scid  }
0x8b: {  	s0 =	sand.u32 $0x1, s1  }
0x8c: {  	s17 =	sshll.u32 s0, $0xA;
	s2 =	sadd.s32 s3, s2  }
0x8d: {  	s2 =	sadd.s32 s2, s17  }
0x8e: {  	[smem:$0x3FC2] =	sst s2  }
0x8f: {  	_ = 	snop  }
0x90: {  	s2 =	sld [smem:$0x3FD0];
	(tm) =	ssettm $0x1  }
0x91: {  	s18 =	sld [smem:$0x3FFB];
	_ =	sdelay $0x3  }
0x92: {  	_ =	strace s18  }
0x93: {  	s3 =	sld [smem:$0x3FFC];
	_ =	sdelay $0x3  }
0x94: {  	_ =	strace s3  }
0x95: {  	s3 =	sld [smem:$0x3FFD];
	_ =	sdelay $0x3  }
0x96: {  	_ =	strace s3  }
0x97: {  	_ =	strace $0x8FFFFFFF  }
0x98: {  	s19 =	sld [smem:$0x3FDB];
	_ =	sdelay $0x1  }
0x99: {  	s4 =	simm.s32 $_scs_section_size  }
0x9a: {  	s5 =	simm.s32 $_size__tile_overlayer_lowered;
	s6 =	simm.s32 $_tile_overlayer_lowered  }
0x9b: {  	s22 =	simm.s32 $0x1BFF;
	s21 =	sshll.u32 s6, $0x1;
	s3 =	sadd.s32 s4, s19  }
0x9c: {  	s7 =	simm.s32 $0x0;
	s20 =	sshll.u32 s5, $0x1;
	s5 =	sadd.s32 s21, s3  }
0x9d: {  	[timem:s7], [sflag:s22] =	dma.local [hbm:s5], s20  }
0x9e: {  	_ =	swait.ge [sflag:s22], s20  }
0x9f: {  	s4 =	ssub.s32 $0x0, s20;
	[sflag:s22] =	ssyncset.done $0x0  }
0xa0: {  	[sflag:s22] =	ssyncadd.s32 s4;
	_ =	sdelay $0x1  }
0xa1: {  	s23 =	simm.s32 $0x1B8B  }
0xa2: {  	_ =	swait.ge [sflag:s23], $0x1  }
0xa3: {  	[sflag:s23] =	ssyncset.done $0x0  }
0xa4: {  	s25 =	simm.s32 $0x1B8E;
	s24 =	sld [smem:$0x3FFE];
	[sflag:s23] =	ssyncadd.s32 $0xFFFFFFFF  }
0xa5: {  	s26 =	simm.s32 $execute0_lowered;
	[smem:$0x3FD2] =	sst s25  }
0xa6: {  	s5 =	sshll.u32 s26, $0x1;
	_ =	strace $0x80000046;
	[dreg:$0x1] =	wrdreg $0xFFFFFFFF  }
0xa7: {  	s28 =	simm.s32 $_size_execute0_lowered;
	s3 =	sadd.s32 s3, s5;
	[dreg:$0x0] =	wrdreg $0x0  }
0xa8: {  	s5 =	sshll.u32 s28, $0x1;
	[dreg:$0x2] =	wrdreg s3  }
0xa9: {  	[dreg:$0x3] =	wrdreg s5  }
0xaa: {  	[dreg:$0x4] =	wrdreg $0xC0  }
0xab: {  	_ =	task [dreg:s7], $0x5FFFF  }
0xac: {  	[dreg:$0x1] =	wrdreg $0xFFFFFFFF  }
0xad: {  	[dreg:$0x0] =	wrdreg $0x60  }
0xae: {  	[dreg:$0x2] =	wrdreg s2  }
0xaf: {  	[dreg:$0x3] =	wrdreg s24  }
0xb0: {  	[dreg:$0x4] =	wrdreg $0xA2800  }
0xb1: {  	[dreg:$0x5] =	wrdreg $0xA5000  }
0xb2: {  	[dreg:$0x6] =	wrdreg $0x9  }
0xb3: {  	_ =	task.clear_ibuf [dreg:s7], $0x7FFFF;
	_ =	strace $0x90000046  }
0xb4: {  	s29 =	simm.s32 $0x9;
	_ =	strace $0x80000048  }
0xb5: {  	_ =	swait.ge [sflag:s29], $0x1  }
0xb6: {  	[sflag:s29] =	ssyncadd.s32 $0xFFFFFFFF  }
0xb7: {  	_ =	strace $0x90000048  }
0xb8: {  	_ =	sfence  }
0xb9: {  	s30 =	sld [smem:$0x0];
	_ =	sdelay $0x2  }
0xba: {  	s31 =	sshll.u32 s1, $0xD;
	s1 =	sshrl.u32 s1, $0x2  }
0xbb: {  	s3 =	sand.u32 $0x4000, s31;
	s1 =	sadd.s32 s1, s30  }
0xbc: {  	s0 =	sor.u32 s3, s0;
	s1 =	sshll.u32 s1, $0x11  }
0xbd: {  	s0 =	sor.u32 s1, s0  }
0xbe: {  	s0 =	sadd.s32 $0x8F2B, s0  }
0xbf: {  	[sflag:s0] =	ssyncadd.remote.s32 $0x1  }
0xc0: {  	_ =	sfence.sel $0xFFFF  }
0xc1: {  	[dreg:$0x0] =	wrdreg $0xFFFFFFFF;
	(pc) =	sbr.abs _section_cstart, $3  }
0xc2: {  	[dreg:$0x1] =	wrdreg $0xFFFFFFFF  }
0xc3: {  	_ =	task.clear_ibuf [dreg:s7], $0x2FFFF;
	_ =	strace $0x9FFFFFFF  }
0xc4: {  	(tm) =	ssettm $0x7FFFFFFF  }
0xc5: {  	_ =	shalt  }
tec
execute0_lowered:
.L_overlay_start_1:
0x0: {  	(tag) =	ssettag $0x1  }
0x1: {  	s1 =	rddreg [dreg:$0x0]  }
0x2: {  	s0 =	srdreg.scid;
	s6 =	rddreg [dreg:$0x1]  }
0x3: {  	s13 =	stileid.u32;
	s2 =	rddreg [dreg:$0x2]  }
0x4: {  	s14 =	simm.s32 $0x1;
	s17 =	simm.s32 $0x5000;
	s18 =	simm.s32 $0x5280  }
0x5: {  	s19 =	simm.s32 $0x7A80;
	s20 =	simm.s32 $0x80;
	s21 =	simm.s32 $0x5080  }
0x6: {  	s24 =	simm.s32 $0x5100;
	s28 =	simm.s32 $0x5180;
	s29 =	simm.s32 $0x6A80  }
0x7: {  	s30 =	simm.s32 $0x9280;
	s31 =	simm.s32 $0x5200;
	s16 =	simm.s32 $0x0  }
0x8: {  	s0 =	sand.u32 $0x1, s0;
	s9 =	smul.u32 $0x280, s13;
	s25 =	sshll.u32 s13, $0x6  }
0x9: {  	s3 =	sshll.u32 s0, $0x4;
	s5 =	smul.u32 $0x2800, s0;
	s0 =	ssub.s32 $0x2, s0  }
0xa: {  	s4 =	sor.u32 s13, s3;
	s3 =	rddreg [dreg:$0x3];
	s7 =	sshrl.u32 s9, $0x3  }
0xb: {  	s12 =	sshrl.u32 s0, $0x1;
	s26 =	sadd.s32 s9, s2;
	s8 =	smul.u32 $0x500, s4  }
0xc: {  	s4 =	simm.s32 $0x0;
	s7 =	sadd.s32 s7, s6;
	s11 =	sadd.s32 s9, s5  }
0xd: {  	s5 =	sadd.s32 $0x2600, s6;
	s0 =	ssub.s32 s0, s12;
	s15 =	sadd.s32 s9, s3  }
0xe: {  	s13 =	sshrl.u32 s26, $0x3;
	s26 =	simm.s32 $0x8A80;
	[smem:$0x7FF] =	sst s4  }
0xf: {  	s11 =	sshrl.u32 s11, $0x3;
	s12 =	smax.u32 s0, $0x1;
	s15 =	sshrl.u32 s15, $0x3  }
0x10: {  	s0 =	simm.s32 $0x9A80;
	_ =	strace $0x80000047;
	s10 =	sadd.s32 s8, s6  }
0x11: {  	s11 =	sadd.s32 s11, s6;
	s6 =	sadd.s32 $0xC800, s7;
	s7 =	sor.u32 $0x1C01, s25  }
0x12: {  	s8 =	sadd.s32 s1, s8;
	s25 =	simm.s32 $0x6280;
	s1 =	simm.s32 $0x7280  }
0x13: {  	v0 =	vimm.f32 $0.0e+00;
	v1 =	vimm.f32 $1.000000000e+00;
	s9 =	sadd.s32 $0x2800, s10;
	s10 =	sadd.s32 $0xCE00, s11;
	s11 =	sadd.s32 $0xD800, s11  }
.LBB2_1:
0x14: {  	[spmem:s13], [sflag:s7] =	dma.local [hbm:s6], $0x50  }
0x15: {  	_ =	swait.ge [sflag:s14], $0x50  }
0x16: {  	[sflag:s14] =	ssyncset.done $0x0  }
0x17: {  	[sflag:s14] =	ssyncadd.s32 $0xFFFFFFB0  }
0x18: {  	[spmem:s15], [sflag:s7] =	dma.local [hbm:s6], $0x50  }
0x19: {  	_ =	swait.ge [sflag:s14], $0x50  }
0x1a: {  	[sflag:s14] =	ssyncset.done $0x0  }
0x1b: {  	[sflag:s14] =	ssyncadd.s32 $0xFFFFFFB0  }
0x1c: {  	[tilespmem:s4], [sflag:$0x1] =	stream.linear.gather [hbm4b:s8+s4], $0x2800, $0x38;
	[tilespmem:$0xA780] =	vst v63  }
0x1d: {  	_ =	swait.ge [sflag:s14], $0x2800  }
0x1e: {  	[sflag:s14] =	ssyncset.done $0x0  }
0x1f: {  	s22 =	simm.s32 $0x2800;
	[sflag:s14] =	ssyncadd.s32 $0xFFFFD800  }
0x20: {  	[tilespmem:s22], [sflag:$0x1] =	stream.linear.gather [hbm4b:s9+s4], $0x2800, $0x38;
	[tilespmem:$0xA780] =	vst v63  }
0x21: {  	_ =	swait.ge [sflag:s14], $0x2800  }
0x22: {  	[sflag:s14] =	ssyncset.done $0x0  }
0x23: {  	[sflag:s14] =	ssyncadd.s32 $0xFFFFD800  }
0x24: {  	[tilespmem:s17], [sflag:$0x1] =	stream.linear.gather [hbm4b:s5+s4], $0x280, $0x38;
	[tilespmem:$0xA780] =	vst v63  }
0x25: {  	_ =	swait.ge [sflag:s14], $0x280  }
0x26: {  	[sflag:s14] =	ssyncset.done $0x0  }
0x27: {  	s22 =	simm.s32 $0x0;
	[sflag:s14] =	ssyncadd.s32 $0xFFFFFD80  }
.LBB2_2:
0x28: {  	p0 =	sne.s32 s22, $0x9FC0  }
.Ltmp0:
0x29: {  	_ = 	snop;
	(pc) =	sbr.rel @p0 .LBB2_2-.Ltmp0, $4  }
0x2a: {  	_ = 	snop  }
0x2b: {  	s23 =	sshra.s32 s22, $0x2  }
0x2c: {  	[tilespmem:s23+$0x5280] =	vst v0  }
0x2d: {  	s22 =	sadd.s32 $0x40, s22;
	[tilespmem:s23+$0x7A80] =	vst v0  }
0x2e: {  	s22 =	simm.s32 $0x0  }
.LBB2_4:
0x2f: {  	s23 =	sshra.s32 s22, $0x2  }
0x30: {  	v2 =	vld [tilespmem:s23+$0x0];
	_ =	sdelay $0x7  }
0x31: {  	[tilespmem:v2+s18+$0x0] =	vst.idx.add.f32.msk $0xffff, v1  }
0x32: {  	v2 =	vld [tilespmem:s23+$0x2800];
	_ =	sdelay $0x7  }
0x33: {  	[tilespmem:v2+s19+$0x0] =	vst.idx.add.f32.msk $0xffff, v1  }
0x34: {  	v2 =	vld [tilespmem:s23+$0x10];
	_ =	sdelay $0x7  }
0x35: {  	[tilespmem:v2+s18+$0x0] =	vst.idx.add.f32.msk $0xffff, v1  }
0x36: {  	v2 =	vld [tilespmem:s23+$0x2810];
	_ =	sdelay $0x7  }
0x37: {  	[tilespmem:v2+s19+$0x0] =	vst.idx.add.f32.msk $0xffff, v1  }
0x38: {  	v2 =	vld [tilespmem:s23+$0x20];
	_ =	sdelay $0x7  }
0x39: {  	[tilespmem:v2+s18+$0x0] =	vst.idx.add.f32.msk $0xffff, v1  }
0x3a: {  	v2 =	vld [tilespmem:s23+$0x2820];
	_ =	sdelay $0x7  }
0x3b: {  	[tilespmem:v2+s19+$0x0] =	vst.idx.add.f32.msk $0xffff, v1  }
0x3c: {  	v2 =	vld [tilespmem:s23+$0x30];
	_ =	sdelay $0x7  }
0x3d: {  	[tilespmem:v2+s18+$0x0] =	vst.idx.add.f32.msk $0xffff, v1  }
0x3e: {  	v2 =	vld [tilespmem:s23+$0x2830];
	_ =	sdelay $0x7  }
0x3f: {  	[tilespmem:v2+s19+$0x0] =	vst.idx.add.f32.msk $0xffff, v1  }
0x40: {  	v2 =	vld [tilespmem:s23+$0x40];
	_ =	sdelay $0x7  }
0x41: {  	[tilespmem:v2+s18+$0x0] =	vst.idx.add.f32.msk $0xffff, v1  }
0x42: {  	v2 =	vld [tilespmem:s23+$0x2840];
	_ =	sdelay $0x7  }
0x43: {  	[tilespmem:v2+s19+$0x0] =	vst.idx.add.f32.msk $0xffff, v1  }
0x44: {  	v2 =	vld [tilespmem:s23+$0x50];
	_ =	sdelay $0x7  }
0x45: {  	[tilespmem:v2+s18+$0x0] =	vst.idx.add.f32.msk $0xffff, v1  }
0x46: {  	v2 =	vld [tilespmem:s23+$0x2850];
	_ =	sdelay $0x7  }
0x47: {  	[tilespmem:v2+s19+$0x0] =	vst.idx.add.f32.msk $0xffff, v1  }
0x48: {  	v2 =	vld [tilespmem:s23+$0x60];
	_ =	sdelay $0x7  }
0x49: {  	[tilespmem:v2+s18+$0x0] =	vst.idx.add.f32.msk $0xffff, v1  }
0x4a: {  	v2 =	vld [tilespmem:s23+$0x2860];
	_ =	sdelay $0x7  }
0x4b: {  	[tilespmem:v2+s19+$0x0] =	vst.idx.add.f32.msk $0xffff, v1  }
0x4c: {  	v2 =	vld [tilespmem:s23+$0x70];
	_ =	sdelay $0x7  }
0x4d: {  	[tilespmem:v2+s18+$0x0] =	vst.idx.add.f32.msk $0xffff, v1  }
0x4e: {  	v2 =	vld [tilespmem:s23+$0x2870];
	_ =	sdelay $0x2  }
0x4f: {  	p0 =	sne.s32 s22, $0x9E00  }
.Ltmp1:
0x50: {  	_ = 	snop;
	(pc) =	sbr.rel @p0 .LBB2_4-.Ltmp1, $2  }
0x51: {  	_ =	sdelay $0x2  }
0x52: {  	s22 =	sadd.s32 $0x200, s22;
	[tilespmem:v2+s19+$0x0] =	vst.idx.add.f32.msk $0xffff, v1  }
0x53: {  	[bflag:$0x0] =	sbarrier.arrive $0xFFFF  }
0x54: {  	[spmem:s2] =	stream.indirect.scatter.add.f32 [tilespmem:s18], [sflag:$0x1], $0x10, s17, s20, $0xb8;
	[tilespmem:$0xA780] =	vst v63  }
0x55: {  	_ =	swait.ge [sflag:s14], $0x800  }
0x56: {  	[sflag:s14] =	ssyncset.done $0x0  }
0x57: {  	[sflag:s14] =	ssyncadd.s32 $0xFFFFF800  }
0x58: {  	[spmem:s3] =	stream.indirect.scatter.add.f32 [tilespmem:s19], [sflag:$0x1], $0x10, s17, s20, $0xb8;
	[tilespmem:$0xA780] =	vst v63  }
0x59: {  	_ =	swait.ge [sflag:s14], $0x800  }
0x5a: {  	[sflag:s14] =	ssyncset.done $0x0  }
0x5b: {  	s22 =	simm.s32 $0x5A80;
	[sflag:s14] =	ssyncadd.s32 $0xFFFFF800  }
0x5c: {  	[spmem:s2] =	stream.indirect.scatter.add.f32 [tilespmem:s22], [sflag:$0x1], $0x10, s21, s20, $0xb8;
	[tilespmem:$0xA780] =	vst v63  }
0x5d: {  	_ =	swait.ge [sflag:s14], $0x800  }
0x5e: {  	[sflag:s14] =	ssyncset.done $0x0  }
0x5f: {  	s23 =	simm.s32 $0x8280;
	[sflag:s14] =	ssyncadd.s32 $0xFFFFF800  }
0x60: {  	[spmem:s3] =	stream.indirect.scatter.add.f32 [tilespmem:s23], [sflag:$0x1], $0x10, s21, s20, $0xb8;
	[tilespmem:$0xA780] =	vst v63  }
0x61: {  	_ =	swait.ge [sflag:s14], $0x800  }
0x62: {  	[sflag:s14] =	ssyncset.done $0x0  }
0x63: {  	[sflag:s14] =	ssyncadd.s32 $0xFFFFF800  }
0x64: {  	[spmem:s2] =	stream.indirect.scatter.add.f32 [tilespmem:s25], [sflag:$0x1], $0x10, s24, s20, $0xb8;
	[tilespmem:$0xA780] =	vst v63  }
0x65: {  	_ =	swait.ge [sflag:s14], $0x800  }
0x66: {  	[sflag:s14] =	ssyncset.done $0x0  }
0x67: {  	[sflag:s14] =	ssyncadd.s32 $0xFFFFF800  }
0x68: {  	[spmem:s3] =	stream.indirect.scatter.add.f32 [tilespmem:s26], [sflag:$0x1], $0x10, s24, s20, $0xb8;
	[tilespmem:$0xA780] =	vst v63  }
0x69: {  	_ =	swait.ge [sflag:s14], $0x800  }
0x6a: {  	[sflag:s14] =	ssyncset.done $0x0  }
0x6b: {  	[sflag:s14] =	ssyncadd.s32 $0xFFFFF800  }
0x6c: {  	[spmem:s2] =	stream.indirect.scatter.add.f32 [tilespmem:s29], [sflag:$0x1], $0x10, s28, s20, $0xb8;
	[tilespmem:$0xA780] =	vst v63  }
0x6d: {  	_ =	swait.ge [sflag:s14], $0x800  }
0x6e: {  	[sflag:s14] =	ssyncset.done $0x0  }
0x6f: {  	[sflag:s14] =	ssyncadd.s32 $0xFFFFF800  }
0x70: {  	[spmem:s3] =	stream.indirect.scatter.add.f32 [tilespmem:s30], [sflag:$0x1], $0x10, s28, s20, $0xb8;
	[tilespmem:$0xA780] =	vst v63  }
0x71: {  	_ =	swait.ge [sflag:s14], $0x800  }
0x72: {  	[sflag:s14] =	ssyncset.done $0x0  }
0x73: {  	[sflag:s14] =	ssyncadd.s32 $0xFFFFF800  }
0x74: {  	[spmem:s2] =	stream.indirect.scatter.add.f32 [tilespmem:s1], [sflag:$0x1], $0x10, s31, s20, $0xb8;
	[tilespmem:$0xA780] =	vst v63  }
0x75: {  	_ =	swait.ge [sflag:s14], $0x800  }
0x76: {  	[sflag:s14] =	ssyncset.done $0x0  }
0x77: {  	[sflag:s14] =	ssyncadd.s32 $0xFFFFF800  }
0x78: {  	[spmem:s3] =	stream.indirect.scatter.add.f32 [tilespmem:s0], [sflag:$0x1], $0x10, s31, s20, $0xb8;
	[tilespmem:$0xA780] =	vst v63  }
0x79: {  	_ =	swait.ge [sflag:s14], $0x800  }
0x7a: {  	[sflag:s14] =	ssyncset.done $0x0  }
0x7b: {  	[sflag:s14] =	ssyncadd.s32 $0xFFFFF800  }
0x7c: {  	[bflag:$0x0] =	sbarrier.arrive $0xFFFF  }
0x7d: {  	[hbm:s10], [sflag:s7] =	dma.local [spmem:s13], $0x50  }
0x7e: {  	s16 =	sadd.s32 $0x1, s16;
	_ =	swait.ge [sflag:s14], $0x50  }
0x7f: {  	p0 =	sne.s32 s16, s12;
	[sflag:s14] =	ssyncset.done $0x0  }
.Ltmp2:
0x80: {  	[sflag:s14] =	ssyncadd.s32 $0xFFFFFFB0;
	(pc) =	sbr.rel @p0 .LBB2_1-.Ltmp2, $4  }
0x81: {  	[hbm:s11], [sflag:s7] =	dma.local [spmem:s15], $0x50  }
0x82: {  	_ =	swait.ge [sflag:s14], $0x50  }
0x83: {  	[sflag:s14] =	ssyncset.done $0x0  }
0x84: {  	[sflag:s14] =	ssyncadd.s32 $0xFFFFFFB0  }
0x85: {  	_ =	sfence.sel $0x180000  }
0x86: {  	[bflag:$0x0] =	sbarrier.arrive $0xFFFF  }
0x87: {  	_ =	strace $0x90000047  }
0x88: {  	s0 =	stileid.u32;
	[bflag:$0x2] =	sbarrier.arrive $0xFFFF  }
0x89: {  	p0 =	sne.s32 s0, $0x0;
	s0 =	rddreg [dreg:$0x4]  }
0x8a: {  	s0 =	sadd.s32 @!p0 $0x100000, s0  }
0x8b: {  	[sflag:s0] =	ssyncadd.tile.s32 @!p0 $0x1;
	_ =	shalt  }
.Lfunc_end2:
_tile_overlayer_lowered:
.L_overlay_start_2:
0x8c: {  	(tag) =	ssettag $0x2  }
0x8d: {  	s0 =	rddreg [dreg:$0x0];
	s2 =	stileid.u32  }
0x8e: {  	s1 =	rddreg [dreg:$0x1];
	p0 =	sne.s32 s2, $0x0  }
0x8f: {  	s3 =	rddreg [dreg:$0x2];
	[bflag:$0x3] =	sbarrier.arrive $0xFFFF;
	s2 =	simm.s32 @!p0 $0x1C01  }
0x90: {  	[timem:s3], [sflag:s2] =	dma.local @!p0 [hbm:s0], s1  }
0x91: {  	s0 =	simm.s32 @!p0 $0x1  }
0x92: {  	_ =	swait.ge @!p0 [sflag:s0], s1  }
0x93: {  	s1 =	ssub.s32 @!p0 $0x0, s1;
	[sflag:s0] =	ssyncset.done @!p0 $0x0  }
0x94: {  	[sflag:s0] =	ssyncadd.s32 @!p0 s1  }
0x95: {  	[bflag:$0x3] =	sbarrier.arrive $0xFFFF  }
0x96: {  	_ =	shalt  }

</sc_bundles>
